<compile_context>
chip_gen: v7x
topology: tpu7x:2x2x1
jax: 0.10.2.dev20260603
libtpu: 0.0.44.dev20260713+nightly
codegen_flags: <defaults>
</compile_context>

<pallas_src>
import functools

import jax
import jax.numpy as jnp
from jax import lax
from jax.experimental import pallas as pl
from jax.experimental.pallas import tpu as pltpu
from jax.experimental.pallas import tpu_sc as plsc

N = 10000
E = 320000
D = 128
ALPHA = 0.5

NS = 16
LANES = 16

N_PAD = 10240
ROWS_PER_TILE = N_PAD // NS
CHUNK = 128
_CPT = -(-E // (NS * CHUNK))
CHUNKS_PER_TILE = -(-_CPT // 8) * 8
E_PAD = NS * CHUNKS_PER_TILE * CHUNK
IDX_ROWS = E_PAD // CHUNK
QCH = 40

ROW_BLK = 1024


def _mm_body(x_ref, ws_ref, wd_ref, ya_ref, yb_ref):
    x = x_ref[...]
    dn = (((1,), (1,)), ((), ()))
    ya_ref[...] = ALPHA * lax.dot_general(
        x, ws_ref[...], dn, preferred_element_type=jnp.float32)
    yb_ref[...] = (1.0 - ALPHA) * lax.dot_general(
        x, wd_ref[...], dn, preferred_element_type=jnp.float32)


def _matmul(x_pad, W_src, W_dst):
    return pl.pallas_call(
        _mm_body,
        grid=(N_PAD // ROW_BLK,),
        in_specs=[
            pl.BlockSpec((ROW_BLK, D), lambda i: (i, 0)),
            pl.BlockSpec((D, D), lambda i: (0, 0)),
            pl.BlockSpec((D, D), lambda i: (0, 0)),
        ],
        out_specs=[
            pl.BlockSpec((ROW_BLK, D), lambda i: (i, 0)),
            pl.BlockSpec((ROW_BLK, D), lambda i: (i, 0)),
        ],
        out_shape=[jax.ShapeDtypeStruct((N_PAD, D), jnp.float32)] * 2,
    )(x_pad, W_src, W_dst)


def _scale_body(ya_ref, yb_ref, da_ref, db_ref, za_ref, zb_ref, xa_ref, xb_ref):
    da = da_ref[...]
    db = db_ref[...]
    disa = jnp.where(da > 0, lax.rsqrt(da), 0.0)
    disb = jnp.where(db > 0, lax.rsqrt(db), 0.0)
    xa_ref[...] = disa
    xb_ref[...] = disb
    za_ref[...] = disa * ya_ref[...]
    zb_ref[...] = disb * yb_ref[...]


def _scale(yA, yB, degA, degB):
    return pl.pallas_call(
        _scale_body,
        grid=(N_PAD // ROW_BLK,),
        in_specs=[
            pl.BlockSpec((ROW_BLK, D), lambda i: (i, 0)),
            pl.BlockSpec((ROW_BLK, D), lambda i: (i, 0)),
            pl.BlockSpec((ROW_BLK, 1), lambda i: (i, 0)),
            pl.BlockSpec((ROW_BLK, 1), lambda i: (i, 0)),
        ],
        out_specs=[
            pl.BlockSpec((ROW_BLK, D), lambda i: (i, 0)),
            pl.BlockSpec((ROW_BLK, D), lambda i: (i, 0)),
            pl.BlockSpec((ROW_BLK, 1), lambda i: (i, 0)),
            pl.BlockSpec((ROW_BLK, 1), lambda i: (i, 0)),
        ],
        out_shape=[
            jax.ShapeDtypeStruct((N_PAD, D), jnp.float32),
            jax.ShapeDtypeStruct((N_PAD, D), jnp.float32),
            jax.ShapeDtypeStruct((N_PAD, 1), jnp.float32),
            jax.ShapeDtypeStruct((N_PAD, 1), jnp.float32),
        ],
    )(yA, yB, degA, degB)


def _final_body(aa_ref, ab_ref, da_ref, db_ref, bs_ref, bd_ref, out_ref):
    bias = ALPHA * bs_ref[...] + (1.0 - ALPHA) * bd_ref[...]
    out_ref[...] = (da_ref[...] * aa_ref[...]
                    + db_ref[...] * ab_ref[...] + bias)


def _final(accA, accB, disA, disB, b_src, b_dst):
    return pl.pallas_call(
        _final_body,
        grid=(N_PAD // ROW_BLK,),
        in_specs=[
            pl.BlockSpec((ROW_BLK, D), lambda i: (i, 0)),
            pl.BlockSpec((ROW_BLK, D), lambda i: (i, 0)),
            pl.BlockSpec((ROW_BLK, 1), lambda i: (i, 0)),
            pl.BlockSpec((ROW_BLK, 1), lambda i: (i, 0)),
            pl.BlockSpec((1, D), lambda i: (0, 0)),
            pl.BlockSpec((1, D), lambda i: (0, 0)),
        ],
        out_specs=pl.BlockSpec((ROW_BLK, D), lambda i: (i, 0)),
        out_shape=jax.ShapeDtypeStruct((N_PAD, D), jnp.float32),
    )(accA, accB, disA, disB, b_src, b_dst)


def _hist(col2d, row2d):
    mesh = plsc.VectorSubcoreMesh(core_axis_name="c", subcore_axis_name="s")

    @functools.partial(
        pl.kernel,
        mesh=mesh,
        out_type=[jax.ShapeDtypeStruct((N_PAD,), jnp.float32)] * 2,
        scratch_types=[
            pltpu.VMEM((CHUNKS_PER_TILE, CHUNK), jnp.int32),
            pltpu.VMEM((ROWS_PER_TILE,), jnp.float32),
            pltpu.VMEM((CHUNK,), jnp.float32),
            pltpu.VMEM_SHARED((N_PAD,), jnp.float32),
            pltpu.SemaphoreType.DMA,
        ],
    )
    def hist_kernel(col_hbm, row_hbm, dega_hbm, degb_hbm,
                    ibuf, stage, ones, deg_sh, hsem):
        c = lax.axis_index("c")
        s = lax.axis_index("s")

        @pl.loop(0, ROWS_PER_TILE // LANES)
        def _(k):
            stage[pl.ds(k * LANES, LANES)] = jnp.zeros((LANES,), jnp.float32)

        for k in range(CHUNK // LANES):
            ones[pl.ds(k * LANES, LANES)] = jnp.ones((LANES,), jnp.float32)

        pltpu.sync_copy(stage, deg_sh.at[pl.ds(s * ROWS_PER_TILE, ROWS_PER_TILE)])
        plsc.subcore_barrier()

        def count(src_hbm):
            pltpu.sync_copy(
                src_hbm.at[pl.ds(s * CHUNKS_PER_TILE, CHUNKS_PER_TILE)], ibuf)

            @pl.loop(0, CHUNKS_PER_TILE // 8)
            def _(jo):
                for i in range(8):
                    pltpu.async_copy(
                        ones, deg_sh.at[ibuf.at[jo * 8 + i]], hsem, add=True)
                for i in range(8):
                    pltpu.make_async_copy(
                        ones, deg_sh.at[ibuf.at[0]], hsem).wait()

        @pl.when(c == 0)
        def _():
            count(col_hbm)

        @pl.when(c == 1)
        def _():
            count(row_hbm)

        plsc.subcore_barrier()

        def writeout(dst_hbm):
            sl = pl.ds(s * ROWS_PER_TILE, ROWS_PER_TILE)
            pltpu.sync_copy(deg_sh.at[sl], stage)
            pltpu.sync_copy(stage, dst_hbm.at[sl])

        @pl.when(c == 0)
        def _():
            writeout(dega_hbm)

        @pl.when(c == 1)
        def _():
            writeout(degb_hbm)

    return hist_kernel(col2d, row2d)


def _gather_scatter(zA, zB, col2d, row2d):
    mesh = plsc.VectorSubcoreMesh(core_axis_name="c", subcore_axis_name="s")

    @functools.partial(
        pl.kernel,
        mesh=mesh,
        out_type=[jax.ShapeDtypeStruct((N_PAD, D), jnp.float32)] * 2,
        scratch_types=[
            pltpu.VMEM((QCH, CHUNK), jnp.int32),
            pltpu.VMEM((QCH, CHUNK), jnp.int32),
            pltpu.VMEM((CHUNK, D), jnp.float32),
            pltpu.VMEM((CHUNK, D), jnp.float32),
            pltpu.VMEM_SHARED((N_PAD, D), jnp.float32),
            pltpu.SemaphoreType.DMA,
            pltpu.SemaphoreType.DMA,
            pltpu.SemaphoreType.DMA,
            pltpu.SemaphoreType.DMA,
        ],
    )
    def gs_kernel(za_hbm, zb_hbm, col_hbm, row_hbm, acca_hbm, accb_hbm,
                  sibuf, dibuf, rows, rows2, acc_sh,
                  gsem0, gsem1, ssem0, ssem1):
        c = lax.axis_index("c")
        s = lax.axis_index("s")

        @pl.loop(0, CHUNK)
        def _(r):
            for k in range(D // LANES):
                rows[r, pl.ds(k * LANES, LANES)] = jnp.zeros((LANES,), jnp.float32)

        for k in range(ROWS_PER_TILE // CHUNK):
            pltpu.sync_copy(
                rows, acc_sh.at[pl.ds(s * ROWS_PER_TILE + k * CHUNK, CHUNK)])
        plsc.subcore_barrier()

        def aggregate(src_hbm, dst_hbm, z_hbm):
            base = s * CHUNKS_PER_TILE
            bufs = (rows, rows2)
            gsems = (gsem0, gsem1)
            ssems = (ssem0, ssem1)

            def g_issue(cj, b):
                pltpu.async_copy(z_hbm.at[sibuf.at[cj]], bufs[b], gsems[b])

            def g_wait(b):
                pltpu.make_async_copy(
                    z_hbm.at[sibuf.at[0]], bufs[b], gsems[b]).wait()

            def s_issue(cj, b):
                pltpu.async_copy(
                    bufs[b], acc_sh.at[dibuf.at[cj]], ssems[b], add=True)

            def s_wait(b):
                pltpu.make_async_copy(
                    bufs[b], acc_sh.at[dibuf.at[0]], ssems[b]).wait()

            @pl.loop(0, CHUNKS_PER_TILE // QCH)
            def _(q):
                qb = base + q * QCH
                pltpu.sync_copy(src_hbm.at[pl.ds(qb, QCH)], sibuf)
                pltpu.sync_copy(dst_hbm.at[pl.ds(qb, QCH)], dibuf)
                g_issue(0, 0)
                g_issue(1, 1)

                @pl.loop(0, QCH // 8)
                def _(jo):
                    for i in range(8):
                        b = i % 2
                        cj = jo * 8 + i
                        g_wait(b)
                        s_issue(cj, b)
                        s_wait(b)
                        if i < 6:
                            g_issue(cj + 2, b)
                        else:
                            @pl.when(jo < QCH // 8 - 1)
                            def _():
                                g_issue(cj + 2, b)

        @pl.when(c == 0)
        def _():
            aggregate(col_hbm, row_hbm, za_hbm)

        @pl.when(c == 1)
        def _():
            aggregate(row_hbm, col_hbm, zb_hbm)

        plsc.subcore_barrier()

        def writeout(acc_hbm):
            for k in range(ROWS_PER_TILE // CHUNK):
                sl = pl.ds(s * ROWS_PER_TILE + k * CHUNK, CHUNK)
                pltpu.sync_copy(acc_sh.at[sl], rows)
                pltpu.sync_copy(rows, acc_hbm.at[sl])

        @pl.when(c == 0)
        def _():
            writeout(acca_hbm)

        @pl.when(c == 1)
        def _():
            writeout(accb_hbm)

    return gs_kernel(zA, zB, col2d, row2d)


def kernel(x, edge_index, W_src, b_src, W_dst, b_dst):
    row = edge_index[0].astype(jnp.int32)
    col = edge_index[1].astype(jnp.int32)
    pad = jnp.full((E_PAD - E,), N_PAD - 1, jnp.int32)
    col2d = jnp.concatenate([col, pad]).reshape(IDX_ROWS, CHUNK)
    row2d = jnp.concatenate([row, pad]).reshape(IDX_ROWS, CHUNK)
    x_pad = jnp.pad(x, ((0, N_PAD - N), (0, 0)))

    degA, degB = _hist(col2d, row2d)
    yA, yB = _matmul(x_pad, W_src, W_dst)
    zA, zB, disA, disB = _scale(
        yA, yB, degA.reshape(N_PAD, 1), degB.reshape(N_PAD, 1))
    accA, accB = _gather_scatter(zA, zB, col2d, row2d)
    out = _final(accA, accB, disA, disB,
                 b_src.reshape(1, D), b_dst.reshape(1, D))
    return out[:N]

# --- scband reference (transcript-rebuilt; emitter-appended) ---
"""Pipeline reference for scband-dir-gcnconv-61942018343495 (READ-ONLY COPY).

The authoritative reference and input builder live on the scoring server;
editing this copy changes nothing except your own understanding.
"""

import jax, jax.numpy as jnp
import numpy as np

N_NODES = 10000
N_EDGES = 320000
D = 128
ALPHA = 0.5


def setup_inputs(seed: int = 0) -> dict:
    key = jax.random.key(seed)
    k1, k2, k3, k4, k5, k6 = jax.random.split(key, 6)
    x = jax.random.normal(k1, (N_NODES, D), dtype=jnp.float32)
    edge_index = jax.random.randint(k2, (2, N_EDGES), 0, N_NODES, dtype=jnp.int64)
    bound = 1.0 / np.sqrt(D)
    W_src = jax.random.uniform(k3, (D, D), dtype=jnp.float32, minval=-bound, maxval=bound)
    b_src = jax.random.uniform(k4, (D,), dtype=jnp.float32, minval=-bound, maxval=bound)
    W_dst = jax.random.uniform(k5, (D, D), dtype=jnp.float32, minval=-bound, maxval=bound)
    b_dst = jax.random.uniform(k6, (D,), dtype=jnp.float32, minval=-bound, maxval=bound)
    return {"x": x, "edge_index": edge_index, "W_src": W_src, "b_src": b_src, "W_dst": W_dst, "b_dst": b_dst}


def reference(x, edge_index, W_src, b_src, W_dst, b_dst):
    num_nodes = x.shape[0]
    row = edge_index[0]
    col = edge_index[1]

    # forward direction: A_forward has indices (row, col), normalized by in-degree on col
    deg = jnp.bincount(col, length=num_nodes).astype(jnp.float32)
    deg_inv_sqrt = jnp.where(deg > 0, deg ** -0.5, 0.0)
    norm_forward = deg_inv_sqrt[row] * deg_inv_sqrt[col]
    # torch.sparse.mm(A_forward, x): out[row] += norm * x[col]
    out_forward = jnp.zeros((num_nodes, x.shape[1]), dtype=x.dtype).at[row].add(norm_forward[:, None] * x[col])

    # backward direction: row_rev = col, col_rev = row
    deg_rev = jnp.bincount(row, length=num_nodes).astype(jnp.float32)
    deg_inv_sqrt_rev = jnp.where(deg_rev > 0, deg_rev ** -0.5, 0.0)
    norm_backward = deg_inv_sqrt_rev[col] * deg_inv_sqrt_rev[row]
    # A_backward indices (col, row): out[col] += norm * x[row]
    out_backward = jnp.zeros((num_nodes, x.shape[1]), dtype=x.dtype).at[col].add(norm_backward[:, None] * x[row])

    lin_fwd = out_forward @ W_src.T + b_src
    lin_bwd = out_backward @ W_dst.T + b_dst
    out = ALPHA * lin_fwd + (1.0 - ALPHA) * lin_bwd
    return out

if __name__ == "__main__":
    import jax
    _d = setup_inputs()
    print(jax.jit(kernel)(*tuple(_d.values())))

</pallas_src>

<mosaic_0001>
#map = affine_map<(d0, d1) -> (0, 0)>
module attributes {stable_mosaic.version = 14 : i64} {
  func.func @gs_kernel(%arg0: i32, %arg1: i32, %arg2: memref<10240x128xf32, #tpu.memory_space<hbm>>, %arg3: memref<10240x128xf32, #tpu.memory_space<hbm>>, %arg4: memref<2560x128xi32, #tpu.memory_space<hbm>>, %arg5: memref<2560x128xi32, #tpu.memory_space<hbm>>, %arg6: memref<10240x128xf32, #tpu.memory_space<hbm>>, %arg7: memref<10240x128xf32, #tpu.memory_space<hbm>>, %arg8: memref<40x128xi32, #tpu.memory_space<vmem>>, %arg9: memref<40x128xi32, #tpu.memory_space<vmem>>, %arg10: memref<128x128xf32, #tpu.memory_space<vmem>>, %arg11: memref<128x128xf32, #tpu.memory_space<vmem>>, %arg12: memref<10240x128xf32, #tpu.memory_space<vmem_shared>>, %arg13: memref<!tpu.dma_semaphore, #tpu.memory_space<semaphore_mem>>, %arg14: memref<!tpu.dma_semaphore, #tpu.memory_space<semaphore_mem>>, %arg15: memref<!tpu.dma_semaphore, #tpu.memory_space<semaphore_mem>>, %arg16: memref<!tpu.dma_semaphore, #tpu.memory_space<semaphore_mem>>) attributes {dimension_semantics = [#tpu.dimension_semantics<core_parallel>, #tpu.dimension_semantics<subcore_parallel>], iteration_bounds = array<i64: 2, 16>, scalar_prefetch = 0 : i64, scratch_operands = 9 : i64, tpu.core_type = #tpu.core_type<sc_vector_subcore>, window_params = [{transform_indices = #map}, {transform_indices = #map}, {transform_indices = #map}, {transform_indices = #map}, {transform_indices = #map}, {transform_indices = #map}]} {
    %scan3A = arith.constant 0 : i32
    %scan3A_0 = arith.constant 128 : i32
    %scan3A_1 = arith.addi %scan3A, %scan3A_0 : i32
    %scan3A_2 = arith.constant 1 : i32
    scf.for %scan3A_40 = %scan3A to %scan3A_1 step %scan3A_2  : i32 {
      %mul3A_41 = arith.constant 1 : i32
      %mul3A_42 = arith.muli %scan3A_40, %mul3A_41 : i32
      %add3A_43 = arith.constant 0 : i32
      %add3A_44 = arith.addi %add3A_43, %mul3A_42 : i32
      %broadcast_in_dim3A = arith.constant 0.000000e+00 : f32
      %broadcast_in_dim3A_45 = vector.broadcast %broadcast_in_dim3A : f32 to vector<16xf32>
      %swap3A = arith.index_cast %add3A_44 : i32 to index
      %swap3A_46 = arith.constant 0 : index
      %swap3A_47 = tpu.vector_load %arg10[%swap3A, %swap3A_46] {strides = array<i32>} : memref<128x128xf32, #tpu.memory_space<vmem>>, vector<1x16xf32>,
      %swap3A_48 = vector.shape_cast %swap3A_47 : vector<1x16xf32> to vector<16xf32>
      %swap3A_49 = vector.shape_cast %broadcast_in_dim3A_45 : vector<16xf32> to vector<1x16xf32>
      tpu.vector_store %arg10[%swap3A, %swap3A_46], %swap3A_49 {strides = array<i32>} : memref<128x128xf32, #tpu.memory_space<vmem>>, vector<1x16xf32>,
      %broadcast_in_dim3A_50 = arith.constant 0.000000e+00 : f32
      %broadcast_in_dim3A_51 = vector.broadcast %broadcast_in_dim3A_50 : f32 to vector<16xf32>
      %swap3A_52 = arith.index_cast %add3A_44 : i32 to index
      %swap3A_53 = arith.constant 16 : index
      %swap3A_54 = tpu.vector_load %arg10[%swap3A_52, %swap3A_53] {strides = array<i32>} : memref<128x128xf32, #tpu.memory_space<vmem>>, vector<1x16xf32>,
      %swap3A_55 = vector.shape_cast %swap3A_54 : vector<1x16xf32> to vector<16xf32>
      %swap3A_56 = vector.shape_cast %broadcast_in_dim3A_51 : vector<16xf32> to vector<1x16xf32>
      tpu.vector_store %arg10[%swap3A_52, %swap3A_53], %swap3A_56 {strides = array<i32>} : memref<128x128xf32, #tpu.memory_space<vmem>>, vector<1x16xf32>,
      %broadcast_in_dim3A_57 = arith.constant 0.000000e+00 : f32
      %broadcast_in_dim3A_58 = vector.broadcast %broadcast_in_dim3A_57 : f32 to vector<16xf32>
      %swap3A_59 = arith.index_cast %add3A_44 : i32 to index
      %swap3A_60 = arith.constant 32 : index
      %swap3A_61 = tpu.vector_load %arg10[%swap3A_59, %swap3A_60] {strides = array<i32>} : memref<128x128xf32, #tpu.memory_space<vmem>>, vector<1x16xf32>,
      %swap3A_62 = vector.shape_cast %swap3A_61 : vector<1x16xf32> to vector<16xf32>
      %swap3A_63 = vector.shape_cast %broadcast_in_dim3A_58 : vector<16xf32> to vector<1x16xf32>
      tpu.vector_store %arg10[%swap3A_59, %swap3A_60], %swap3A_63 {strides = array<i32>} : memref<128x128xf32, #tpu.memory_space<vmem>>, vector<1x16xf32>,
      %broadcast_in_dim3A_64 = arith.constant 0.000000e+00 : f32
      %broadcast_in_dim3A_65 = vector.broadcast %broadcast_in_dim3A_64 : f32 to vector<16xf32>
      %swap3A_66 = arith.index_cast %add3A_44 : i32 to index
      %swap3A_67 = arith.constant 48 : index
      %swap3A_68 = tpu.vector_load %arg10[%swap3A_66, %swap3A_67] {strides = array<i32>} : memref<128x128xf32, #tpu.memory_space<vmem>>, vector<1x16xf32>,
      %swap3A_69 = vector.shape_cast %swap3A_68 : vector<1x16xf32> to vector<16xf32>
      %swap3A_70 = vector.shape_cast %broadcast_in_dim3A_65 : vector<16xf32> to vector<1x16xf32>
      tpu.vector_store %arg10[%swap3A_66, %swap3A_67], %swap3A_70 {strides = array<i32>} : memref<128x128xf32, #tpu.memory_space<vmem>>, vector<1x16xf32>,
      %broadcast_in_dim3A_71 = arith.constant 0.000000e+00 : f32
      %broadcast_in_dim3A_72 = vector.broadcast %broadcast_in_dim3A_71 : f32 to vector<16xf32>
      %swap3A_73 = arith.index_cast %add3A_44 : i32 to index
      %swap3A_74 = arith.constant 64 : index
      %swap3A_75 = tpu.vector_load %arg10[%swap3A_73, %swap3A_74] {strides = array<i32>} : memref<128x128xf32, #tpu.memory_space<vmem>>, vector<1x16xf32>,
      %swap3A_76 = vector.shape_cast %swap3A_75 : vector<1x16xf32> to vector<16xf32>
      %swap3A_77 = vector.shape_cast %broadcast_in_dim3A_72 : vector<16xf32> to vector<1x16xf32>
      tpu.vector_store %arg10[%swap3A_73, %swap3A_74], %swap3A_77 {strides = array<i32>} : memref<128x128xf32, #tpu.memory_space<vmem>>, vector<1x16xf32>,
      %broadcast_in_dim3A_78 = arith.constant 0.000000e+00 : f32
      %broadcast_in_dim3A_79 = vector.broadcast %broadcast_in_dim3A_78 : f32 to vector<16xf32>
      %swap3A_80 = arith.index_cast %add3A_44 : i32 to index
      %swap3A_81 = arith.constant 80 : index
      %swap3A_82 = tpu.vector_load %arg10[%swap3A_80, %swap3A_81] {strides = array<i32>} : memref<128x128xf32, #tpu.memory_space<vmem>>, vector<1x16xf32>,
      %swap3A_83 = vector.shape_cast %swap3A_82 : vector<1x16xf32> to vector<16xf32>
      %swap3A_84 = vector.shape_cast %broadcast_in_dim3A_79 : vector<16xf32> to vector<1x16xf32>
      tpu.vector_store %arg10[%swap3A_80, %swap3A_81], %swap3A_84 {strides = array<i32>} : memref<128x128xf32, #tpu.memory_space<vmem>>, vector<1x16xf32>,
      %broadcast_in_dim3A_85 = arith.constant 0.000000e+00 : f32
      %broadcast_in_dim3A_86 = vector.broadcast %broadcast_in_dim3A_85 : f32 to vector<16xf32>
      %swap3A_87 = arith.index_cast %add3A_44 : i32 to index
      %swap3A_88 = arith.constant 96 : index
      %swap3A_89 = tpu.vector_load %arg10[%swap3A_87, %swap3A_88] {strides = array<i32>} : memref<128x128xf32, #tpu.memory_space<vmem>>, vector<1x16xf32>,
      %swap3A_90 = vector.shape_cast %swap3A_89 : vector<1x16xf32> to vector<16xf32>
      %swap3A_91 = vector.shape_cast %broadcast_in_dim3A_86 : vector<16xf32> to vector<1x16xf32>
      tpu.vector_store %arg10[%swap3A_87, %swap3A_88], %swap3A_91 {strides = array<i32>} : memref<128x128xf32, #tpu.memory_space<vmem>>, vector<1x16xf32>,
      %broadcast_in_dim3A_92 = arith.constant 0.000000e+00 : f32
      %broadcast_in_dim3A_93 = vector.broadcast %broadcast_in_dim3A_92 : f32 to vector<16xf32>
      %swap3A_94 = arith.index_cast %add3A_44 : i32 to index
      %swap3A_95 = arith.constant 112 : index
      %swap3A_96 = tpu.vector_load %arg10[%swap3A_94, %swap3A_95] {strides = array<i32>} : memref<128x128xf32, #tpu.memory_space<vmem>>, vector<1x16xf32>,
      %swap3A_97 = vector.shape_cast %swap3A_96 : vector<1x16xf32> to vector<16xf32>
      %swap3A_98 = vector.shape_cast %broadcast_in_dim3A_93 : vector<16xf32> to vector<1x16xf32>
      tpu.vector_store %arg10[%swap3A_94, %swap3A_95], %swap3A_98 {strides = array<i32>} : memref<128x128xf32, #tpu.memory_space<vmem>>, vector<1x16xf32>,
    }
    %scan3A_3 = arith.constant 128 : i32
    %mul3A = arith.constant 640 : i32
    %mul3A_4 = arith.muli %arg1, %mul3A : i32
    %add3A = arith.constant 0 : i32
    %add3A_5 = arith.addi %mul3A_4, %add3A : i32
    "tpu.region"() ({
      %run_scoped3A = tpu.sem_alloc : memref<!tpu.dma_semaphore, #tpu.memory_space<semaphore_mem>>
      %dma_start3A = arith.constant 0 : i32
      %dma_start3A_40 = tpu.memref_slice %arg12[%add3A_5, %dma_start3A] : memref<10240x128xf32, #tpu.memory_space<vmem_shared>> -> memref<128x128xf32, #tpu.memory_space<vmem_shared>>
      %dma_start3A_41 = arith.constant 0 : i32
      %dma_start3A_42 = tpu.memref_slice %arg12[%add3A_5, %dma_start3A_41] : memref<10240x128xf32, #tpu.memory_space<vmem_shared>> -> memref<128x128xf32, #tpu.memory_space<vmem_shared>>
      tpu.enqueue_dma source(%arg10 : memref<128x128xf32, #tpu.memory_space<vmem>>) target(%dma_start3A_42 : memref<128x128xf32, #tpu.memory_space<vmem_shared>>) target_semaphore(%run_scoped3A : memref<!tpu.dma_semaphore, #tpu.memory_space<semaphore_mem>>)
      %dma_wait3A = arith.constant 0 : i32
      %dma_wait3A_43 = tpu.memref_slice %arg12[%add3A_5, %dma_wait3A] : memref<10240x128xf32, #tpu.memory_space<vmem_shared>> -> memref<128x128xf32, #tpu.memory_space<vmem_shared>>
      %dma_wait3A_44 = arith.constant 0 : i32
      %dma_wait3A_45 = tpu.memref_slice %arg12[%add3A_5, %dma_wait3A_44] : memref<10240x128xf32, #tpu.memory_space<vmem_shared>> -> memref<128x128xf32, #tpu.memory_space<vmem_shared>>
      tpu.wait_dma2 semaphore(%run_scoped3A : memref<!tpu.dma_semaphore, #tpu.memory_space<semaphore_mem>>) src(%arg10 : memref<128x128xf32, #tpu.memory_space<vmem>>) dst(%dma_wait3A_45 : memref<128x128xf32, #tpu.memory_space<vmem_shared>>)
      tpu.yield
    }) : () -> ()
    %mul3A_6 = arith.constant 640 : i32
    %mul3A_7 = arith.muli %arg1, %mul3A_6 : i32
    %add3A_8 = arith.constant 128 : i32
    %add3A_9 = arith.addi %mul3A_7, %add3A_8 : i32
    "tpu.region"() ({
      %run_scoped3A = tpu.sem_alloc : memref<!tpu.dma_semaphore, #tpu.memory_space<semaphore_mem>>
      %dma_start3A = arith.constant 0 : i32
      %dma_start3A_40 = tpu.memref_slice %arg12[%add3A_9, %dma_start3A] : memref<10240x128xf32, #tpu.memory_space<vmem_shared>> -> memref<128x128xf32, #tpu.memory_space<vmem_shared>>
      %dma_start3A_41 = arith.constant 0 : i32
      %dma_start3A_42 = tpu.memref_slice %arg12[%add3A_9, %dma_start3A_41] : memref<10240x128xf32, #tpu.memory_space<vmem_shared>> -> memref<128x128xf32, #tpu.memory_space<vmem_shared>>
      tpu.enqueue_dma source(%arg10 : memref<128x128xf32, #tpu.memory_space<vmem>>) target(%dma_start3A_42 : memref<128x128xf32, #tpu.memory_space<vmem_shared>>) target_semaphore(%run_scoped3A : memref<!tpu.dma_semaphore, #tpu.memory_space<semaphore_mem>>)
      %dma_wait3A = arith.constant 0 : i32
      %dma_wait3A_43 = tpu.memref_slice %arg12[%add3A_9, %dma_wait3A] : memref<10240x128xf32, #tpu.memory_space<vmem_shared>> -> memref<128x128xf32, #tpu.memory_space<vmem_shared>>
      %dma_wait3A_44 = arith.constant 0 : i32
      %dma_wait3A_45 = tpu.memref_slice %arg12[%add3A_9, %dma_wait3A_44] : memref<10240x128xf32, #tpu.memory_space<vmem_shared>> -> memref<128x128xf32, #tpu.memory_space<vmem_shared>>
      tpu.wait_dma2 semaphore(%run_scoped3A : memref<!tpu.dma_semaphore, #tpu.memory_space<semaphore_mem>>) src(%arg10 : memref<128x128xf32, #tpu.memory_space<vmem>>) dst(%dma_wait3A_45 : memref<128x128xf32, #tpu.memory_space<vmem_shared>>)
      tpu.yield
    }) : () -> ()
    %mul3A_10 = arith.constant 640 : i32
    %mul3A_11 = arith.muli %arg1, %mul3A_10 : i32
    %add3A_12 = arith.constant 256 : i32
    %add3A_13 = arith.addi %mul3A_11, %add3A_12 : i32
    "tpu.region"() ({
      %run_scoped3A = tpu.sem_alloc : memref<!tpu.dma_semaphore, #tpu.memory_space<semaphore_mem>>
      %dma_start3A = arith.constant 0 : i32
      %dma_start3A_40 = tpu.memref_slice %arg12[%add3A_13, %dma_start3A] : memref<10240x128xf32, #tpu.memory_space<vmem_shared>> -> memref<128x128xf32, #tpu.memory_space<vmem_shared>>
      %dma_start3A_41 = arith.constant 0 : i32
      %dma_start3A_42 = tpu.memref_slice %arg12[%add3A_13, %dma_start3A_41] : memref<10240x128xf32, #tpu.memory_space<vmem_shared>> -> memref<128x128xf32, #tpu.memory_space<vmem_shared>>
      tpu.enqueue_dma source(%arg10 : memref<128x128xf32, #tpu.memory_space<vmem>>) target(%dma_start3A_42 : memref<128x128xf32, #tpu.memory_space<vmem_shared>>) target_semaphore(%run_scoped3A : memref<!tpu.dma_semaphore, #tpu.memory_space<semaphore_mem>>)
      %dma_wait3A = arith.constant 0 : i32
      %dma_wait3A_43 = tpu.memref_slice %arg12[%add3A_13, %dma_wait3A] : memref<10240x128xf32, #tpu.memory_space<vmem_shared>> -> memref<128x128xf32, #tpu.memory_space<vmem_shared>>
      %dma_wait3A_44 = arith.constant 0 : i32
      %dma_wait3A_45 = tpu.memref_slice %arg12[%add3A_13, %dma_wait3A_44] : memref<10240x128xf32, #tpu.memory_space<vmem_shared>> -> memref<128x128xf32, #tpu.memory_space<vmem_shared>>
      tpu.wait_dma2 semaphore(%run_scoped3A : memref<!tpu.dma_semaphore, #tpu.memory_space<semaphore_mem>>) src(%arg10 : memref<128x128xf32, #tpu.memory_space<vmem>>) dst(%dma_wait3A_45 : memref<128x128xf32, #tpu.memory_space<vmem_shared>>)
      tpu.yield
    }) : () -> ()
    %mul3A_14 = arith.constant 640 : i32
    %mul3A_15 = arith.muli %arg1, %mul3A_14 : i32
    %add3A_16 = arith.constant 384 : i32
    %add3A_17 = arith.addi %mul3A_15, %add3A_16 : i32
    "tpu.region"() ({
      %run_scoped3A = tpu.sem_alloc : memref<!tpu.dma_semaphore, #tpu.memory_space<semaphore_mem>>
      %dma_start3A = arith.constant 0 : i32
      %dma_start3A_40 = tpu.memref_slice %arg12[%add3A_17, %dma_start3A] : memref<10240x128xf32, #tpu.memory_space<vmem_shared>> -> memref<128x128xf32, #tpu.memory_space<vmem_shared>>
      %dma_start3A_41 = arith.constant 0 : i32
      %dma_start3A_42 = tpu.memref_slice %arg12[%add3A_17, %dma_start3A_41] : memref<10240x128xf32, #tpu.memory_space<vmem_shared>> -> memref<128x128xf32, #tpu.memory_space<vmem_shared>>
      tpu.enqueue_dma source(%arg10 : memref<128x128xf32, #tpu.memory_space<vmem>>) target(%dma_start3A_42 : memref<128x128xf32, #tpu.memory_space<vmem_shared>>) target_semaphore(%run_scoped3A : memref<!tpu.dma_semaphore, #tpu.memory_space<semaphore_mem>>)
      %dma_wait3A = arith.constant 0 : i32
      %dma_wait3A_43 = tpu.memref_slice %arg12[%add3A_17, %dma_wait3A] : memref<10240x128xf32, #tpu.memory_space<vmem_shared>> -> memref<128x128xf32, #tpu.memory_space<vmem_shared>>
      %dma_wait3A_44 = arith.constant 0 : i32
      %dma_wait3A_45 = tpu.memref_slice %arg12[%add3A_17, %dma_wait3A_44] : memref<10240x128xf32, #tpu.memory_space<vmem_shared>> -> memref<128x128xf32, #tpu.memory_space<vmem_shared>>
      tpu.wait_dma2 semaphore(%run_scoped3A : memref<!tpu.dma_semaphore, #tpu.memory_space<semaphore_mem>>) src(%arg10 : memref<128x128xf32, #tpu.memory_space<vmem>>) dst(%dma_wait3A_45 : memref<128x128xf32, #tpu.memory_space<vmem_shared>>)
      tpu.yield
    }) : () -> ()
    %mul3A_18 = arith.constant 640 : i32
    %mul3A_19 = arith.muli %arg1, %mul3A_18 : i32
    %add3A_20 = arith.constant 512 : i32
    %add3A_21 = arith.addi %mul3A_19, %add3A_20 : i32
    "tpu.region"() ({
      %run_scoped3A = tpu.sem_alloc : memref<!tpu.dma_semaphore, #tpu.memory_space<semaphore_mem>>
      %dma_start3A = arith.constant 0 : i32
      %dma_start3A_40 = tpu.memref_slice %arg12[%add3A_21, %dma_start3A] : memref<10240x128xf32, #tpu.memory_space<vmem_shared>> -> memref<128x128xf32, #tpu.memory_space<vmem_shared>>
      %dma_start3A_41 = arith.constant 0 : i32
      %dma_start3A_42 = tpu.memref_slice %arg12[%add3A_21, %dma_start3A_41] : memref<10240x128xf32, #tpu.memory_space<vmem_shared>> -> memref<128x128xf32, #tpu.memory_space<vmem_shared>>
      tpu.enqueue_dma source(%arg10 : memref<128x128xf32, #tpu.memory_space<vmem>>) target(%dma_start3A_42 : memref<128x128xf32, #tpu.memory_space<vmem_shared>>) target_semaphore(%run_scoped3A : memref<!tpu.dma_semaphore, #tpu.memory_space<semaphore_mem>>)
      %dma_wait3A = arith.constant 0 : i32
      %dma_wait3A_43 = tpu.memref_slice %arg12[%add3A_21, %dma_wait3A] : memref<10240x128xf32, #tpu.memory_space<vmem_shared>> -> memref<128x128xf32, #tpu.memory_space<vmem_shared>>
      %dma_wait3A_44 = arith.constant 0 : i32
      %dma_wait3A_45 = tpu.memref_slice %arg12[%add3A_21, %dma_wait3A_44] : memref<10240x128xf32, #tpu.memory_space<vmem_shared>> -> memref<128x128xf32, #tpu.memory_space<vmem_shared>>
      tpu.wait_dma2 semaphore(%run_scoped3A : memref<!tpu.dma_semaphore, #tpu.memory_space<semaphore_mem>>) src(%arg10 : memref<128x128xf32, #tpu.memory_space<vmem>>) dst(%dma_wait3A_45 : memref<128x128xf32, #tpu.memory_space<vmem_shared>>)
      tpu.yield
    }) : () -> ()
    %barrier3A = arith.constant 0 : index
    tpu.barrier barrier_id(%barrier3A)
    %eq3A = arith.constant 0 : i32
    %eq3A_22 = arith.cmpi eq, %arg0, %eq3A : i32
    %convert_element_type3A = arith.extui %eq3A_22 : i1 to i32
    %cond3A = arith.constant 0 : i32
    %cond3A_23 = arith.cmpi ne, %convert_element_type3A, %cond3A : i32
    scf.if %cond3A_23 {
      %mul3A_40 = arith.constant 160 : i32
      %mul3A_41 = arith.muli %arg1, %mul3A_40 : i32
      %scan3A_42 = arith.constant 0 : i32
      %scan3A_43 = arith.constant 4 : i32
      %scan3A_44 = arith.addi %scan3A_42, %scan3A_43 : i32
      %scan3A_45 = arith.constant 1 : i32
      scf.for %scan3A_47 = %scan3A_42 to %scan3A_44 step %scan3A_45  : i32 {
        %mul3A_48 = arith.constant 1 : i32
        %mul3A_49 = arith.muli %scan3A_47, %mul3A_48 : i32
        %add3A_50 = arith.constant 0 : i32
        %add3A_51 = arith.addi %add3A_50, %mul3A_49 : i32
        %mul3A_52 = arith.constant 40 : i32
        %mul3A_53 = arith.muli %add3A_51, %mul3A_52 : i32
        %add3A_54 = arith.addi %mul3A_41, %mul3A_53 : i32
        "tpu.region"() ({
          %run_scoped3A = tpu.sem_alloc : memref<!tpu.dma_semaphore, #tpu.memory_space<semaphore_mem>>
          %dma_start3A_73 = arith.constant 0 : i32
          %dma_start3A_74 = tpu.memref_slice %arg4[%add3A_54, %dma_start3A_73] : memref<2560x128xi32, #tpu.memory_space<hbm>> -> memref<40x128xi32, #tpu.memory_space<hbm>>
          %dma_start3A_75 = arith.constant 0 : i32
          %dma_start3A_76 = tpu.memref_slice %arg4[%add3A_54, %dma_start3A_75] : memref<2560x128xi32, #tpu.memory_space<hbm>> -> memref<40x128xi32, #tpu.memory_space<hbm>>
          tpu.enqueue_dma source(%dma_start3A_76 : memref<40x128xi32, #tpu.memory_space<hbm>>) target(%arg8 : memref<40x128xi32, #tpu.memory_space<vmem>>) target_semaphore(%run_scoped3A : memref<!tpu.dma_semaphore, #tpu.memory_space<semaphore_mem>>)
          %dma_wait3A = arith.constant 0 : i32
          %dma_wait3A_77 = tpu.memref_slice %arg4[%add3A_54, %dma_wait3A] : memref<2560x128xi32, #tpu.memory_space<hbm>> -> memref<40x128xi32, #tpu.memory_space<hbm>>
          %dma_wait3A_78 = arith.constant 0 : i32
          %dma_wait3A_79 = tpu.memref_slice %arg4[%add3A_54, %dma_wait3A_78] : memref<2560x128xi32, #tpu.memory_space<hbm>> -> memref<40x128xi32, #tpu.memory_space<hbm>>
          tpu.wait_dma2 semaphore(%run_scoped3A : memref<!tpu.dma_semaphore, #tpu.memory_space<semaphore_mem>>) src(%dma_wait3A_79 : memref<40x128xi32, #tpu.memory_space<hbm>>) dst(%arg8 : memref<40x128xi32, #tpu.memory_space<vmem>>)
          tpu.yield
        }) : () -> ()
        "tpu.region"() ({
          %run_scoped3A = tpu.sem_alloc : memref<!tpu.dma_semaphore, #tpu.memory_space<semaphore_mem>>
          %dma_start3A_73 = arith.constant 0 : i32
          %dma_start3A_74 = tpu.memref_slice %arg5[%add3A_54, %dma_start3A_73] : memref<2560x128xi32, #tpu.memory_space<hbm>> -> memref<40x128xi32, #tpu.memory_space<hbm>>
          %dma_start3A_75 = arith.constant 0 : i32
          %dma_start3A_76 = tpu.memref_slice %arg5[%add3A_54, %dma_start3A_75] : memref<2560x128xi32, #tpu.memory_space<hbm>> -> memref<40x128xi32, #tpu.memory_space<hbm>>
          tpu.enqueue_dma source(%dma_start3A_76 : memref<40x128xi32, #tpu.memory_space<hbm>>) target(%arg9 : memref<40x128xi32, #tpu.memory_space<vmem>>) target_semaphore(%run_scoped3A : memref<!tpu.dma_semaphore, #tpu.memory_space<semaphore_mem>>)
          %dma_wait3A = arith.constant 0 : i32
          %dma_wait3A_77 = tpu.memref_slice %arg5[%add3A_54, %dma_wait3A] : memref<2560x128xi32, #tpu.memory_space<hbm>> -> memref<40x128xi32, #tpu.memory_space<hbm>>
          %dma_wait3A_78 = arith.constant 0 : i32
          %dma_wait3A_79 = tpu.memref_slice %arg5[%add3A_54, %dma_wait3A_78] : memref<2560x128xi32, #tpu.memory_space<hbm>> -> memref<40x128xi32, #tpu.memory_space<hbm>>
          tpu.wait_dma2 semaphore(%run_scoped3A : memref<!tpu.dma_semaphore, #tpu.memory_space<semaphore_mem>>) src(%dma_wait3A_79 : memref<40x128xi32, #tpu.memory_space<hbm>>) dst(%arg9 : memref<40x128xi32, #tpu.memory_space<vmem>>)
          tpu.yield
        }) : () -> ()
        %dma_start3A = arith.constant 0 : i32
        %dma_start3A_55 = arith.constant 0 : i32
        %dma_start3A_56 = tpu.memref_slice %arg8[%dma_start3A, %dma_start3A_55] : memref<40x128xi32, #tpu.memory_space<vmem>> -> memref<1x128xi32, #tpu.memory_space<vmem>>
        %dma_start3A_57 = tpu.memref_squeeze %dma_start3A_56 : memref<1x128xi32, #tpu.memory_space<vmem>> -> memref<128xi32, #tpu.memory_space<vmem>>
        %dma_start3A_58 = arith.constant 0 : i32
        %dma_start3A_59 = arith.constant 0 : i32
        %dma_start3A_60 = tpu.memref_slice %arg2[%dma_start3A_58, %dma_start3A_59] : memref<10240x128xf32, #tpu.memory_space<hbm>> -> memref<10240x128xf32, #tpu.memory_space<hbm>>
        tpu.enqueue_indirect_dma source(%dma_start3A_60 : memref<10240x128xf32, #tpu.memory_space<hbm>>) target(%arg10 : memref<128x128xf32, #tpu.memory_space<vmem>>) offsets(%dma_start3A_57 : memref<128xi32, #tpu.memory_space<vmem>>) semaphore(%arg13 : memref<!tpu.dma_semaphore, #tpu.memory_space<semaphore_mem>>)
        %dma_start3A_61 = arith.constant 1 : i32
        %dma_start3A_62 = arith.constant 0 : i32
        %dma_start3A_63 = tpu.memref_slice %arg8[%dma_start3A_61, %dma_start3A_62] : memref<40x128xi32, #tpu.memory_space<vmem>> -> memref<1x128xi32, #tpu.memory_space<vmem>>
        %dma_start3A_64 = tpu.memref_squeeze %dma_start3A_63 : memref<1x128xi32, #tpu.memory_space<vmem>> -> memref<128xi32, #tpu.memory_space<vmem>>
        %dma_start3A_65 = arith.constant 0 : i32
        %dma_start3A_66 = arith.constant 0 : i32
        %dma_start3A_67 = tpu.memref_slice %arg2[%dma_start3A_65, %dma_start3A_66] : memref<10240x128xf32, #tpu.memory_space<hbm>> -> memref<10240x128xf32, #tpu.memory_space<hbm>>
        tpu.enqueue_indirect_dma source(%dma_start3A_67 : memref<10240x128xf32, #tpu.memory_space<hbm>>) target(%arg11 : memref<128x128xf32, #tpu.memory_space<vmem>>) offsets(%dma_start3A_64 : memref<128xi32, #tpu.memory_space<vmem>>) semaphore(%arg14 : memref<!tpu.dma_semaphore, #tpu.memory_space<semaphore_mem>>)
        %scan3A_68 = arith.constant 0 : i32
        %scan3A_69 = arith.constant 5 : i32
        %scan3A_70 = arith.addi %scan3A_68, %scan3A_69 : i32
        %scan3A_71 = arith.constant 1 : i32
        scf.for %scan3A_73 = %scan3A_68 to %scan3A_70 step %scan3A_71  : i32 {
          %mul3A_74 = arith.constant 1 : i32
          %mul3A_75 = arith.muli %scan3A_73, %mul3A_74 : i32
          %add3A_76 = arith.constant 0 : i32
          %add3A_77 = arith.addi %add3A_76, %mul3A_75 : i32
          %mul3A_78 = arith.constant 8 : i32
          %mul3A_79 = arith.muli %add3A_77, %mul3A_78 : i32
          %add3A_80 = arith.constant 0 : i32
          %add3A_81 = arith.addi %mul3A_79, %add3A_80 : i32
          %dma_wait3A = arith.constant 0 : i32
          %dma_wait3A_82 = arith.constant 0 : i32
          %dma_wait3A_83 = tpu.memref_slice %arg8[%dma_wait3A, %dma_wait3A_82] : memref<40x128xi32, #tpu.memory_space<vmem>> -> memref<1x128xi32, #tpu.memory_space<vmem>>
          %dma_wait3A_84 = tpu.memref_squeeze %dma_wait3A_83 : memref<1x128xi32, #tpu.memory_space<vmem>> -> memref<128xi32, #tpu.memory_space<vmem>>
          %dma_wait3A_85 = arith.constant 0 : i32
          %dma_wait3A_86 = arith.constant 0 : i32
          %dma_wait3A_87 = tpu.memref_slice %arg2[%dma_wait3A_85, %dma_wait3A_86] : memref<10240x128xf32, #tpu.memory_space<hbm>> -> memref<10240x128xf32, #tpu.memory_space<hbm>>
          tpu.wait_indirect_dma semaphore(%arg13 : memref<!tpu.dma_semaphore, #tpu.memory_space<semaphore_mem>>) src(%dma_wait3A_87 : memref<10240x128xf32, #tpu.memory_space<hbm>>) dst(%arg10 : memref<128x128xf32, #tpu.memory_space<vmem>>)
          %dma_start3A_88 = arith.constant 0 : i32
          %dma_start3A_89 = tpu.memref_slice %arg9[%add3A_81, %dma_start3A_88] : memref<40x128xi32, #tpu.memory_space<vmem>> -> memref<1x128xi32, #tpu.memory_space<vmem>>
          %dma_start3A_90 = tpu.memref_squeeze %dma_start3A_89 : memref<1x128xi32, #tpu.memory_space<vmem>> -> memref<128xi32, #tpu.memory_space<vmem>>
          %dma_start3A_91 = arith.constant 0 : i32
          %dma_start3A_92 = arith.constant 0 : i32
          %dma_start3A_93 = tpu.memref_slice %arg12[%dma_start3A_91, %dma_start3A_92] : memref<10240x128xf32, #tpu.memory_space<vmem_shared>> -> memref<10240x128xf32, #tpu.memory_space<vmem_shared>>
          tpu.enqueue_indirect_dma source(%arg10 : memref<128x128xf32, #tpu.memory_space<vmem>>) target(%dma_start3A_93 : memref<10240x128xf32, #tpu.memory_space<vmem_shared>>) offsets(%dma_start3A_90 : memref<128xi32, #tpu.memory_space<vmem>>) semaphore(%arg15 : memref<!tpu.dma_semaphore, #tpu.memory_space<semaphore_mem>>) {add = true}
          %dma_wait3A_94 = arith.constant 0 : i32
          %dma_wait3A_95 = arith.constant 0 : i32
          %dma_wait3A_96 = tpu.memref_slice %arg9[%dma_wait3A_94, %dma_wait3A_95] : memref<40x128xi32, #tpu.memory_space<vmem>> -> memref<1x128xi32, #tpu.memory_space<vmem>>
          %dma_wait3A_97 = tpu.memref_squeeze %dma_wait3A_96 : memref<1x128xi32, #tpu.memory_space<vmem>> -> memref<128xi32, #tpu.memory_space<vmem>>
          %dma_wait3A_98 = arith.constant 0 : i32
          %dma_wait3A_99 = arith.constant 0 : i32
          %dma_wait3A_100 = tpu.memref_slice %arg12[%dma_wait3A_98, %dma_wait3A_99] : memref<10240x128xf32, #tpu.memory_space<vmem_shared>> -> memref<10240x128xf32, #tpu.memory_space<vmem_shared>>
          tpu.wait_indirect_dma semaphore(%arg15 : memref<!tpu.dma_semaphore, #tpu.memory_space<semaphore_mem>>) src(%arg10 : memref<128x128xf32, #tpu.memory_space<vmem>>) dst(%dma_wait3A_100 : memref<10240x128xf32, #tpu.memory_space<vmem_shared>>)
          %add3A_101 = arith.constant 2 : i32
          %add3A_102 = arith.addi %add3A_81, %add3A_101 : i32
          %dma_start3A_103 = arith.constant 0 : i32
          %dma_start3A_104 = tpu.memref_slice %arg8[%add3A_102, %dma_start3A_103] : memref<40x128xi32, #tpu.memory_space<vmem>> -> memref<1x128xi32, #tpu.memory_space<vmem>>
          %dma_start3A_105 = tpu.memref_squeeze %dma_start3A_104 : memref<1x128xi32, #tpu.memory_space<vmem>> -> memref<128xi32, #tpu.memory_space<vmem>>
          %dma_start3A_106 = arith.constant 0 : i32
          %dma_start3A_107 = arith.constant 0 : i32
          %dma_start3A_108 = tpu.memref_slice %arg2[%dma_start3A_106, %dma_start3A_107] : memref<10240x128xf32, #tpu.memory_space<hbm>> -> memref<10240x128xf32, #tpu.memory_space<hbm>>
          tpu.enqueue_indirect_dma source(%dma_start3A_108 : memref<10240x128xf32, #tpu.memory_space<hbm>>) target(%arg10 : memref<128x128xf32, #tpu.memory_space<vmem>>) offsets(%dma_start3A_105 : memref<128xi32, #tpu.memory_space<vmem>>) semaphore(%arg13 : memref<!tpu.dma_semaphore, #tpu.memory_space<semaphore_mem>>)
          %mul3A_109 = arith.constant 8 : i32
          %mul3A_110 = arith.muli %add3A_77, %mul3A_109 : i32
          %add3A_111 = arith.constant 1 : i32
          %add3A_112 = arith.addi %mul3A_110, %add3A_111 : i32
          %dma_wait3A_113 = arith.constant 0 : i32
          %dma_wait3A_114 = arith.constant 0 : i32
          %dma_wait3A_115 = tpu.memref_slice %arg8[%dma_wait3A_113, %dma_wait3A_114] : memref<40x128xi32, #tpu.memory_space<vmem>> -> memref<1x128xi32, #tpu.memory_space<vmem>>
          %dma_wait3A_116 = tpu.memref_squeeze %dma_wait3A_115 : memref<1x128xi32, #tpu.memory_space<vmem>> -> memref<128xi32, #tpu.memory_space<vmem>>
          %dma_wait3A_117 = arith.constant 0 : i32
          %dma_wait3A_118 = arith.constant 0 : i32
          %dma_wait3A_119 = tpu.memref_slice %arg2[%dma_wait3A_117, %dma_wait3A_118] : memref<10240x128xf32, #tpu.memory_space<hbm>> -> memref<10240x128xf32, #tpu.memory_space<hbm>>
          tpu.wait_indirect_dma semaphore(%arg14 : memref<!tpu.dma_semaphore, #tpu.memory_space<semaphore_mem>>) src(%dma_wait3A_119 : memref<10240x128xf32, #tpu.memory_space<hbm>>) dst(%arg11 : memref<128x128xf32, #tpu.memory_space<vmem>>)
          %dma_start3A_120 = arith.constant 0 : i32
          %dma_start3A_121 = tpu.memref_slice %arg9[%add3A_112, %dma_start3A_120] : memref<40x128xi32, #tpu.memory_space<vmem>> -> memref<1x128xi32, #tpu.memory_space<vmem>>
          %dma_start3A_122 = tpu.memref_squeeze %dma_start3A_121 : memref<1x128xi32, #tpu.memory_space<vmem>> -> memref<128xi32, #tpu.memory_space<vmem>>
          %dma_start3A_123 = arith.constant 0 : i32
          %dma_start3A_124 = arith.constant 0 : i32
          %dma_start3A_125 = tpu.memref_slice %arg12[%dma_start3A_123, %dma_start3A_124] : memref<10240x128xf32, #tpu.memory_space<vmem_shared>> -> memref<10240x128xf32, #tpu.memory_space<vmem_shared>>
          tpu.enqueue_indirect_dma source(%arg11 : memref<128x128xf32, #tpu.memory_space<vmem>>) target(%dma_start3A_125 : memref<10240x128xf32, #tpu.memory_space<vmem_shared>>) offsets(%dma_start3A_122 : memref<128xi32, #tpu.memory_space<vmem>>) semaphore(%arg16 : memref<!tpu.dma_semaphore, #tpu.memory_space<semaphore_mem>>) {add = true}
          %dma_wait3A_126 = arith.constant 0 : i32
          %dma_wait3A_127 = arith.constant 0 : i32
          %dma_wait3A_128 = tpu.memref_slice %arg9[%dma_wait3A_126, %dma_wait3A_127] : memref<40x128xi32, #tpu.memory_space<vmem>> -> memref<1x128xi32, #tpu.memory_space<vmem>>
          %dma_wait3A_129 = tpu.memref_squeeze %dma_wait3A_128 : memref<1x128xi32, #tpu.memory_space<vmem>> -> memref<128xi32, #tpu.memory_space<vmem>>
          %dma_wait3A_130 = arith.constant 0 : i32
          %dma_wait3A_131 = arith.constant 0 : i32
          %dma_wait3A_132 = tpu.memref_slice %arg12[%dma_wait3A_130, %dma_wait3A_131] : memref<10240x128xf32, #tpu.memory_space<vmem_shared>> -> memref<10240x128xf32, #tpu.memory_space<vmem_shared>>
          tpu.wait_indirect_dma semaphore(%arg16 : memref<!tpu.dma_semaphore, #tpu.memory_space<semaphore_mem>>) src(%arg11 : memref<128x128xf32, #tpu.memory_space<vmem>>) dst(%dma_wait3A_132 : memref<10240x128xf32, #tpu.memory_space<vmem_shared>>)
          %add3A_133 = arith.constant 2 : i32
          %add3A_134 = arith.addi %add3A_112, %add3A_133 : i32
          %dma_start3A_135 = arith.constant 0 : i32
          %dma_start3A_136 = tpu.memref_slice %arg8[%add3A_134, %dma_start3A_135] : memref<40x128xi32, #tpu.memory_space<vmem>> -> memref<1x128xi32, #tpu.memory_space<vmem>>
          %dma_start3A_137 = tpu.memref_squeeze %dma_start3A_136 : memref<1x128xi32, #tpu.memory_space<vmem>> -> memref<128xi32, #tpu.memory_space<vmem>>
          %dma_start3A_138 = arith.constant 0 : i32
          %dma_start3A_139 = arith.constant 0 : i32
          %dma_start3A_140 = tpu.memref_slice %arg2[%dma_start3A_138, %dma_start3A_139] : memref<10240x128xf32, #tpu.memory_space<hbm>> -> memref<10240x128xf32, #tpu.memory_space<hbm>>
          tpu.enqueue_indirect_dma source(%dma_start3A_140 : memref<10240x128xf32, #tpu.memory_space<hbm>>) target(%arg11 : memref<128x128xf32, #tpu.memory_space<vmem>>) offsets(%dma_start3A_137 : memref<128xi32, #tpu.memory_space<vmem>>) semaphore(%arg14 : memref<!tpu.dma_semaphore, #tpu.memory_space<semaphore_mem>>)
          %mul3A_141 = arith.constant 8 : i32
          %mul3A_142 = arith.muli %add3A_77, %mul3A_141 : i32
          %add3A_143 = arith.constant 2 : i32
          %add3A_144 = arith.addi %mul3A_142, %add3A_143 : i32
          %dma_wait3A_145 = arith.constant 0 : i32
          %dma_wait3A_146 = arith.constant 0 : i32
          %dma_wait3A_147 = tpu.memref_slice %arg8[%dma_wait3A_145, %dma_wait3A_146] : memref<40x128xi32, #tpu.memory_space<vmem>> -> memref<1x128xi32, #tpu.memory_space<vmem>>
          %dma_wait3A_148 = tpu.memref_squeeze %dma_wait3A_147 : memref<1x128xi32, #tpu.memory_space<vmem>> -> memref<128xi32, #tpu.memory_space<vmem>>
          %dma_wait3A_149 = arith.constant 0 : i32
          %dma_wait3A_150 = arith.constant 0 : i32
          %dma_wait3A_151 = tpu.memref_slice %arg2[%dma_wait3A_149, %dma_wait3A_150] : memref<10240x128xf32, #tpu.memory_space<hbm>> -> memref<10240x128xf32, #tpu.memory_space<hbm>>
          tpu.wait_indirect_dma semaphore(%arg13 : memref<!tpu.dma_semaphore, #tpu.memory_space<semaphore_mem>>) src(%dma_wait3A_151 : memref<10240x128xf32, #tpu.memory_space<hbm>>) dst(%arg10 : memref<128x128xf32, #tpu.memory_space<vmem>>)
          %dma_start3A_152 = arith.constant 0 : i32
          %dma_start3A_153 = tpu.memref_slice %arg9[%add3A_144, %dma_start3A_152] : memref<40x128xi32, #tpu.memory_space<vmem>> -> memref<1x128xi32, #tpu.memory_space<vmem>>
          %dma_start3A_154 = tpu.memref_squeeze %dma_start3A_153 : memref<1x128xi32, #tpu.memory_space<vmem>> -> memref<128xi32, #tpu.memory_space<vmem>>
          %dma_start3A_155 = arith.constant 0 : i32
          %dma_start3A_156 = arith.constant 0 : i32
          %dma_start3A_157 = tpu.memref_slice %arg12[%dma_start3A_155, %dma_start3A_156] : memref<10240x128xf32, #tpu.memory_space<vmem_shared>> -> memref<10240x128xf32, #tpu.memory_space<vmem_shared>>
          tpu.enqueue_indirect_dma source(%arg10 : memref<128x128xf32, #tpu.memory_space<vmem>>) target(%dma_start3A_157 : memref<10240x128xf32, #tpu.memory_space<vmem_shared>>) offsets(%dma_start3A_154 : memref<128xi32, #tpu.memory_space<vmem>>) semaphore(%arg15 : memref<!tpu.dma_semaphore, #tpu.memory_space<semaphore_mem>>) {add = true}
          %dma_wait3A_158 = arith.constant 0 : i32
          %dma_wait3A_159 = arith.constant 0 : i32
          %dma_wait3A_160 = tpu.memref_slice %arg9[%dma_wait3A_158, %dma_wait3A_159] : memref<40x128xi32, #tpu.memory_space<vmem>> -> memref<1x128xi32, #tpu.memory_space<vmem>>
          %dma_wait3A_161 = tpu.memref_squeeze %dma_wait3A_160 : memref<1x128xi32, #tpu.memory_space<vmem>> -> memref<128xi32, #tpu.memory_space<vmem>>
          %dma_wait3A_162 = arith.constant 0 : i32
          %dma_wait3A_163 = arith.constant 0 : i32
          %dma_wait3A_164 = tpu.memref_slice %arg12[%dma_wait3A_162, %dma_wait3A_163] : memref<10240x128xf32, #tpu.memory_space<vmem_shared>> -> memref<10240x128xf32, #tpu.memory_space<vmem_shared>>
          tpu.wait_indirect_dma semaphore(%arg15 : memref<!tpu.dma_semaphore, #tpu.memory_space<semaphore_mem>>) src(%arg10 : memref<128x128xf32, #tpu.memory_space<vmem>>) dst(%dma_wait3A_164 : memref<10240x128xf32, #tpu.memory_space<vmem_shared>>)
          %add3A_165 = arith.constant 2 : i32
          %add3A_166 = arith.addi %add3A_144, %add3A_165 : i32
          %dma_start3A_167 = arith.constant 0 : i32
          %dma_start3A_168 = tpu.memref_slice %arg8[%add3A_166, %dma_start3A_167] : memref<40x128xi32, #tpu.memory_space<vmem>> -> memref<1x128xi32, #tpu.memory_space<vmem>>
          %dma_start3A_169 = tpu.memref_squeeze %dma_start3A_168 : memref<1x128xi32, #tpu.memory_space<vmem>> -> memref<128xi32, #tpu.memory_space<vmem>>
          %dma_start3A_170 = arith.constant 0 : i32
          %dma_start3A_171 = arith.constant 0 : i32
          %dma_start3A_172 = tpu.memref_slice %arg2[%dma_start3A_170, %dma_start3A_171] : memref<10240x128xf32, #tpu.memory_space<hbm>> -> memref<10240x128xf32, #tpu.memory_space<hbm>>
          tpu.enqueue_indirect_dma source(%dma_start3A_172 : memref<10240x128xf32, #tpu.memory_space<hbm>>) target(%arg10 : memref<128x128xf32, #tpu.memory_space<vmem>>) offsets(%dma_start3A_169 : memref<128xi32, #tpu.memory_space<vmem>>) semaphore(%arg13 : memref<!tpu.dma_semaphore, #tpu.memory_space<semaphore_mem>>)
          %mul3A_173 = arith.constant 8 : i32
          %mul3A_174 = arith.muli %add3A_77, %mul3A_173 : i32
          %add3A_175 = arith.constant 3 : i32
          %add3A_176 = arith.addi %mul3A_174, %add3A_175 : i32
          %dma_wait3A_177 = arith.constant 0 : i32
          %dma_wait3A_178 = arith.constant 0 : i32
          %dma_wait3A_179 = tpu.memref_slice %arg8[%dma_wait3A_177, %dma_wait3A_178] : memref<40x128xi32, #tpu.memory_space<vmem>> -> memref<1x128xi32, #tpu.memory_space<vmem>>
          %dma_wait3A_180 = tpu.memref_squeeze %dma_wait3A_179 : memref<1x128xi32, #tpu.memory_space<vmem>> -> memref<128xi32, #tpu.memory_space<vmem>>
          %dma_wait3A_181 = arith.constant 0 : i32
          %dma_wait3A_182 = arith.constant 0 : i32
          %dma_wait3A_183 = tpu.memref_slice %arg2[%dma_wait3A_181, %dma_wait3A_182] : memref<10240x128xf32, #tpu.memory_space<hbm>> -> memref<10240x128xf32, #tpu.memory_space<hbm>>
          tpu.wait_indirect_dma semaphore(%arg14 : memref<!tpu.dma_semaphore, #tpu.memory_space<semaphore_mem>>) src(%dma_wait3A_183 : memref<10240x128xf32, #tpu.memory_space<hbm>>) dst(%arg11 : memref<128x128xf32, #tpu.memory_space<vmem>>)
          %dma_start3A_184 = arith.constant 0 : i32
          %dma_start3A_185 = tpu.memref_slice %arg9[%add3A_176, %dma_start3A_184] : memref<40x128xi32, #tpu.memory_space<vmem>> -> memref<1x128xi32, #tpu.memory_space<vmem>>
          %dma_start3A_186 = tpu.memref_squeeze %dma_start3A_185 : memref<1x128xi32, #tpu.memory_space<vmem>> -> memref<128xi32, #tpu.memory_space<vmem>>
          %dma_start3A_187 = arith.constant 0 : i32
          %dma_start3A_188 = arith.constant 0 : i32
          %dma_start3A_189 = tpu.memref_slice %arg12[%dma_start3A_187, %dma_start3A_188] : memref<10240x128xf32, #tpu.memory_space<vmem_shared>> -> memref<10240x128xf32, #tpu.memory_space<vmem_shared>>
          tpu.enqueue_indirect_dma source(%arg11 : memref<128x128xf32, #tpu.memory_space<vmem>>) target(%dma_start3A_189 : memref<10240x128xf32, #tpu.memory_space<vmem_shared>>) offsets(%dma_start3A_186 : memref<128xi32, #tpu.memory_space<vmem>>) semaphore(%arg16 : memref<!tpu.dma_semaphore, #tpu.memory_space<semaphore_mem>>) {add = true}
          %dma_wait3A_190 = arith.constant 0 : i32
          %dma_wait3A_191 = arith.constant 0 : i32
          %dma_wait3A_192 = tpu.memref_slice %arg9[%dma_wait3A_190, %dma_wait3A_191] : memref<40x128xi32, #tpu.memory_space<vmem>> -> memref<1x128xi32, #tpu.memory_space<vmem>>
          %dma_wait3A_193 = tpu.memref_squeeze %dma_wait3A_192 : memref<1x128xi32, #tpu.memory_space<vmem>> -> memref<128xi32, #tpu.memory_space<vmem>>
          %dma_wait3A_194 = arith.constant 0 : i32
          %dma_wait3A_195 = arith.constant 0 : i32
          %dma_wait3A_196 = tpu.memref_slice %arg12[%dma_wait3A_194, %dma_wait3A_195] : memref<10240x128xf32, #tpu.memory_space<vmem_shared>> -> memref<10240x128xf32, #tpu.memory_space<vmem_shared>>
          tpu.wait_indirect_dma semaphore(%arg16 : memref<!tpu.dma_semaphore, #tpu.memory_space<semaphore_mem>>) src(%arg11 : memref<128x128xf32, #tpu.memory_space<vmem>>) dst(%dma_wait3A_196 : memref<10240x128xf32, #tpu.memory_space<vmem_shared>>)
          %add3A_197 = arith.constant 2 : i32
          %add3A_198 = arith.addi %add3A_176, %add3A_197 : i32
          %dma_start3A_199 = arith.constant 0 : i32
          %dma_start3A_200 = tpu.memref_slice %arg8[%add3A_198, %dma_start3A_199] : memref<40x128xi32, #tpu.memory_space<vmem>> -> memref<1x128xi32, #tpu.memory_space<vmem>>
          %dma_start3A_201 = tpu.memref_squeeze %dma_start3A_200 : memref<1x128xi32, #tpu.memory_space<vmem>> -> memref<128xi32, #tpu.memory_space<vmem>>
          %dma_start3A_202 = arith.constant 0 : i32
          %dma_start3A_203 = arith.constant 0 : i32
          %dma_start3A_204 = tpu.memref_slice %arg2[%dma_start3A_202, %dma_start3A_203] : memref<10240x128xf32, #tpu.memory_space<hbm>> -> memref<10240x128xf32, #tpu.memory_space<hbm>>
          tpu.enqueue_indirect_dma source(%dma_start3A_204 : memref<10240x128xf32, #tpu.memory_space<hbm>>) target(%arg11 : memref<128x128xf32, #tpu.memory_space<vmem>>) offsets(%dma_start3A_201 : memref<128xi32, #tpu.memory_space<vmem>>) semaphore(%arg14 : memref<!tpu.dma_semaphore, #tpu.memory_space<semaphore_mem>>)
          %mul3A_205 = arith.constant 8 : i32
          %mul3A_206 = arith.muli %add3A_77, %mul3A_205 : i32
          %add3A_207 = arith.constant 4 : i32
          %add3A_208 = arith.addi %mul3A_206, %add3A_207 : i32
          %dma_wait3A_209 = arith.constant 0 : i32
          %dma_wait3A_210 = arith.constant 0 : i32
          %dma_wait3A_211 = tpu.memref_slice %arg8[%dma_wait3A_209, %dma_wait3A_210] : memref<40x128xi32, #tpu.memory_space<vmem>> -> memref<1x128xi32, #tpu.memory_space<vmem>>
          %dma_wait3A_212 = tpu.memref_squeeze %dma_wait3A_211 : memref<1x128xi32, #tpu.memory_space<vmem>> -> memref<128xi32, #tpu.memory_space<vmem>>
          %dma_wait3A_213 = arith.constant 0 : i32
          %dma_wait3A_214 = arith.constant 0 : i32
          %dma_wait3A_215 = tpu.memref_slice %arg2[%dma_wait3A_213, %dma_wait3A_214] : memref<10240x128xf32, #tpu.memory_space<hbm>> -> memref<10240x128xf32, #tpu.memory_space<hbm>>
          tpu.wait_indirect_dma semaphore(%arg13 : memref<!tpu.dma_semaphore, #tpu.memory_space<semaphore_mem>>) src(%dma_wait3A_215 : memref<10240x128xf32, #tpu.memory_space<hbm>>) dst(%arg10 : memref<128x128xf32, #tpu.memory_space<vmem>>)
          %dma_start3A_216 = arith.constant 0 : i32
          %dma_start3A_217 = tpu.memref_slice %arg9[%add3A_208, %dma_start3A_216] : memref<40x128xi32, #tpu.memory_space<vmem>> -> memref<1x128xi32, #tpu.memory_space<vmem>>
          %dma_start3A_218 = tpu.memref_squeeze %dma_start3A_217 : memref<1x128xi32, #tpu.memory_space<vmem>> -> memref<128xi32, #tpu.memory_space<vmem>>
          %dma_start3A_219 = arith.constant 0 : i32
          %dma_start3A_220 = arith.constant 0 : i32
          %dma_start3A_221 = tpu.memref_slice %arg12[%dma_start3A_219, %dma_start3A_220] : memref<10240x128xf32, #tpu.memory_space<vmem_shared>> -> memref<10240x128xf32, #tpu.memory_space<vmem_shared>>
          tpu.enqueue_indirect_dma source(%arg10 : memref<128x128xf32, #tpu.memory_space<vmem>>) target(%dma_start3A_221 : memref<10240x128xf32, #tpu.memory_space<vmem_shared>>) offsets(%dma_start3A_218 : memref<128xi32, #tpu.memory_space<vmem>>) semaphore(%arg15 : memref<!tpu.dma_semaphore, #tpu.memory_space<semaphore_mem>>) {add = true}
          %dma_wait3A_222 = arith.constant 0 : i32
          %dma_wait3A_223 = arith.constant 0 : i32
          %dma_wait3A_224 = tpu.memref_slice %arg9[%dma_wait3A_222, %dma_wait3A_223] : memref<40x128xi32, #tpu.memory_space<vmem>> -> memref<1x128xi32, #tpu.memory_space<vmem>>
          %dma_wait3A_225 = tpu.memref_squeeze %dma_wait3A_224 : memref<1x128xi32, #tpu.memory_space<vmem>> -> memref<128xi32, #tpu.memory_space<vmem>>
          %dma_wait3A_226 = arith.constant 0 : i32
          %dma_wait3A_227 = arith.constant 0 : i32
          %dma_wait3A_228 = tpu.memref_slice %arg12[%dma_wait3A_226, %dma_wait3A_227] : memref<10240x128xf32, #tpu.memory_space<vmem_shared>> -> memref<10240x128xf32, #tpu.memory_space<vmem_shared>>
          tpu.wait_indirect_dma semaphore(%arg15 : memref<!tpu.dma_semaphore, #tpu.memory_space<semaphore_mem>>) src(%arg10 : memref<128x128xf32, #tpu.memory_space<vmem>>) dst(%dma_wait3A_228 : memref<10240x128xf32, #tpu.memory_space<vmem_shared>>)
          %add3A_229 = arith.constant 2 : i32
          %add3A_230 = arith.addi %add3A_208, %add3A_229 : i32
          %dma_start3A_231 = arith.constant 0 : i32
          %dma_start3A_232 = tpu.memref_slice %arg8[%add3A_230, %dma_start3A_231] : memref<40x128xi32, #tpu.memory_space<vmem>> -> memref<1x128xi32, #tpu.memory_space<vmem>>
          %dma_start3A_233 = tpu.memref_squeeze %dma_start3A_232 : memref<1x128xi32, #tpu.memory_space<vmem>> -> memref<128xi32, #tpu.memory_space<vmem>>
          %dma_start3A_234 = arith.constant 0 : i32
          %dma_start3A_235 = arith.constant 0 : i32
          %dma_start3A_236 = tpu.memref_slice %arg2[%dma_start3A_234, %dma_start3A_235] : memref<10240x128xf32, #tpu.memory_space<hbm>> -> memref<10240x128xf32, #tpu.memory_space<hbm>>
          tpu.enqueue_indirect_dma source(%dma_start3A_236 : memref<10240x128xf32, #tpu.memory_space<hbm>>) target(%arg10 : memref<128x128xf32, #tpu.memory_space<vmem>>) offsets(%dma_start3A_233 : memref<128xi32, #tpu.memory_space<vmem>>) semaphore(%arg13 : memref<!tpu.dma_semaphore, #tpu.memory_space<semaphore_mem>>)
          %mul3A_237 = arith.constant 8 : i32
          %mul3A_238 = arith.muli %add3A_77, %mul3A_237 : i32
          %add3A_239 = arith.constant 5 : i32
          %add3A_240 = arith.addi %mul3A_238, %add3A_239 : i32
          %dma_wait3A_241 = arith.constant 0 : i32
          %dma_wait3A_242 = arith.constant 0 : i32
          %dma_wait3A_243 = tpu.memref_slice %arg8[%dma_wait3A_241, %dma_wait3A_242] : memref<40x128xi32, #tpu.memory_space<vmem>> -> memref<1x128xi32, #tpu.memory_space<vmem>>
          %dma_wait3A_244 = tpu.memref_squeeze %dma_wait3A_243 : memref<1x128xi32, #tpu.memory_space<vmem>> -> memref<128xi32, #tpu.memory_space<vmem>>
          %dma_wait3A_245 = arith.constant 0 : i32
          %dma_wait3A_246 = arith.constant 0 : i32
          %dma_wait3A_247 = tpu.memref_slice %arg2[%dma_wait3A_245, %dma_wait3A_246] : memref<10240x128xf32, #tpu.memory_space<hbm>> -> memref<10240x128xf32, #tpu.memory_space<hbm>>
          tpu.wait_indirect_dma semaphore(%arg14 : memref<!tpu.dma_semaphore, #tpu.memory_space<semaphore_mem>>) src(%dma_wait3A_247 : memref<10240x128xf32, #tpu.memory_space<hbm>>) dst(%arg11 : memref<128x128xf32, #tpu.memory_space<vmem>>)
          %dma_start3A_248 = arith.constant 0 : i32
          %dma_start3A_249 = tpu.memref_slice %arg9[%add3A_240, %dma_start3A_248] : memref<40x128xi32, #tpu.memory_space<vmem>> -> memref<1x128xi32, #tpu.memory_space<vmem>>
          %dma_start3A_250 = tpu.memref_squeeze %dma_start3A_249 : memref<1x128xi32, #tpu.memory_space<vmem>> -> memref<128xi32, #tpu.memory_space<vmem>>
          %dma_start3A_251 = arith.constant 0 : i32
          %dma_start3A_252 = arith.constant 0 : i32
          %dma_start3A_253 = tpu.memref_slice %arg12[%dma_start3A_251, %dma_start3A_252] : memref<10240x128xf32, #tpu.memory_space<vmem_shared>> -> memref<10240x128xf32, #tpu.memory_space<vmem_shared>>
          tpu.enqueue_indirect_dma source(%arg11 : memref<128x128xf32, #tpu.memory_space<vmem>>) target(%dma_start3A_253 : memref<10240x128xf32, #tpu.memory_space<vmem_shared>>) offsets(%dma_start3A_250 : memref<128xi32, #tpu.memory_space<vmem>>) semaphore(%arg16 : memref<!tpu.dma_semaphore, #tpu.memory_space<semaphore_mem>>) {add = true}
          %dma_wait3A_254 = arith.constant 0 : i32
          %dma_wait3A_255 = arith.constant 0 : i32
          %dma_wait3A_256 = tpu.memref_slice %arg9[%dma_wait3A_254, %dma_wait3A_255] : memref<40x128xi32, #tpu.memory_space<vmem>> -> memref<1x128xi32, #tpu.memory_space<vmem>>
          %dma_wait3A_257 = tpu.memref_squeeze %dma_wait3A_256 : memref<1x128xi32, #tpu.memory_space<vmem>> -> memref<128xi32, #tpu.memory_space<vmem>>
          %dma_wait3A_258 = arith.constant 0 : i32
          %dma_wait3A_259 = arith.constant 0 : i32
          %dma_wait3A_260 = tpu.memref_slice %arg12[%dma_wait3A_258, %dma_wait3A_259] : memref<10240x128xf32, #tpu.memory_space<vmem_shared>> -> memref<10240x128xf32, #tpu.memory_space<vmem_shared>>
          tpu.wait_indirect_dma semaphore(%arg16 : memref<!tpu.dma_semaphore, #tpu.memory_space<semaphore_mem>>) src(%arg11 : memref<128x128xf32, #tpu.memory_space<vmem>>) dst(%dma_wait3A_260 : memref<10240x128xf32, #tpu.memory_space<vmem_shared>>)
          %add3A_261 = arith.constant 2 : i32
          %add3A_262 = arith.addi %add3A_240, %add3A_261 : i32
          %dma_start3A_263 = arith.constant 0 : i32
          %dma_start3A_264 = tpu.memref_slice %arg8[%add3A_262, %dma_start3A_263] : memref<40x128xi32, #tpu.memory_space<vmem>> -> memref<1x128xi32, #tpu.memory_space<vmem>>
          %dma_start3A_265 = tpu.memref_squeeze %dma_start3A_264 : memref<1x128xi32, #tpu.memory_space<vmem>> -> memref<128xi32, #tpu.memory_space<vmem>>
          %dma_start3A_266 = arith.constant 0 : i32
          %dma_start3A_267 = arith.constant 0 : i32
          %dma_start3A_268 = tpu.memref_slice %arg2[%dma_start3A_266, %dma_start3A_267] : memref<10240x128xf32, #tpu.memory_space<hbm>> -> memref<10240x128xf32, #tpu.memory_space<hbm>>
          tpu.enqueue_indirect_dma source(%dma_start3A_268 : memref<10240x128xf32, #tpu.memory_space<hbm>>) target(%arg11 : memref<128x128xf32, #tpu.memory_space<vmem>>) offsets(%dma_start3A_265 : memref<128xi32, #tpu.memory_space<vmem>>) semaphore(%arg14 : memref<!tpu.dma_semaphore, #tpu.memory_space<semaphore_mem>>)
          %mul3A_269 = arith.constant 8 : i32
          %mul3A_270 = arith.muli %add3A_77, %mul3A_269 : i32
          %add3A_271 = arith.constant 6 : i32
          %add3A_272 = arith.addi %mul3A_270, %add3A_271 : i32
          %dma_wait3A_273 = arith.constant 0 : i32
          %dma_wait3A_274 = arith.constant 0 : i32
          %dma_wait3A_275 = tpu.memref_slice %arg8[%dma_wait3A_273, %dma_wait3A_274] : memref<40x128xi32, #tpu.memory_space<vmem>> -> memref<1x128xi32, #tpu.memory_space<vmem>>
          %dma_wait3A_276 = tpu.memref_squeeze %dma_wait3A_275 : memref<1x128xi32, #tpu.memory_space<vmem>> -> memref<128xi32, #tpu.memory_space<vmem>>
          %dma_wait3A_277 = arith.constant 0 : i32
          %dma_wait3A_278 = arith.constant 0 : i32
          %dma_wait3A_279 = tpu.memref_slice %arg2[%dma_wait3A_277, %dma_wait3A_278] : memref<10240x128xf32, #tpu.memory_space<hbm>> -> memref<10240x128xf32, #tpu.memory_space<hbm>>
          tpu.wait_indirect_dma semaphore(%arg13 : memref<!tpu.dma_semaphore, #tpu.memory_space<semaphore_mem>>) src(%dma_wait3A_279 : memref<10240x128xf32, #tpu.memory_space<hbm>>) dst(%arg10 : memref<128x128xf32, #tpu.memory_space<vmem>>)
          %dma_start3A_280 = arith.constant 0 : i32
          %dma_start3A_281 = tpu.memref_slice %arg9[%add3A_272, %dma_start3A_280] : memref<40x128xi32, #tpu.memory_space<vmem>> -> memref<1x128xi32, #tpu.memory_space<vmem>>
          %dma_start3A_282 = tpu.memref_squeeze %dma_start3A_281 : memref<1x128xi32, #tpu.memory_space<vmem>> -> memref<128xi32, #tpu.memory_space<vmem>>
          %dma_start3A_283 = arith.constant 0 : i32
          %dma_start3A_284 = arith.constant 0 : i32
          %dma_start3A_285 = tpu.memref_slice %arg12[%dma_start3A_283, %dma_start3A_284] : memref<10240x128xf32, #tpu.memory_space<vmem_shared>> -> memref<10240x128xf32, #tpu.memory_space<vmem_shared>>
          tpu.enqueue_indirect_dma source(%arg10 : memref<128x128xf32, #tpu.memory_space<vmem>>) target(%dma_start3A_285 : memref<10240x128xf32, #tpu.memory_space<vmem_shared>>) offsets(%dma_start3A_282 : memref<128xi32, #tpu.memory_space<vmem>>) semaphore(%arg15 : memref<!tpu.dma_semaphore, #tpu.memory_space<semaphore_mem>>) {add = true}
          %dma_wait3A_286 = arith.constant 0 : i32
          %dma_wait3A_287 = arith.constant 0 : i32
          %dma_wait3A_288 = tpu.memref_slice %arg9[%dma_wait3A_286, %dma_wait3A_287] : memref<40x128xi32, #tpu.memory_space<vmem>> -> memref<1x128xi32, #tpu.memory_space<vmem>>
          %dma_wait3A_289 = tpu.memref_squeeze %dma_wait3A_288 : memref<1x128xi32, #tpu.memory_space<vmem>> -> memref<128xi32, #tpu.memory_space<vmem>>
          %dma_wait3A_290 = arith.constant 0 : i32
          %dma_wait3A_291 = arith.constant 0 : i32
          %dma_wait3A_292 = tpu.memref_slice %arg12[%dma_wait3A_290, %dma_wait3A_291] : memref<10240x128xf32, #tpu.memory_space<vmem_shared>> -> memref<10240x128xf32, #tpu.memory_space<vmem_shared>>
          tpu.wait_indirect_dma semaphore(%arg15 : memref<!tpu.dma_semaphore, #tpu.memory_space<semaphore_mem>>) src(%arg10 : memref<128x128xf32, #tpu.memory_space<vmem>>) dst(%dma_wait3A_292 : memref<10240x128xf32, #tpu.memory_space<vmem_shared>>)
          %lt3A = arith.constant 4 : i32
          %lt3A_293 = arith.cmpi slt, %add3A_77, %lt3A : i32
          %convert_element_type3A_294 = arith.extui %lt3A_293 : i1 to i32
          %cond3A_295 = arith.constant 0 : i32
          %cond3A_296 = arith.cmpi ne, %convert_element_type3A_294, %cond3A_295 : i32
          scf.if %cond3A_296 {
            %add3A_326 = arith.constant 2 : i32
            %add3A_327 = arith.addi %add3A_272, %add3A_326 : i32
            %dma_start3A_328 = arith.constant 0 : i32
            %dma_start3A_329 = tpu.memref_slice %arg8[%add3A_327, %dma_start3A_328] : memref<40x128xi32, #tpu.memory_space<vmem>> -> memref<1x128xi32, #tpu.memory_space<vmem>>
            %dma_start3A_330 = tpu.memref_squeeze %dma_start3A_329 : memref<1x128xi32, #tpu.memory_space<vmem>> -> memref<128xi32, #tpu.memory_space<vmem>>
            %dma_start3A_331 = arith.constant 0 : i32
            %dma_start3A_332 = arith.constant 0 : i32
            %dma_start3A_333 = tpu.memref_slice %arg2[%dma_start3A_331, %dma_start3A_332] : memref<10240x128xf32, #tpu.memory_space<hbm>> -> memref<10240x128xf32, #tpu.memory_space<hbm>>
            tpu.enqueue_indirect_dma source(%dma_start3A_333 : memref<10240x128xf32, #tpu.memory_space<hbm>>) target(%arg10 : memref<128x128xf32, #tpu.memory_space<vmem>>) offsets(%dma_start3A_330 : memref<128xi32, #tpu.memory_space<vmem>>) semaphore(%arg13 : memref<!tpu.dma_semaphore, #tpu.memory_space<semaphore_mem>>)
          } else {
          }
          %mul3A_297 = arith.constant 8 : i32
          %mul3A_298 = arith.muli %add3A_77, %mul3A_297 : i32
          %add3A_299 = arith.constant 7 : i32
          %add3A_300 = arith.addi %mul3A_298, %add3A_299 : i32
          %dma_wait3A_301 = arith.constant 0 : i32
          %dma_wait3A_302 = arith.constant 0 : i32
          %dma_wait3A_303 = tpu.memref_slice %arg8[%dma_wait3A_301, %dma_wait3A_302] : memref<40x128xi32, #tpu.memory_space<vmem>> -> memref<1x128xi32, #tpu.memory_space<vmem>>
          %dma_wait3A_304 = tpu.memref_squeeze %dma_wait3A_303 : memref<1x128xi32, #tpu.memory_space<vmem>> -> memref<128xi32, #tpu.memory_space<vmem>>
          %dma_wait3A_305 = arith.constant 0 : i32
          %dma_wait3A_306 = arith.constant 0 : i32
          %dma_wait3A_307 = tpu.memref_slice %arg2[%dma_wait3A_305, %dma_wait3A_306] : memref<10240x128xf32, #tpu.memory_space<hbm>> -> memref<10240x128xf32, #tpu.memory_space<hbm>>
          tpu.wait_indirect_dma semaphore(%arg14 : memref<!tpu.dma_semaphore, #tpu.memory_space<semaphore_mem>>) src(%dma_wait3A_307 : memref<10240x128xf32, #tpu.memory_space<hbm>>) dst(%arg11 : memref<128x128xf32, #tpu.memory_space<vmem>>)
          %dma_start3A_308 = arith.constant 0 : i32
          %dma_start3A_309 = tpu.memref_slice %arg9[%add3A_300, %dma_start3A_308] : memref<40x128xi32, #tpu.memory_space<vmem>> -> memref<1x128xi32, #tpu.memory_space<vmem>>
          %dma_start3A_310 = tpu.memref_squeeze %dma_start3A_309 : memref<1x128xi32, #tpu.memory_space<vmem>> -> memref<128xi32, #tpu.memory_space<vmem>>
          %dma_start3A_311 = arith.constant 0 : i32
          %dma_start3A_312 = arith.constant 0 : i32
          %dma_start3A_313 = tpu.memref_slice %arg12[%dma_start3A_311, %dma_start3A_312] : memref<10240x128xf32, #tpu.memory_space<vmem_shared>> -> memref<10240x128xf32, #tpu.memory_space<vmem_shared>>
          tpu.enqueue_indirect_dma source(%arg11 : memref<128x128xf32, #tpu.memory_space<vmem>>) target(%dma_start3A_313 : memref<10240x128xf32, #tpu.memory_space<vmem_shared>>) offsets(%dma_start3A_310 : memref<128xi32, #tpu.memory_space<vmem>>) semaphore(%arg16 : memref<!tpu.dma_semaphore, #tpu.memory_space<semaphore_mem>>) {add = true}
          %dma_wait3A_314 = arith.constant 0 : i32
          %dma_wait3A_315 = arith.constant 0 : i32
          %dma_wait3A_316 = tpu.memref_slice %arg9[%dma_wait3A_314, %dma_wait3A_315] : memref<40x128xi32, #tpu.memory_space<vmem>> -> memref<1x128xi32, #tpu.memory_space<vmem>>
          %dma_wait3A_317 = tpu.memref_squeeze %dma_wait3A_316 : memref<1x128xi32, #tpu.memory_space<vmem>> -> memref<128xi32, #tpu.memory_space<vmem>>
          %dma_wait3A_318 = arith.constant 0 : i32
          %dma_wait3A_319 = arith.constant 0 : i32
          %dma_wait3A_320 = tpu.memref_slice %arg12[%dma_wait3A_318, %dma_wait3A_319] : memref<10240x128xf32, #tpu.memory_space<vmem_shared>> -> memref<10240x128xf32, #tpu.memory_space<vmem_shared>>
          tpu.wait_indirect_dma semaphore(%arg16 : memref<!tpu.dma_semaphore, #tpu.memory_space<semaphore_mem>>) src(%arg11 : memref<128x128xf32, #tpu.memory_space<vmem>>) dst(%dma_wait3A_320 : memref<10240x128xf32, #tpu.memory_space<vmem_shared>>)
          %lt3A_321 = arith.constant 4 : i32
          %lt3A_322 = arith.cmpi slt, %add3A_77, %lt3A_321 : i32
          %convert_element_type3A_323 = arith.extui %lt3A_322 : i1 to i32
          %cond3A_324 = arith.constant 0 : i32
          %cond3A_325 = arith.cmpi ne, %convert_element_type3A_323, %cond3A_324 : i32
          scf.if %cond3A_325 {
            %add3A_326 = arith.constant 2 : i32
            %add3A_327 = arith.addi %add3A_300, %add3A_326 : i32
            %dma_start3A_328 = arith.constant 0 : i32
            %dma_start3A_329 = tpu.memref_slice %arg8[%add3A_327, %dma_start3A_328] : memref<40x128xi32, #tpu.memory_space<vmem>> -> memref<1x128xi32, #tpu.memory_space<vmem>>
            %dma_start3A_330 = tpu.memref_squeeze %dma_start3A_329 : memref<1x128xi32, #tpu.memory_space<vmem>> -> memref<128xi32, #tpu.memory_space<vmem>>
            %dma_start3A_331 = arith.constant 0 : i32
            %dma_start3A_332 = arith.constant 0 : i32
            %dma_start3A_333 = tpu.memref_slice %arg2[%dma_start3A_331, %dma_start3A_332] : memref<10240x128xf32, #tpu.memory_space<hbm>> -> memref<10240x128xf32, #tpu.memory_space<hbm>>
            tpu.enqueue_indirect_dma source(%dma_start3A_333 : memref<10240x128xf32, #tpu.memory_space<hbm>>) target(%arg11 : memref<128x128xf32, #tpu.memory_space<vmem>>) offsets(%dma_start3A_330 : memref<128xi32, #tpu.memory_space<vmem>>) semaphore(%arg14 : memref<!tpu.dma_semaphore, #tpu.memory_space<semaphore_mem>>)
          } else {
          }
        }
        %scan3A_72 = arith.constant 5 : i32
      }
      %scan3A_46 = arith.constant 4 : i32
    } else {
    }
    %eq3A_24 = arith.constant 1 : i32
    %eq3A_25 = arith.cmpi eq, %arg0, %eq3A_24 : i32
    %convert_element_type3A_26 = arith.extui %eq3A_25 : i1 to i32
    %cond3A_27 = arith.constant 0 : i32
    %cond3A_28 = arith.cmpi ne, %convert_element_type3A_26, %cond3A_27 : i32
    scf.if %cond3A_28 {
      %mul3A_40 = arith.constant 160 : i32
      %mul3A_41 = arith.muli %arg1, %mul3A_40 : i32
      %scan3A_42 = arith.constant 0 : i32
      %scan3A_43 = arith.constant 4 : i32
      %scan3A_44 = arith.addi %scan3A_42, %scan3A_43 : i32
      %scan3A_45 = arith.constant 1 : i32
      scf.for %scan3A_47 = %scan3A_42 to %scan3A_44 step %scan3A_45  : i32 {
        %mul3A_48 = arith.constant 1 : i32
        %mul3A_49 = arith.muli %scan3A_47, %mul3A_48 : i32
        %add3A_50 = arith.constant 0 : i32
        %add3A_51 = arith.addi %add3A_50, %mul3A_49 : i32
        %mul3A_52 = arith.constant 40 : i32
        %mul3A_53 = arith.muli %add3A_51, %mul3A_52 : i32
        %add3A_54 = arith.addi %mul3A_41, %mul3A_53 : i32
        "tpu.region"() ({
          %run_scoped3A = tpu.sem_alloc : memref<!tpu.dma_semaphore, #tpu.memory_space<semaphore_mem>>
          %dma_start3A_73 = arith.constant 0 : i32
          %dma_start3A_74 = tpu.memref_slice %arg5[%add3A_54, %dma_start3A_73] : memref<2560x128xi32, #tpu.memory_space<hbm>> -> memref<40x128xi32, #tpu.memory_space<hbm>>
          %dma_start3A_75 = arith.constant 0 : i32
          %dma_start3A_76 = tpu.memref_slice %arg5[%add3A_54, %dma_start3A_75] : memref<2560x128xi32, #tpu.memory_space<hbm>> -> memref<40x128xi32, #tpu.memory_space<hbm>>
          tpu.enqueue_dma source(%dma_start3A_76 : memref<40x128xi32, #tpu.memory_space<hbm>>) target(%arg8 : memref<40x128xi32, #tpu.memory_space<vmem>>) target_semaphore(%run_scoped3A : memref<!tpu.dma_semaphore, #tpu.memory_space<semaphore_mem>>)
          %dma_wait3A = arith.constant 0 : i32
          %dma_wait3A_77 = tpu.memref_slice %arg5[%add3A_54, %dma_wait3A] : memref<2560x128xi32, #tpu.memory_space<hbm>> -> memref<40x128xi32, #tpu.memory_space<hbm>>
          %dma_wait3A_78 = arith.constant 0 : i32
          %dma_wait3A_79 = tpu.memref_slice %arg5[%add3A_54, %dma_wait3A_78] : memref<2560x128xi32, #tpu.memory_space<hbm>> -> memref<40x128xi32, #tpu.memory_space<hbm>>
          tpu.wait_dma2 semaphore(%run_scoped3A : memref<!tpu.dma_semaphore, #tpu.memory_space<semaphore_mem>>) src(%dma_wait3A_79 : memref<40x128xi32, #tpu.memory_space<hbm>>) dst(%arg8 : memref<40x128xi32, #tpu.memory_space<vmem>>)
          tpu.yield
        }) : () -> ()
        "tpu.region"() ({
          %run_scoped3A = tpu.sem_alloc : memref<!tpu.dma_semaphore, #tpu.memory_space<semaphore_mem>>
          %dma_start3A_73 = arith.constant 0 : i32
          %dma_start3A_74 = tpu.memref_slice %arg4[%add3A_54, %dma_start3A_73] : memref<2560x128xi32, #tpu.memory_space<hbm>> -> memref<40x128xi32, #tpu.memory_space<hbm>>
          %dma_start3A_75 = arith.constant 0 : i32
          %dma_start3A_76 = tpu.memref_slice %arg4[%add3A_54, %dma_start3A_75] : memref<2560x128xi32, #tpu.memory_space<hbm>> -> memref<40x128xi32, #tpu.memory_space<hbm>>
          tpu.enqueue_dma source(%dma_start3A_76 : memref<40x128xi32, #tpu.memory_space<hbm>>) target(%arg9 : memref<40x128xi32, #tpu.memory_space<vmem>>) target_semaphore(%run_scoped3A : memref<!tpu.dma_semaphore, #tpu.memory_space<semaphore_mem>>)
          %dma_wait3A = arith.constant 0 : i32
          %dma_wait3A_77 = tpu.memref_slice %arg4[%add3A_54, %dma_wait3A] : memref<2560x128xi32, #tpu.memory_space<hbm>> -> memref<40x128xi32, #tpu.memory_space<hbm>>
          %dma_wait3A_78 = arith.constant 0 : i32
          %dma_wait3A_79 = tpu.memref_slice %arg4[%add3A_54, %dma_wait3A_78] : memref<2560x128xi32, #tpu.memory_space<hbm>> -> memref<40x128xi32, #tpu.memory_space<hbm>>
          tpu.wait_dma2 semaphore(%run_scoped3A : memref<!tpu.dma_semaphore, #tpu.memory_space<semaphore_mem>>) src(%dma_wait3A_79 : memref<40x128xi32, #tpu.memory_space<hbm>>) dst(%arg9 : memref<40x128xi32, #tpu.memory_space<vmem>>)
          tpu.yield
        }) : () -> ()
        %dma_start3A = arith.constant 0 : i32
        %dma_start3A_55 = arith.constant 0 : i32
        %dma_start3A_56 = tpu.memref_slice %arg8[%dma_start3A, %dma_start3A_55] : memref<40x128xi32, #tpu.memory_space<vmem>> -> memref<1x128xi32, #tpu.memory_space<vmem>>
        %dma_start3A_57 = tpu.memref_squeeze %dma_start3A_56 : memref<1x128xi32, #tpu.memory_space<vmem>> -> memref<128xi32, #tpu.memory_space<vmem>>
        %dma_start3A_58 = arith.constant 0 : i32
        %dma_start3A_59 = arith.constant 0 : i32
        %dma_start3A_60 = tpu.memref_slice %arg3[%dma_start3A_58, %dma_start3A_59] : memref<10240x128xf32, #tpu.memory_space<hbm>> -> memref<10240x128xf32, #tpu.memory_space<hbm>>
        tpu.enqueue_indirect_dma source(%dma_start3A_60 : memref<10240x128xf32, #tpu.memory_space<hbm>>) target(%arg10 : memref<128x128xf32, #tpu.memory_space<vmem>>) offsets(%dma_start3A_57 : memref<128xi32, #tpu.memory_space<vmem>>) semaphore(%arg13 : memref<!tpu.dma_semaphore, #tpu.memory_space<semaphore_mem>>)
        %dma_start3A_61 = arith.constant 1 : i32
        %dma_start3A_62 = arith.constant 0 : i32
        %dma_start3A_63 = tpu.memref_slice %arg8[%dma_start3A_61, %dma_start3A_62] : memref<40x128xi32, #tpu.memory_space<vmem>> -> memref<1x128xi32, #tpu.memory_space<vmem>>
        %dma_start3A_64 = tpu.memref_squeeze %dma_start3A_63 : memref<1x128xi32, #tpu.memory_space<vmem>> -> memref<128xi32, #tpu.memory_space<vmem>>
        %dma_start3A_65 = arith.constant 0 : i32
        %dma_start3A_66 = arith.constant 0 : i32
        %dma_start3A_67 = tpu.memref_slice %arg3[%dma_start3A_65, %dma_start3A_66] : memref<10240x128xf32, #tpu.memory_space<hbm>> -> memref<10240x128xf32, #tpu.memory_space<hbm>>
        tpu.enqueue_indirect_dma source(%dma_start3A_67 : memref<10240x128xf32, #tpu.memory_space<hbm>>) target(%arg11 : memref<128x128xf32, #tpu.memory_space<vmem>>) offsets(%dma_start3A_64 : memref<128xi32, #tpu.memory_space<vmem>>) semaphore(%arg14 : memref<!tpu.dma_semaphore, #tpu.memory_space<semaphore_mem>>)
        %scan3A_68 = arith.constant 0 : i32
        %scan3A_69 = arith.constant 5 : i32
        %scan3A_70 = arith.addi %scan3A_68, %scan3A_69 : i32
        %scan3A_71 = arith.constant 1 : i32
        scf.for %scan3A_73 = %scan3A_68 to %scan3A_70 step %scan3A_71  : i32 {
          %mul3A_74 = arith.constant 1 : i32
          %mul3A_75 = arith.muli %scan3A_73, %mul3A_74 : i32
          %add3A_76 = arith.constant 0 : i32
          %add3A_77 = arith.addi %add3A_76, %mul3A_75 : i32
          %mul3A_78 = arith.constant 8 : i32
          %mul3A_79 = arith.muli %add3A_77, %mul3A_78 : i32
          %add3A_80 = arith.constant 0 : i32
          %add3A_81 = arith.addi %mul3A_79, %add3A_80 : i32
          %dma_wait3A = arith.constant 0 : i32
          %dma_wait3A_82 = arith.constant 0 : i32
          %dma_wait3A_83 = tpu.memref_slice %arg8[%dma_wait3A, %dma_wait3A_82] : memref<40x128xi32, #tpu.memory_space<vmem>> -> memref<1x128xi32, #tpu.memory_space<vmem>>
          %dma_wait3A_84 = tpu.memref_squeeze %dma_wait3A_83 : memref<1x128xi32, #tpu.memory_space<vmem>> -> memref<128xi32, #tpu.memory_space<vmem>>
          %dma_wait3A_85 = arith.constant 0 : i32
          %dma_wait3A_86 = arith.constant 0 : i32
          %dma_wait3A_87 = tpu.memref_slice %arg3[%dma_wait3A_85, %dma_wait3A_86] : memref<10240x128xf32, #tpu.memory_space<hbm>> -> memref<10240x128xf32, #tpu.memory_space<hbm>>
          tpu.wait_indirect_dma semaphore(%arg13 : memref<!tpu.dma_semaphore, #tpu.memory_space<semaphore_mem>>) src(%dma_wait3A_87 : memref<10240x128xf32, #tpu.memory_space<hbm>>) dst(%arg10 : memref<128x128xf32, #tpu.memory_space<vmem>>)
          %dma_start3A_88 = arith.constant 0 : i32
          %dma_start3A_89 = tpu.memref_slice %arg9[%add3A_81, %dma_start3A_88] : memref<40x128xi32, #tpu.memory_space<vmem>> -> memref<1x128xi32, #tpu.memory_space<vmem>>
          %dma_start3A_90 = tpu.memref_squeeze %dma_start3A_89 : memref<1x128xi32, #tpu.memory_space<vmem>> -> memref<128xi32, #tpu.memory_space<vmem>>
          %dma_start3A_91 = arith.constant 0 : i32
          %dma_start3A_92 = arith.constant 0 : i32
          %dma_start3A_93 = tpu.memref_slice %arg12[%dma_start3A_91, %dma_start3A_92] : memref<10240x128xf32, #tpu.memory_space<vmem_shared>> -> memref<10240x128xf32, #tpu.memory_space<vmem_shared>>
          tpu.enqueue_indirect_dma source(%arg10 : memref<128x128xf32, #tpu.memory_space<vmem>>) target(%dma_start3A_93 : memref<10240x128xf32, #tpu.memory_space<vmem_shared>>) offsets(%dma_start3A_90 : memref<128xi32, #tpu.memory_space<vmem>>) semaphore(%arg15 : memref<!tpu.dma_semaphore, #tpu.memory_space<semaphore_mem>>) {add = true}
          %dma_wait3A_94 = arith.constant 0 : i32
          %dma_wait3A_95 = arith.constant 0 : i32
          %dma_wait3A_96 = tpu.memref_slice %arg9[%dma_wait3A_94, %dma_wait3A_95] : memref<40x128xi32, #tpu.memory_space<vmem>> -> memref<1x128xi32, #tpu.memory_space<vmem>>
          %dma_wait3A_97 = tpu.memref_squeeze %dma_wait3A_96 : memref<1x128xi32, #tpu.memory_space<vmem>> -> memref<128xi32, #tpu.memory_space<vmem>>
          %dma_wait3A_98 = arith.constant 0 : i32
          %dma_wait3A_99 = arith.constant 0 : i32
          %dma_wait3A_100 = tpu.memref_slice %arg12[%dma_wait3A_98, %dma_wait3A_99] : memref<10240x128xf32, #tpu.memory_space<vmem_shared>> -> memref<10240x128xf32, #tpu.memory_space<vmem_shared>>
          tpu.wait_indirect_dma semaphore(%arg15 : memref<!tpu.dma_semaphore, #tpu.memory_space<semaphore_mem>>) src(%arg10 : memref<128x128xf32, #tpu.memory_space<vmem>>) dst(%dma_wait3A_100 : memref<10240x128xf32, #tpu.memory_space<vmem_shared>>)
          %add3A_101 = arith.constant 2 : i32
          %add3A_102 = arith.addi %add3A_81, %add3A_101 : i32
          %dma_start3A_103 = arith.constant 0 : i32
          %dma_start3A_104 = tpu.memref_slice %arg8[%add3A_102, %dma_start3A_103] : memref<40x128xi32, #tpu.memory_space<vmem>> -> memref<1x128xi32, #tpu.memory_space<vmem>>
          %dma_start3A_105 = tpu.memref_squeeze %dma_start3A_104 : memref<1x128xi32, #tpu.memory_space<vmem>> -> memref<128xi32, #tpu.memory_space<vmem>>
          %dma_start3A_106 = arith.constant 0 : i32
          %dma_start3A_107 = arith.constant 0 : i32
          %dma_start3A_108 = tpu.memref_slice %arg3[%dma_start3A_106, %dma_start3A_107] : memref<10240x128xf32, #tpu.memory_space<hbm>> -> memref<10240x128xf32, #tpu.memory_space<hbm>>
          tpu.enqueue_indirect_dma source(%dma_start3A_108 : memref<10240x128xf32, #tpu.memory_space<hbm>>) target(%arg10 : memref<128x128xf32, #tpu.memory_space<vmem>>) offsets(%dma_start3A_105 : memref<128xi32, #tpu.memory_space<vmem>>) semaphore(%arg13 : memref<!tpu.dma_semaphore, #tpu.memory_space<semaphore_mem>>)
          %mul3A_109 = arith.constant 8 : i32
          %mul3A_110 = arith.muli %add3A_77, %mul3A_109 : i32
          %add3A_111 = arith.constant 1 : i32
          %add3A_112 = arith.addi %mul3A_110, %add3A_111 : i32
          %dma_wait3A_113 = arith.constant 0 : i32
          %dma_wait3A_114 = arith.constant 0 : i32
          %dma_wait3A_115 = tpu.memref_slice %arg8[%dma_wait3A_113, %dma_wait3A_114] : memref<40x128xi32, #tpu.memory_space<vmem>> -> memref<1x128xi32, #tpu.memory_space<vmem>>
          %dma_wait3A_116 = tpu.memref_squeeze %dma_wait3A_115 : memref<1x128xi32, #tpu.memory_space<vmem>> -> memref<128xi32, #tpu.memory_space<vmem>>
          %dma_wait3A_117 = arith.constant 0 : i32
          %dma_wait3A_118 = arith.constant 0 : i32
          %dma_wait3A_119 = tpu.memref_slice %arg3[%dma_wait3A_117, %dma_wait3A_118] : memref<10240x128xf32, #tpu.memory_space<hbm>> -> memref<10240x128xf32, #tpu.memory_space<hbm>>
          tpu.wait_indirect_dma semaphore(%arg14 : memref<!tpu.dma_semaphore, #tpu.memory_space<semaphore_mem>>) src(%dma_wait3A_119 : memref<10240x128xf32, #tpu.memory_space<hbm>>) dst(%arg11 : memref<128x128xf32, #tpu.memory_space<vmem>>)
          %dma_start3A_120 = arith.constant 0 : i32
          %dma_start3A_121 = tpu.memref_slice %arg9[%add3A_112, %dma_start3A_120] : memref<40x128xi32, #tpu.memory_space<vmem>> -> memref<1x128xi32, #tpu.memory_space<vmem>>
          %dma_start3A_122 = tpu.memref_squeeze %dma_start3A_121 : memref<1x128xi32, #tpu.memory_space<vmem>> -> memref<128xi32, #tpu.memory_space<vmem>>
          %dma_start3A_123 = arith.constant 0 : i32
          %dma_start3A_124 = arith.constant 0 : i32
          %dma_start3A_125 = tpu.memref_slice %arg12[%dma_start3A_123, %dma_start3A_124] : memref<10240x128xf32, #tpu.memory_space<vmem_shared>> -> memref<10240x128xf32, #tpu.memory_space<vmem_shared>>
          tpu.enqueue_indirect_dma source(%arg11 : memref<128x128xf32, #tpu.memory_space<vmem>>) target(%dma_start3A_125 : memref<10240x128xf32, #tpu.memory_space<vmem_shared>>) offsets(%dma_start3A_122 : memref<128xi32, #tpu.memory_space<vmem>>) semaphore(%arg16 : memref<!tpu.dma_semaphore, #tpu.memory_space<semaphore_mem>>) {add = true}
          %dma_wait3A_126 = arith.constant 0 : i32
          %dma_wait3A_127 = arith.constant 0 : i32
          %dma_wait3A_128 = tpu.memref_slice %arg9[%dma_wait3A_126, %dma_wait3A_127] : memref<40x128xi32, #tpu.memory_space<vmem>> -> memref<1x128xi32, #tpu.memory_space<vmem>>
          %dma_wait3A_129 = tpu.memref_squeeze %dma_wait3A_128 : memref<1x128xi32, #tpu.memory_space<vmem>> -> memref<128xi32, #tpu.memory_space<vmem>>
          %dma_wait3A_130 = arith.constant 0 : i32
          %dma_wait3A_131 = arith.constant 0 : i32
          %dma_wait3A_132 = tpu.memref_slice %arg12[%dma_wait3A_130, %dma_wait3A_131] : memref<10240x128xf32, #tpu.memory_space<vmem_shared>> -> memref<10240x128xf32, #tpu.memory_space<vmem_shared>>
          tpu.wait_indirect_dma semaphore(%arg16 : memref<!tpu.dma_semaphore, #tpu.memory_space<semaphore_mem>>) src(%arg11 : memref<128x128xf32, #tpu.memory_space<vmem>>) dst(%dma_wait3A_132 : memref<10240x128xf32, #tpu.memory_space<vmem_shared>>)
          %add3A_133 = arith.constant 2 : i32
          %add3A_134 = arith.addi %add3A_112, %add3A_133 : i32
          %dma_start3A_135 = arith.constant 0 : i32
          %dma_start3A_136 = tpu.memref_slice %arg8[%add3A_134, %dma_start3A_135] : memref<40x128xi32, #tpu.memory_space<vmem>> -> memref<1x128xi32, #tpu.memory_space<vmem>>
          %dma_start3A_137 = tpu.memref_squeeze %dma_start3A_136 : memref<1x128xi32, #tpu.memory_space<vmem>> -> memref<128xi32, #tpu.memory_space<vmem>>
          %dma_start3A_138 = arith.constant 0 : i32
          %dma_start3A_139 = arith.constant 0 : i32
          %dma_start3A_140 = tpu.memref_slice %arg3[%dma_start3A_138, %dma_start3A_139] : memref<10240x128xf32, #tpu.memory_space<hbm>> -> memref<10240x128xf32, #tpu.memory_space<hbm>>
          tpu.enqueue_indirect_dma source(%dma_start3A_140 : memref<10240x128xf32, #tpu.memory_space<hbm>>) target(%arg11 : memref<128x128xf32, #tpu.memory_space<vmem>>) offsets(%dma_start3A_137 : memref<128xi32, #tpu.memory_space<vmem>>) semaphore(%arg14 : memref<!tpu.dma_semaphore, #tpu.memory_space<semaphore_mem>>)
          %mul3A_141 = arith.constant 8 : i32
          %mul3A_142 = arith.muli %add3A_77, %mul3A_141 : i32
          %add3A_143 = arith.constant 2 : i32
          %add3A_144 = arith.addi %mul3A_142, %add3A_143 : i32
          %dma_wait3A_145 = arith.constant 0 : i32
          %dma_wait3A_146 = arith.constant 0 : i32
          %dma_wait3A_147 = tpu.memref_slice %arg8[%dma_wait3A_145, %dma_wait3A_146] : memref<40x128xi32, #tpu.memory_space<vmem>> -> memref<1x128xi32, #tpu.memory_space<vmem>>
          %dma_wait3A_148 = tpu.memref_squeeze %dma_wait3A_147 : memref<1x128xi32, #tpu.memory_space<vmem>> -> memref<128xi32, #tpu.memory_space<vmem>>
          %dma_wait3A_149 = arith.constant 0 : i32
          %dma_wait3A_150 = arith.constant 0 : i32
          %dma_wait3A_151 = tpu.memref_slice %arg3[%dma_wait3A_149, %dma_wait3A_150] : memref<10240x128xf32, #tpu.memory_space<hbm>> -> memref<10240x128xf32, #tpu.memory_space<hbm>>
          tpu.wait_indirect_dma semaphore(%arg13 : memref<!tpu.dma_semaphore, #tpu.memory_space<semaphore_mem>>) src(%dma_wait3A_151 : memref<10240x128xf32, #tpu.memory_space<hbm>>) dst(%arg10 : memref<128x128xf32, #tpu.memory_space<vmem>>)
          %dma_start3A_152 = arith.constant 0 : i32
          %dma_start3A_153 = tpu.memref_slice %arg9[%add3A_144, %dma_start3A_152] : memref<40x128xi32, #tpu.memory_space<vmem>> -> memref<1x128xi32, #tpu.memory_space<vmem>>
          %dma_start3A_154 = tpu.memref_squeeze %dma_start3A_153 : memref<1x128xi32, #tpu.memory_space<vmem>> -> memref<128xi32, #tpu.memory_space<vmem>>
          %dma_start3A_155 = arith.constant 0 : i32
          %dma_start3A_156 = arith.constant 0 : i32
          %dma_start3A_157 = tpu.memref_slice %arg12[%dma_start3A_155, %dma_start3A_156] : memref<10240x128xf32, #tpu.memory_space<vmem_shared>> -> memref<10240x128xf32, #tpu.memory_space<vmem_shared>>
          tpu.enqueue_indirect_dma source(%arg10 : memref<128x128xf32, #tpu.memory_space<vmem>>) target(%dma_start3A_157 : memref<10240x128xf32, #tpu.memory_space<vmem_shared>>) offsets(%dma_start3A_154 : memref<128xi32, #tpu.memory_space<vmem>>) semaphore(%arg15 : memref<!tpu.dma_semaphore, #tpu.memory_space<semaphore_mem>>) {add = true}
          %dma_wait3A_158 = arith.constant 0 : i32
          %dma_wait3A_159 = arith.constant 0 : i32
          %dma_wait3A_160 = tpu.memref_slice %arg9[%dma_wait3A_158, %dma_wait3A_159] : memref<40x128xi32, #tpu.memory_space<vmem>> -> memref<1x128xi32, #tpu.memory_space<vmem>>
          %dma_wait3A_161 = tpu.memref_squeeze %dma_wait3A_160 : memref<1x128xi32, #tpu.memory_space<vmem>> -> memref<128xi32, #tpu.memory_space<vmem>>
          %dma_wait3A_162 = arith.constant 0 : i32
          %dma_wait3A_163 = arith.constant 0 : i32
          %dma_wait3A_164 = tpu.memref_slice %arg12[%dma_wait3A_162, %dma_wait3A_163] : memref<10240x128xf32, #tpu.memory_space<vmem_shared>> -> memref<10240x128xf32, #tpu.memory_space<vmem_shared>>
          tpu.wait_indirect_dma semaphore(%arg15 : memref<!tpu.dma_semaphore, #tpu.memory_space<semaphore_mem>>) src(%arg10 : memref<128x128xf32, #tpu.memory_space<vmem>>) dst(%dma_wait3A_164 : memref<10240x128xf32, #tpu.memory_space<vmem_shared>>)
          %add3A_165 = arith.constant 2 : i32
          %add3A_166 = arith.addi %add3A_144, %add3A_165 : i32
          %dma_start3A_167 = arith.constant 0 : i32
          %dma_start3A_168 = tpu.memref_slice %arg8[%add3A_166, %dma_start3A_167] : memref<40x128xi32, #tpu.memory_space<vmem>> -> memref<1x128xi32, #tpu.memory_space<vmem>>
          %dma_start3A_169 = tpu.memref_squeeze %dma_start3A_168 : memref<1x128xi32, #tpu.memory_space<vmem>> -> memref<128xi32, #tpu.memory_space<vmem>>
          %dma_start3A_170 = arith.constant 0 : i32
          %dma_start3A_171 = arith.constant 0 : i32
          %dma_start3A_172 = tpu.memref_slice %arg3[%dma_start3A_170, %dma_start3A_171] : memref<10240x128xf32, #tpu.memory_space<hbm>> -> memref<10240x128xf32, #tpu.memory_space<hbm>>
          tpu.enqueue_indirect_dma source(%dma_start3A_172 : memref<10240x128xf32, #tpu.memory_space<hbm>>) target(%arg10 : memref<128x128xf32, #tpu.memory_space<vmem>>) offsets(%dma_start3A_169 : memref<128xi32, #tpu.memory_space<vmem>>) semaphore(%arg13 : memref<!tpu.dma_semaphore, #tpu.memory_space<semaphore_mem>>)
          %mul3A_173 = arith.constant 8 : i32
          %mul3A_174 = arith.muli %add3A_77, %mul3A_173 : i32
          %add3A_175 = arith.constant 3 : i32
          %add3A_176 = arith.addi %mul3A_174, %add3A_175 : i32
          %dma_wait3A_177 = arith.constant 0 : i32
          %dma_wait3A_178 = arith.constant 0 : i32
          %dma_wait3A_179 = tpu.memref_slice %arg8[%dma_wait3A_177, %dma_wait3A_178] : memref<40x128xi32, #tpu.memory_space<vmem>> -> memref<1x128xi32, #tpu.memory_space<vmem>>
          %dma_wait3A_180 = tpu.memref_squeeze %dma_wait3A_179 : memref<1x128xi32, #tpu.memory_space<vmem>> -> memref<128xi32, #tpu.memory_space<vmem>>
          %dma_wait3A_181 = arith.constant 0 : i32
          %dma_wait3A_182 = arith.constant 0 : i32
          %dma_wait3A_183 = tpu.memref_slice %arg3[%dma_wait3A_181, %dma_wait3A_182] : memref<10240x128xf32, #tpu.memory_space<hbm>> -> memref<10240x128xf32, #tpu.memory_space<hbm>>
          tpu.wait_indirect_dma semaphore(%arg14 : memref<!tpu.dma_semaphore, #tpu.memory_space<semaphore_mem>>) src(%dma_wait3A_183 : memref<10240x128xf32, #tpu.memory_space<hbm>>) dst(%arg11 : memref<128x128xf32, #tpu.memory_space<vmem>>)
          %dma_start3A_184 = arith.constant 0 : i32
          %dma_start3A_185 = tpu.memref_slice %arg9[%add3A_176, %dma_start3A_184] : memref<40x128xi32, #tpu.memory_space<vmem>> -> memref<1x128xi32, #tpu.memory_space<vmem>>
          %dma_start3A_186 = tpu.memref_squeeze %dma_start3A_185 : memref<1x128xi32, #tpu.memory_space<vmem>> -> memref<128xi32, #tpu.memory_space<vmem>>
          %dma_start3A_187 = arith.constant 0 : i32
          %dma_start3A_188 = arith.constant 0 : i32
          %dma_start3A_189 = tpu.memref_slice %arg12[%dma_start3A_187, %dma_start3A_188] : memref<10240x128xf32, #tpu.memory_space<vmem_shared>> -> memref<10240x128xf32, #tpu.memory_space<vmem_shared>>
          tpu.enqueue_indirect_dma source(%arg11 : memref<128x128xf32, #tpu.memory_space<vmem>>) target(%dma_start3A_189 : memref<10240x128xf32, #tpu.memory_space<vmem_shared>>) offsets(%dma_start3A_186 : memref<128xi32, #tpu.memory_space<vmem>>) semaphore(%arg16 : memref<!tpu.dma_semaphore, #tpu.memory_space<semaphore_mem>>) {add = true}
          %dma_wait3A_190 = arith.constant 0 : i32
          %dma_wait3A_191 = arith.constant 0 : i32
          %dma_wait3A_192 = tpu.memref_slice %arg9[%dma_wait3A_190, %dma_wait3A_191] : memref<40x128xi32, #tpu.memory_space<vmem>> -> memref<1x128xi32, #tpu.memory_space<vmem>>
          %dma_wait3A_193 = tpu.memref_squeeze %dma_wait3A_192 : memref<1x128xi32, #tpu.memory_space<vmem>> -> memref<128xi32, #tpu.memory_space<vmem>>
          %dma_wait3A_194 = arith.constant 0 : i32
          %dma_wait3A_195 = arith.constant 0 : i32
          %dma_wait3A_196 = tpu.memref_slice %arg12[%dma_wait3A_194, %dma_wait3A_195] : memref<10240x128xf32, #tpu.memory_space<vmem_shared>> -> memref<10240x128xf32, #tpu.memory_space<vmem_shared>>
          tpu.wait_indirect_dma semaphore(%arg16 : memref<!tpu.dma_semaphore, #tpu.memory_space<semaphore_mem>>) src(%arg11 : memref<128x128xf32, #tpu.memory_space<vmem>>) dst(%dma_wait3A_196 : memref<10240x128xf32, #tpu.memory_space<vmem_shared>>)
          %add3A_197 = arith.constant 2 : i32
          %add3A_198 = arith.addi %add3A_176, %add3A_197 : i32
          %dma_start3A_199 = arith.constant 0 : i32
          %dma_start3A_200 = tpu.memref_slice %arg8[%add3A_198, %dma_start3A_199] : memref<40x128xi32, #tpu.memory_space<vmem>> -> memref<1x128xi32, #tpu.memory_space<vmem>>
          %dma_start3A_201 = tpu.memref_squeeze %dma_start3A_200 : memref<1x128xi32, #tpu.memory_space<vmem>> -> memref<128xi32, #tpu.memory_space<vmem>>
          %dma_start3A_202 = arith.constant 0 : i32
          %dma_start3A_203 = arith.constant 0 : i32
          %dma_start3A_204 = tpu.memref_slice %arg3[%dma_start3A_202, %dma_start3A_203] : memref<10240x128xf32, #tpu.memory_space<hbm>> -> memref<10240x128xf32, #tpu.memory_space<hbm>>
          tpu.enqueue_indirect_dma source(%dma_start3A_204 : memref<10240x128xf32, #tpu.memory_space<hbm>>) target(%arg11 : memref<128x128xf32, #tpu.memory_space<vmem>>) offsets(%dma_start3A_201 : memref<128xi32, #tpu.memory_space<vmem>>) semaphore(%arg14 : memref<!tpu.dma_semaphore, #tpu.memory_space<semaphore_mem>>)
          %mul3A_205 = arith.constant 8 : i32
          %mul3A_206 = arith.muli %add3A_77, %mul3A_205 : i32
          %add3A_207 = arith.constant 4 : i32
          %add3A_208 = arith.addi %mul3A_206, %add3A_207 : i32
          %dma_wait3A_209 = arith.constant 0 : i32
          %dma_wait3A_210 = arith.constant 0 : i32
          %dma_wait3A_211 = tpu.memref_slice %arg8[%dma_wait3A_209, %dma_wait3A_210] : memref<40x128xi32, #tpu.memory_space<vmem>> -> memref<1x128xi32, #tpu.memory_space<vmem>>
          %dma_wait3A_212 = tpu.memref_squeeze %dma_wait3A_211 : memref<1x128xi32, #tpu.memory_space<vmem>> -> memref<128xi32, #tpu.memory_space<vmem>>
          %dma_wait3A_213 = arith.constant 0 : i32
          %dma_wait3A_214 = arith.constant 0 : i32
          %dma_wait3A_215 = tpu.memref_slice %arg3[%dma_wait3A_213, %dma_wait3A_214] : memref<10240x128xf32, #tpu.memory_space<hbm>> -> memref<10240x128xf32, #tpu.memory_space<hbm>>
          tpu.wait_indirect_dma semaphore(%arg13 : memref<!tpu.dma_semaphore, #tpu.memory_space<semaphore_mem>>) src(%dma_wait3A_215 : memref<10240x128xf32, #tpu.memory_space<hbm>>) dst(%arg10 : memref<128x128xf32, #tpu.memory_space<vmem>>)
          %dma_start3A_216 = arith.constant 0 : i32
          %dma_start3A_217 = tpu.memref_slice %arg9[%add3A_208, %dma_start3A_216] : memref<40x128xi32, #tpu.memory_space<vmem>> -> memref<1x128xi32, #tpu.memory_space<vmem>>
          %dma_start3A_218 = tpu.memref_squeeze %dma_start3A_217 : memref<1x128xi32, #tpu.memory_space<vmem>> -> memref<128xi32, #tpu.memory_space<vmem>>
          %dma_start3A_219 = arith.constant 0 : i32
          %dma_start3A_220 = arith.constant 0 : i32
          %dma_start3A_221 = tpu.memref_slice %arg12[%dma_start3A_219, %dma_start3A_220] : memref<10240x128xf32, #tpu.memory_space<vmem_shared>> -> memref<10240x128xf32, #tpu.memory_space<vmem_shared>>
          tpu.enqueue_indirect_dma source(%arg10 : memref<128x128xf32, #tpu.memory_space<vmem>>) target(%dma_start3A_221 : memref<10240x128xf32, #tpu.memory_space<vmem_shared>>) offsets(%dma_start3A_218 : memref<128xi32, #tpu.memory_space<vmem>>) semaphore(%arg15 : memref<!tpu.dma_semaphore, #tpu.memory_space<semaphore_mem>>) {add = true}
          %dma_wait3A_222 = arith.constant 0 : i32
          %dma_wait3A_223 = arith.constant 0 : i32
          %dma_wait3A_224 = tpu.memref_slice %arg9[%dma_wait3A_222, %dma_wait3A_223] : memref<40x128xi32, #tpu.memory_space<vmem>> -> memref<1x128xi32, #tpu.memory_space<vmem>>
          %dma_wait3A_225 = tpu.memref_squeeze %dma_wait3A_224 : memref<1x128xi32, #tpu.memory_space<vmem>> -> memref<128xi32, #tpu.memory_space<vmem>>
          %dma_wait3A_226 = arith.constant 0 : i32
          %dma_wait3A_227 = arith.constant 0 : i32
          %dma_wait3A_228 = tpu.memref_slice %arg12[%dma_wait3A_226, %dma_wait3A_227] : memref<10240x128xf32, #tpu.memory_space<vmem_shared>> -> memref<10240x128xf32, #tpu.memory_space<vmem_shared>>
          tpu.wait_indirect_dma semaphore(%arg15 : memref<!tpu.dma_semaphore, #tpu.memory_space<semaphore_mem>>) src(%arg10 : memref<128x128xf32, #tpu.memory_space<vmem>>) dst(%dma_wait3A_228 : memref<10240x128xf32, #tpu.memory_space<vmem_shared>>)
          %add3A_229 = arith.constant 2 : i32
          %add3A_230 = arith.addi %add3A_208, %add3A_229 : i32
          %dma_start3A_231 = arith.constant 0 : i32
          %dma_start3A_232 = tpu.memref_slice %arg8[%add3A_230, %dma_start3A_231] : memref<40x128xi32, #tpu.memory_space<vmem>> -> memref<1x128xi32, #tpu.memory_space<vmem>>
          %dma_start3A_233 = tpu.memref_squeeze %dma_start3A_232 : memref<1x128xi32, #tpu.memory_space<vmem>> -> memref<128xi32, #tpu.memory_space<vmem>>
          %dma_start3A_234 = arith.constant 0 : i32
          %dma_start3A_235 = arith.constant 0 : i32
          %dma_start3A_236 = tpu.memref_slice %arg3[%dma_start3A_234, %dma_start3A_235] : memref<10240x128xf32, #tpu.memory_space<hbm>> -> memref<10240x128xf32, #tpu.memory_space<hbm>>
          tpu.enqueue_indirect_dma source(%dma_start3A_236 : memref<10240x128xf32, #tpu.memory_space<hbm>>) target(%arg10 : memref<128x128xf32, #tpu.memory_space<vmem>>) offsets(%dma_start3A_233 : memref<128xi32, #tpu.memory_space<vmem>>) semaphore(%arg13 : memref<!tpu.dma_semaphore, #tpu.memory_space<semaphore_mem>>)
          %mul3A_237 = arith.constant 8 : i32
          %mul3A_238 = arith.muli %add3A_77, %mul3A_237 : i32
          %add3A_239 = arith.constant 5 : i32
          %add3A_240 = arith.addi %mul3A_238, %add3A_239 : i32
          %dma_wait3A_241 = arith.constant 0 : i32
          %dma_wait3A_242 = arith.constant 0 : i32
          %dma_wait3A_243 = tpu.memref_slice %arg8[%dma_wait3A_241, %dma_wait3A_242] : memref<40x128xi32, #tpu.memory_space<vmem>> -> memref<1x128xi32, #tpu.memory_space<vmem>>
          %dma_wait3A_244 = tpu.memref_squeeze %dma_wait3A_243 : memref<1x128xi32, #tpu.memory_space<vmem>> -> memref<128xi32, #tpu.memory_space<vmem>>
          %dma_wait3A_245 = arith.constant 0 : i32
          %dma_wait3A_246 = arith.constant 0 : i32
          %dma_wait3A_247 = tpu.memref_slice %arg3[%dma_wait3A_245, %dma_wait3A_246] : memref<10240x128xf32, #tpu.memory_space<hbm>> -> memref<10240x128xf32, #tpu.memory_space<hbm>>
          tpu.wait_indirect_dma semaphore(%arg14 : memref<!tpu.dma_semaphore, #tpu.memory_space<semaphore_mem>>) src(%dma_wait3A_247 : memref<10240x128xf32, #tpu.memory_space<hbm>>) dst(%arg11 : memref<128x128xf32, #tpu.memory_space<vmem>>)
          %dma_start3A_248 = arith.constant 0 : i32
          %dma_start3A_249 = tpu.memref_slice %arg9[%add3A_240, %dma_start3A_248] : memref<40x128xi32, #tpu.memory_space<vmem>> -> memref<1x128xi32, #tpu.memory_space<vmem>>
          %dma_start3A_250 = tpu.memref_squeeze %dma_start3A_249 : memref<1x128xi32, #tpu.memory_space<vmem>> -> memref<128xi32, #tpu.memory_space<vmem>>
          %dma_start3A_251 = arith.constant 0 : i32
          %dma_start3A_252 = arith.constant 0 : i32
          %dma_start3A_253 = tpu.memref_slice %arg12[%dma_start3A_251, %dma_start3A_252] : memref<10240x128xf32, #tpu.memory_space<vmem_shared>> -> memref<10240x128xf32, #tpu.memory_space<vmem_shared>>
          tpu.enqueue_indirect_dma source(%arg11 : memref<128x128xf32, #tpu.memory_space<vmem>>) target(%dma_start3A_253 : memref<10240x128xf32, #tpu.memory_space<vmem_shared>>) offsets(%dma_start3A_250 : memref<128xi32, #tpu.memory_space<vmem>>) semaphore(%arg16 : memref<!tpu.dma_semaphore, #tpu.memory_space<semaphore_mem>>) {add = true}
          %dma_wait3A_254 = arith.constant 0 : i32
          %dma_wait3A_255 = arith.constant 0 : i32
          %dma_wait3A_256 = tpu.memref_slice %arg9[%dma_wait3A_254, %dma_wait3A_255] : memref<40x128xi32, #tpu.memory_space<vmem>> -> memref<1x128xi32, #tpu.memory_space<vmem>>
          %dma_wait3A_257 = tpu.memref_squeeze %dma_wait3A_256 : memref<1x128xi32, #tpu.memory_space<vmem>> -> memref<128xi32, #tpu.memory_space<vmem>>
          %dma_wait3A_258 = arith.constant 0 : i32
          %dma_wait3A_259 = arith.constant 0 : i32
          %dma_wait3A_260 = tpu.memref_slice %arg12[%dma_wait3A_258, %dma_wait3A_259] : memref<10240x128xf32, #tpu.memory_space<vmem_shared>> -> memref<10240x128xf32, #tpu.memory_space<vmem_shared>>
          tpu.wait_indirect_dma semaphore(%arg16 : memref<!tpu.dma_semaphore, #tpu.memory_space<semaphore_mem>>) src(%arg11 : memref<128x128xf32, #tpu.memory_space<vmem>>) dst(%dma_wait3A_260 : memref<10240x128xf32, #tpu.memory_space<vmem_shared>>)
          %add3A_261 = arith.constant 2 : i32
          %add3A_262 = arith.addi %add3A_240, %add3A_261 : i32
          %dma_start3A_263 = arith.constant 0 : i32
          %dma_start3A_264 = tpu.memref_slice %arg8[%add3A_262, %dma_start3A_263] : memref<40x128xi32, #tpu.memory_space<vmem>> -> memref<1x128xi32, #tpu.memory_space<vmem>>
          %dma_start3A_265 = tpu.memref_squeeze %dma_start3A_264 : memref<1x128xi32, #tpu.memory_space<vmem>> -> memref<128xi32, #tpu.memory_space<vmem>>
          %dma_start3A_266 = arith.constant 0 : i32
          %dma_start3A_267 = arith.constant 0 : i32
          %dma_start3A_268 = tpu.memref_slice %arg3[%dma_start3A_266, %dma_start3A_267] : memref<10240x128xf32, #tpu.memory_space<hbm>> -> memref<10240x128xf32, #tpu.memory_space<hbm>>
          tpu.enqueue_indirect_dma source(%dma_start3A_268 : memref<10240x128xf32, #tpu.memory_space<hbm>>) target(%arg11 : memref<128x128xf32, #tpu.memory_space<vmem>>) offsets(%dma_start3A_265 : memref<128xi32, #tpu.memory_space<vmem>>) semaphore(%arg14 : memref<!tpu.dma_semaphore, #tpu.memory_space<semaphore_mem>>)
          %mul3A_269 = arith.constant 8 : i32
          %mul3A_270 = arith.muli %add3A_77, %mul3A_269 : i32
          %add3A_271 = arith.constant 6 : i32
          %add3A_272 = arith.addi %mul3A_270, %add3A_271 : i32
          %dma_wait3A_273 = arith.constant 0 : i32
          %dma_wait3A_274 = arith.constant 0 : i32
          %dma_wait3A_275 = tpu.memref_slice %arg8[%dma_wait3A_273, %dma_wait3A_274] : memref<40x128xi32, #tpu.memory_space<vmem>> -> memref<1x128xi32, #tpu.memory_space<vmem>>
          %dma_wait3A_276 = tpu.memref_squeeze %dma_wait3A_275 : memref<1x128xi32, #tpu.memory_space<vmem>> -> memref<128xi32, #tpu.memory_space<vmem>>
          %dma_wait3A_277 = arith.constant 0 : i32
          %dma_wait3A_278 = arith.constant 0 : i32
          %dma_wait3A_279 = tpu.memref_slice %arg3[%dma_wait3A_277, %dma_wait3A_278] : memref<10240x128xf32, #tpu.memory_space<hbm>> -> memref<10240x128xf32, #tpu.memory_space<hbm>>
          tpu.wait_indirect_dma semaphore(%arg13 : memref<!tpu.dma_semaphore, #tpu.memory_space<semaphore_mem>>) src(%dma_wait3A_279 : memref<10240x128xf32, #tpu.memory_space<hbm>>) dst(%arg10 : memref<128x128xf32, #tpu.memory_space<vmem>>)
          %dma_start3A_280 = arith.constant 0 : i32
          %dma_start3A_281 = tpu.memref_slice %arg9[%add3A_272, %dma_start3A_280] : memref<40x128xi32, #tpu.memory_space<vmem>> -> memref<1x128xi32, #tpu.memory_space<vmem>>
          %dma_start3A_282 = tpu.memref_squeeze %dma_start3A_281 : memref<1x128xi32, #tpu.memory_space<vmem>> -> memref<128xi32, #tpu.memory_space<vmem>>
          %dma_start3A_283 = arith.constant 0 : i32
          %dma_start3A_284 = arith.constant 0 : i32
          %dma_start3A_285 = tpu.memref_slice %arg12[%dma_start3A_283, %dma_start3A_284] : memref<10240x128xf32, #tpu.memory_space<vmem_shared>> -> memref<10240x128xf32, #tpu.memory_space<vmem_shared>>
          tpu.enqueue_indirect_dma source(%arg10 : memref<128x128xf32, #tpu.memory_space<vmem>>) target(%dma_start3A_285 : memref<10240x128xf32, #tpu.memory_space<vmem_shared>>) offsets(%dma_start3A_282 : memref<128xi32, #tpu.memory_space<vmem>>) semaphore(%arg15 : memref<!tpu.dma_semaphore, #tpu.memory_space<semaphore_mem>>) {add = true}
          %dma_wait3A_286 = arith.constant 0 : i32
          %dma_wait3A_287 = arith.constant 0 : i32
          %dma_wait3A_288 = tpu.memref_slice %arg9[%dma_wait3A_286, %dma_wait3A_287] : memref<40x128xi32, #tpu.memory_space<vmem>> -> memref<1x128xi32, #tpu.memory_space<vmem>>
          %dma_wait3A_289 = tpu.memref_squeeze %dma_wait3A_288 : memref<1x128xi32, #tpu.memory_space<vmem>> -> memref<128xi32, #tpu.memory_space<vmem>>
          %dma_wait3A_290 = arith.constant 0 : i32
          %dma_wait3A_291 = arith.constant 0 : i32
          %dma_wait3A_292 = tpu.memref_slice %arg12[%dma_wait3A_290, %dma_wait3A_291] : memref<10240x128xf32, #tpu.memory_space<vmem_shared>> -> memref<10240x128xf32, #tpu.memory_space<vmem_shared>>
          tpu.wait_indirect_dma semaphore(%arg15 : memref<!tpu.dma_semaphore, #tpu.memory_space<semaphore_mem>>) src(%arg10 : memref<128x128xf32, #tpu.memory_space<vmem>>) dst(%dma_wait3A_292 : memref<10240x128xf32, #tpu.memory_space<vmem_shared>>)
          %lt3A = arith.constant 4 : i32
          %lt3A_293 = arith.cmpi slt, %add3A_77, %lt3A : i32
          %convert_element_type3A_294 = arith.extui %lt3A_293 : i1 to i32
          %cond3A_295 = arith.constant 0 : i32
          %cond3A_296 = arith.cmpi ne, %convert_element_type3A_294, %cond3A_295 : i32
          scf.if %cond3A_296 {
            %add3A_326 = arith.constant 2 : i32
            %add3A_327 = arith.addi %add3A_272, %add3A_326 : i32
            %dma_start3A_328 = arith.constant 0 : i32
            %dma_start3A_329 = tpu.memref_slice %arg8[%add3A_327, %dma_start3A_328] : memref<40x128xi32, #tpu.memory_space<vmem>> -> memref<1x128xi32, #tpu.memory_space<vmem>>
            %dma_start3A_330 = tpu.memref_squeeze %dma_start3A_329 : memref<1x128xi32, #tpu.memory_space<vmem>> -> memref<128xi32, #tpu.memory_space<vmem>>
            %dma_start3A_331 = arith.constant 0 : i32
            %dma_start3A_332 = arith.constant 0 : i32
            %dma_start3A_333 = tpu.memref_slice %arg3[%dma_start3A_331, %dma_start3A_332] : memref<10240x128xf32, #tpu.memory_space<hbm>> -> memref<10240x128xf32, #tpu.memory_space<hbm>>
            tpu.enqueue_indirect_dma source(%dma_start3A_333 : memref<10240x128xf32, #tpu.memory_space<hbm>>) target(%arg10 : memref<128x128xf32, #tpu.memory_space<vmem>>) offsets(%dma_start3A_330 : memref<128xi32, #tpu.memory_space<vmem>>) semaphore(%arg13 : memref<!tpu.dma_semaphore, #tpu.memory_space<semaphore_mem>>)
          } else {
          }
          %mul3A_297 = arith.constant 8 : i32
          %mul3A_298 = arith.muli %add3A_77, %mul3A_297 : i32
          %add3A_299 = arith.constant 7 : i32
          %add3A_300 = arith.addi %mul3A_298, %add3A_299 : i32
          %dma_wait3A_301 = arith.constant 0 : i32
          %dma_wait3A_302 = arith.constant 0 : i32
          %dma_wait3A_303 = tpu.memref_slice %arg8[%dma_wait3A_301, %dma_wait3A_302] : memref<40x128xi32, #tpu.memory_space<vmem>> -> memref<1x128xi32, #tpu.memory_space<vmem>>
          %dma_wait3A_304 = tpu.memref_squeeze %dma_wait3A_303 : memref<1x128xi32, #tpu.memory_space<vmem>> -> memref<128xi32, #tpu.memory_space<vmem>>
          %dma_wait3A_305 = arith.constant 0 : i32
          %dma_wait3A_306 = arith.constant 0 : i32
          %dma_wait3A_307 = tpu.memref_slice %arg3[%dma_wait3A_305, %dma_wait3A_306] : memref<10240x128xf32, #tpu.memory_space<hbm>> -> memref<10240x128xf32, #tpu.memory_space<hbm>>
          tpu.wait_indirect_dma semaphore(%arg14 : memref<!tpu.dma_semaphore, #tpu.memory_space<semaphore_mem>>) src(%dma_wait3A_307 : memref<10240x128xf32, #tpu.memory_space<hbm>>) dst(%arg11 : memref<128x128xf32, #tpu.memory_space<vmem>>)
          %dma_start3A_308 = arith.constant 0 : i32
          %dma_start3A_309 = tpu.memref_slice %arg9[%add3A_300, %dma_start3A_308] : memref<40x128xi32, #tpu.memory_space<vmem>> -> memref<1x128xi32, #tpu.memory_space<vmem>>
          %dma_start3A_310 = tpu.memref_squeeze %dma_start3A_309 : memref<1x128xi32, #tpu.memory_space<vmem>> -> memref<128xi32, #tpu.memory_space<vmem>>
          %dma_start3A_311 = arith.constant 0 : i32
          %dma_start3A_312 = arith.constant 0 : i32
          %dma_start3A_313 = tpu.memref_slice %arg12[%dma_start3A_311, %dma_start3A_312] : memref<10240x128xf32, #tpu.memory_space<vmem_shared>> -> memref<10240x128xf32, #tpu.memory_space<vmem_shared>>
          tpu.enqueue_indirect_dma source(%arg11 : memref<128x128xf32, #tpu.memory_space<vmem>>) target(%dma_start3A_313 : memref<10240x128xf32, #tpu.memory_space<vmem_shared>>) offsets(%dma_start3A_310 : memref<128xi32, #tpu.memory_space<vmem>>) semaphore(%arg16 : memref<!tpu.dma_semaphore, #tpu.memory_space<semaphore_mem>>) {add = true}
          %dma_wait3A_314 = arith.constant 0 : i32
          %dma_wait3A_315 = arith.constant 0 : i32
          %dma_wait3A_316 = tpu.memref_slice %arg9[%dma_wait3A_314, %dma_wait3A_315] : memref<40x128xi32, #tpu.memory_space<vmem>> -> memref<1x128xi32, #tpu.memory_space<vmem>>
          %dma_wait3A_317 = tpu.memref_squeeze %dma_wait3A_316 : memref<1x128xi32, #tpu.memory_space<vmem>> -> memref<128xi32, #tpu.memory_space<vmem>>
          %dma_wait3A_318 = arith.constant 0 : i32
          %dma_wait3A_319 = arith.constant 0 : i32
          %dma_wait3A_320 = tpu.memref_slice %arg12[%dma_wait3A_318, %dma_wait3A_319] : memref<10240x128xf32, #tpu.memory_space<vmem_shared>> -> memref<10240x128xf32, #tpu.memory_space<vmem_shared>>
          tpu.wait_indirect_dma semaphore(%arg16 : memref<!tpu.dma_semaphore, #tpu.memory_space<semaphore_mem>>) src(%arg11 : memref<128x128xf32, #tpu.memory_space<vmem>>) dst(%dma_wait3A_320 : memref<10240x128xf32, #tpu.memory_space<vmem_shared>>)
          %lt3A_321 = arith.constant 4 : i32
          %lt3A_322 = arith.cmpi slt, %add3A_77, %lt3A_321 : i32
          %convert_element_type3A_323 = arith.extui %lt3A_322 : i1 to i32
          %cond3A_324 = arith.constant 0 : i32
          %cond3A_325 = arith.cmpi ne, %convert_element_type3A_323, %cond3A_324 : i32
          scf.if %cond3A_325 {
            %add3A_326 = arith.constant 2 : i32
            %add3A_327 = arith.addi %add3A_300, %add3A_326 : i32
            %dma_start3A_328 = arith.constant 0 : i32
            %dma_start3A_329 = tpu.memref_slice %arg8[%add3A_327, %dma_start3A_328] : memref<40x128xi32, #tpu.memory_space<vmem>> -> memref<1x128xi32, #tpu.memory_space<vmem>>
            %dma_start3A_330 = tpu.memref_squeeze %dma_start3A_329 : memref<1x128xi32, #tpu.memory_space<vmem>> -> memref<128xi32, #tpu.memory_space<vmem>>
            %dma_start3A_331 = arith.constant 0 : i32
            %dma_start3A_332 = arith.constant 0 : i32
            %dma_start3A_333 = tpu.memref_slice %arg3[%dma_start3A_331, %dma_start3A_332] : memref<10240x128xf32, #tpu.memory_space<hbm>> -> memref<10240x128xf32, #tpu.memory_space<hbm>>
            tpu.enqueue_indirect_dma source(%dma_start3A_333 : memref<10240x128xf32, #tpu.memory_space<hbm>>) target(%arg11 : memref<128x128xf32, #tpu.memory_space<vmem>>) offsets(%dma_start3A_330 : memref<128xi32, #tpu.memory_space<vmem>>) semaphore(%arg14 : memref<!tpu.dma_semaphore, #tpu.memory_space<semaphore_mem>>)
          } else {
          }
        }
        %scan3A_72 = arith.constant 5 : i32
      }
      %scan3A_46 = arith.constant 4 : i32
    } else {
    }
    %barrier3A_29 = arith.constant 0 : index
    tpu.barrier barrier_id(%barrier3A_29)
    %eq3A_30 = arith.constant 0 : i32
    %eq3A_31 = arith.cmpi eq, %arg0, %eq3A_30 : i32
    %convert_element_type3A_32 = arith.extui %eq3A_31 : i1 to i32
    %cond3A_33 = arith.constant 0 : i32
    %cond3A_34 = arith.cmpi ne, %convert_element_type3A_32, %cond3A_33 : i32
    scf.if %cond3A_34 {
      %mul3A_40 = arith.constant 640 : i32
      %mul3A_41 = arith.muli %arg1, %mul3A_40 : i32
      %add3A_42 = arith.constant 0 : i32
      %add3A_43 = arith.addi %mul3A_41, %add3A_42 : i32
      "tpu.region"() ({
        %run_scoped3A = tpu.sem_alloc : memref<!tpu.dma_semaphore, #tpu.memory_space<semaphore_mem>>
        %dma_start3A = arith.constant 0 : i32
        %dma_start3A_60 = tpu.memref_slice %arg12[%add3A_43, %dma_start3A] : memref<10240x128xf32, #tpu.memory_space<vmem_shared>> -> memref<128x128xf32, #tpu.memory_space<vmem_shared>>
        %dma_start3A_61 = arith.constant 0 : i32
        %dma_start3A_62 = tpu.memref_slice %arg12[%add3A_43, %dma_start3A_61] : memref<10240x128xf32, #tpu.memory_space<vmem_shared>> -> memref<128x128xf32, #tpu.memory_space<vmem_shared>>
        tpu.enqueue_dma source(%dma_start3A_62 : memref<128x128xf32, #tpu.memory_space<vmem_shared>>) target(%arg10 : memref<128x128xf32, #tpu.memory_space<vmem>>) target_semaphore(%run_scoped3A : memref<!tpu.dma_semaphore, #tpu.memory_space<semaphore_mem>>)
        %dma_wait3A = arith.constant 0 : i32
        %dma_wait3A_63 = tpu.memref_slice %arg12[%add3A_43, %dma_wait3A] : memref<10240x128xf32, #tpu.memory_space<vmem_shared>> -> memref<128x128xf32, #tpu.memory_space<vmem_shared>>
        %dma_wait3A_64 = arith.constant 0 : i32
        %dma_wait3A_65 = tpu.memref_slice %arg12[%add3A_43, %dma_wait3A_64] : memref<10240x128xf32, #tpu.memory_space<vmem_shared>> -> memref<128x128xf32, #tpu.memory_space<vmem_shared>>
        tpu.wait_dma2 semaphore(%run_scoped3A : memref<!tpu.dma_semaphore, #tpu.memory_space<semaphore_mem>>) src(%dma_wait3A_65 : memref<128x128xf32, #tpu.memory_space<vmem_shared>>) dst(%arg10 : memref<128x128xf32, #tpu.memory_space<vmem>>)
        tpu.yield
      }) : () -> ()
      "tpu.region"() ({
        %run_scoped3A = tpu.sem_alloc : memref<!tpu.dma_semaphore, #tpu.memory_space<semaphore_mem>>
        %dma_start3A = arith.constant 0 : i32
        %dma_start3A_60 = tpu.memref_slice %arg6[%add3A_43, %dma_start3A] : memref<10240x128xf32, #tpu.memory_space<hbm>> -> memref<128x128xf32, #tpu.memory_space<hbm>>
        %dma_start3A_61 = arith.constant 0 : i32
        %dma_start3A_62 = tpu.memref_slice %arg6[%add3A_43, %dma_start3A_61] : memref<10240x128xf32, #tpu.memory_space<hbm>> -> memref<128x128xf32, #tpu.memory_space<hbm>>
        tpu.enqueue_dma source(%arg10 : memref<128x128xf32, #tpu.memory_space<vmem>>) target(%dma_start3A_62 : memref<128x128xf32, #tpu.memory_space<hbm>>) target_semaphore(%run_scoped3A : memref<!tpu.dma_semaphore, #tpu.memory_space<semaphore_mem>>)
        %dma_wait3A = arith.constant 0 : i32
        %dma_wait3A_63 = tpu.memref_slice %arg6[%add3A_43, %dma_wait3A] : memref<10240x128xf32, #tpu.memory_space<hbm>> -> memref<128x128xf32, #tpu.memory_space<hbm>>
        %dma_wait3A_64 = arith.constant 0 : i32
        %dma_wait3A_65 = tpu.memref_slice %arg6[%add3A_43, %dma_wait3A_64] : memref<10240x128xf32, #tpu.memory_space<hbm>> -> memref<128x128xf32, #tpu.memory_space<hbm>>
        tpu.wait_dma2 semaphore(%run_scoped3A : memref<!tpu.dma_semaphore, #tpu.memory_space<semaphore_mem>>) src(%arg10 : memref<128x128xf32, #tpu.memory_space<vmem>>) dst(%dma_wait3A_65 : memref<128x128xf32, #tpu.memory_space<hbm>>)
        tpu.yield
      }) : () -> ()
      %mul3A_44 = arith.constant 640 : i32
      %mul3A_45 = arith.muli %arg1, %mul3A_44 : i32
      %add3A_46 = arith.constant 128 : i32
      %add3A_47 = arith.addi %mul3A_45, %add3A_46 : i32
      "tpu.region"() ({
        %run_scoped3A = tpu.sem_alloc : memref<!tpu.dma_semaphore, #tpu.memory_space<semaphore_mem>>
        %dma_start3A = arith.constant 0 : i32
        %dma_start3A_60 = tpu.memref_slice %arg12[%add3A_47, %dma_start3A] : memref<10240x128xf32, #tpu.memory_space<vmem_shared>> -> memref<128x128xf32, #tpu.memory_space<vmem_shared>>
        %dma_start3A_61 = arith.constant 0 : i32
        %dma_start3A_62 = tpu.memref_slice %arg12[%add3A_47, %dma_start3A_61] : memref<10240x128xf32, #tpu.memory_space<vmem_shared>> -> memref<128x128xf32, #tpu.memory_space<vmem_shared>>
        tpu.enqueue_dma source(%dma_start3A_62 : memref<128x128xf32, #tpu.memory_space<vmem_shared>>) target(%arg10 : memref<128x128xf32, #tpu.memory_space<vmem>>) target_semaphore(%run_scoped3A : memref<!tpu.dma_semaphore, #tpu.memory_space<semaphore_mem>>)
        %dma_wait3A = arith.constant 0 : i32
        %dma_wait3A_63 = tpu.memref_slice %arg12[%add3A_47, %dma_wait3A] : memref<10240x128xf32, #tpu.memory_space<vmem_shared>> -> memref<128x128xf32, #tpu.memory_space<vmem_shared>>
        %dma_wait3A_64 = arith.constant 0 : i32
        %dma_wait3A_65 = tpu.memref_slice %arg12[%add3A_47, %dma_wait3A_64] : memref<10240x128xf32, #tpu.memory_space<vmem_shared>> -> memref<128x128xf32, #tpu.memory_space<vmem_shared>>
        tpu.wait_dma2 semaphore(%run_scoped3A : memref<!tpu.dma_semaphore, #tpu.memory_space<semaphore_mem>>) src(%dma_wait3A_65 : memref<128x128xf32, #tpu.memory_space<vmem_shared>>) dst(%arg10 : memref<128x128xf32, #tpu.memory_space<vmem>>)
        tpu.yield
      }) : () -> ()
      "tpu.region"() ({
        %run_scoped3A = tpu.sem_alloc : memref<!tpu.dma_semaphore, #tpu.memory_space<semaphore_mem>>
        %dma_start3A = arith.constant 0 : i32
        %dma_start3A_60 = tpu.memref_slice %arg6[%add3A_47, %dma_start3A] : memref<10240x128xf32, #tpu.memory_space<hbm>> -> memref<128x128xf32, #tpu.memory_space<hbm>>
        %dma_start3A_61 = arith.constant 0 : i32
        %dma_start3A_62 = tpu.memref_slice %arg6[%add3A_47, %dma_start3A_61] : memref<10240x128xf32, #tpu.memory_space<hbm>> -> memref<128x128xf32, #tpu.memory_space<hbm>>
        tpu.enqueue_dma source(%arg10 : memref<128x128xf32, #tpu.memory_space<vmem>>) target(%dma_start3A_62 : memref<128x128xf32, #tpu.memory_space<hbm>>) target_semaphore(%run_scoped3A : memref<!tpu.dma_semaphore, #tpu.memory_space<semaphore_mem>>)
        %dma_wait3A = arith.constant 0 : i32
        %dma_wait3A_63 = tpu.memref_slice %arg6[%add3A_47, %dma_wait3A] : memref<10240x128xf32, #tpu.memory_space<hbm>> -> memref<128x128xf32, #tpu.memory_space<hbm>>
        %dma_wait3A_64 = arith.constant 0 : i32
        %dma_wait3A_65 = tpu.memref_slice %arg6[%add3A_47, %dma_wait3A_64] : memref<10240x128xf32, #tpu.memory_space<hbm>> -> memref<128x128xf32, #tpu.memory_space<hbm>>
        tpu.wait_dma2 semaphore(%run_scoped3A : memref<!tpu.dma_semaphore, #tpu.memory_space<semaphore_mem>>) src(%arg10 : memref<128x128xf32, #tpu.memory_space<vmem>>) dst(%dma_wait3A_65 : memref<128x128xf32, #tpu.memory_space<hbm>>)
        tpu.yield
      }) : () -> ()
      %mul3A_48 = arith.constant 640 : i32
      %mul3A_49 = arith.muli %arg1, %mul3A_48 : i32
      %add3A_50 = arith.constant 256 : i32
      %add3A_51 = arith.addi %mul3A_49, %add3A_50 : i32
      "tpu.region"() ({
        %run_scoped3A = tpu.sem_alloc : memref<!tpu.dma_semaphore, #tpu.memory_space<semaphore_mem>>
        %dma_start3A = arith.constant 0 : i32
        %dma_start3A_60 = tpu.memref_slice %arg12[%add3A_51, %dma_start3A] : memref<10240x128xf32, #tpu.memory_space<vmem_shared>> -> memref<128x128xf32, #tpu.memory_space<vmem_shared>>
        %dma_start3A_61 = arith.constant 0 : i32
        %dma_start3A_62 = tpu.memref_slice %arg12[%add3A_51, %dma_start3A_61] : memref<10240x128xf32, #tpu.memory_space<vmem_shared>> -> memref<128x128xf32, #tpu.memory_space<vmem_shared>>
        tpu.enqueue_dma source(%dma_start3A_62 : memref<128x128xf32, #tpu.memory_space<vmem_shared>>) target(%arg10 : memref<128x128xf32, #tpu.memory_space<vmem>>) target_semaphore(%run_scoped3A : memref<!tpu.dma_semaphore, #tpu.memory_space<semaphore_mem>>)
        %dma_wait3A = arith.constant 0 : i32
        %dma_wait3A_63 = tpu.memref_slice %arg12[%add3A_51, %dma_wait3A] : memref<10240x128xf32, #tpu.memory_space<vmem_shared>> -> memref<128x128xf32, #tpu.memory_space<vmem_shared>>
        %dma_wait3A_64 = arith.constant 0 : i32
        %dma_wait3A_65 = tpu.memref_slice %arg12[%add3A_51, %dma_wait3A_64] : memref<10240x128xf32, #tpu.memory_space<vmem_shared>> -> memref<128x128xf32, #tpu.memory_space<vmem_shared>>
        tpu.wait_dma2 semaphore(%run_scoped3A : memref<!tpu.dma_semaphore, #tpu.memory_space<semaphore_mem>>) src(%dma_wait3A_65 : memref<128x128xf32, #tpu.memory_space<vmem_shared>>) dst(%arg10 : memref<128x128xf32, #tpu.memory_space<vmem>>)
        tpu.yield
      }) : () -> ()
      "tpu.region"() ({
        %run_scoped3A = tpu.sem_alloc : memref<!tpu.dma_semaphore, #tpu.memory_space<semaphore_mem>>
        %dma_start3A = arith.constant 0 : i32
        %dma_start3A_60 = tpu.memref_slice %arg6[%add3A_51, %dma_start3A] : memref<10240x128xf32, #tpu.memory_space<hbm>> -> memref<128x128xf32, #tpu.memory_space<hbm>>
        %dma_start3A_61 = arith.constant 0 : i32
        %dma_start3A_62 = tpu.memref_slice %arg6[%add3A_51, %dma_start3A_61] : memref<10240x128xf32, #tpu.memory_space<hbm>> -> memref<128x128xf32, #tpu.memory_space<hbm>>
        tpu.enqueue_dma source(%arg10 : memref<128x128xf32, #tpu.memory_space<vmem>>) target(%dma_start3A_62 : memref<128x128xf32, #tpu.memory_space<hbm>>) target_semaphore(%run_scoped3A : memref<!tpu.dma_semaphore, #tpu.memory_space<semaphore_mem>>)
        %dma_wait3A = arith.constant 0 : i32
        %dma_wait3A_63 = tpu.memref_slice %arg6[%add3A_51, %dma_wait3A] : memref<10240x128xf32, #tpu.memory_space<hbm>> -> memref<128x128xf32, #tpu.memory_space<hbm>>
        %dma_wait3A_64 = arith.constant 0 : i32
        %dma_wait3A_65 = tpu.memref_slice %arg6[%add3A_51, %dma_wait3A_64] : memref<10240x128xf32, #tpu.memory_space<hbm>> -> memref<128x128xf32, #tpu.memory_space<hbm>>
        tpu.wait_dma2 semaphore(%run_scoped3A : memref<!tpu.dma_semaphore, #tpu.memory_space<semaphore_mem>>) src(%arg10 : memref<128x128xf32, #tpu.memory_space<vmem>>) dst(%dma_wait3A_65 : memref<128x128xf32, #tpu.memory_space<hbm>>)
        tpu.yield
      }) : () -> ()
      %mul3A_52 = arith.constant 640 : i32
      %mul3A_53 = arith.muli %arg1, %mul3A_52 : i32
      %add3A_54 = arith.constant 384 : i32
      %add3A_55 = arith.addi %mul3A_53, %add3A_54 : i32
      "tpu.region"() ({
        %run_scoped3A = tpu.sem_alloc : memref<!tpu.dma_semaphore, #tpu.memory_space<semaphore_mem>>
        %dma_start3A = arith.constant 0 : i32
        %dma_start3A_60 = tpu.memref_slice %arg12[%add3A_55, %dma_start3A] : memref<10240x128xf32, #tpu.memory_space<vmem_shared>> -> memref<128x128xf32, #tpu.memory_space<vmem_shared>>
        %dma_start3A_61 = arith.constant 0 : i32
        %dma_start3A_62 = tpu.memref_slice %arg12[%add3A_55, %dma_start3A_61] : memref<10240x128xf32, #tpu.memory_space<vmem_shared>> -> memref<128x128xf32, #tpu.memory_space<vmem_shared>>
        tpu.enqueue_dma source(%dma_start3A_62 : memref<128x128xf32, #tpu.memory_space<vmem_shared>>) target(%arg10 : memref<128x128xf32, #tpu.memory_space<vmem>>) target_semaphore(%run_scoped3A : memref<!tpu.dma_semaphore, #tpu.memory_space<semaphore_mem>>)
        %dma_wait3A = arith.constant 0 : i32
        %dma_wait3A_63 = tpu.memref_slice %arg12[%add3A_55, %dma_wait3A] : memref<10240x128xf32, #tpu.memory_space<vmem_shared>> -> memref<128x128xf32, #tpu.memory_space<vmem_shared>>
        %dma_wait3A_64 = arith.constant 0 : i32
        %dma_wait3A_65 = tpu.memref_slice %arg12[%add3A_55, %dma_wait3A_64] : memref<10240x128xf32, #tpu.memory_space<vmem_shared>> -> memref<128x128xf32, #tpu.memory_space<vmem_shared>>
        tpu.wait_dma2 semaphore(%run_scoped3A : memref<!tpu.dma_semaphore, #tpu.memory_space<semaphore_mem>>) src(%dma_wait3A_65 : memref<128x128xf32, #tpu.memory_space<vmem_shared>>) dst(%arg10 : memref<128x128xf32, #tpu.memory_space<vmem>>)
        tpu.yield
      }) : () -> ()
      "tpu.region"() ({
        %run_scoped3A = tpu.sem_alloc : memref<!tpu.dma_semaphore, #tpu.memory_space<semaphore_mem>>
        %dma_start3A = arith.constant 0 : i32
        %dma_start3A_60 = tpu.memref_slice %arg6[%add3A_55, %dma_start3A] : memref<10240x128xf32, #tpu.memory_space<hbm>> -> memref<128x128xf32, #tpu.memory_space<hbm>>
        %dma_start3A_61 = arith.constant 0 : i32
        %dma_start3A_62 = tpu.memref_slice %arg6[%add3A_55, %dma_start3A_61] : memref<10240x128xf32, #tpu.memory_space<hbm>> -> memref<128x128xf32, #tpu.memory_space<hbm>>
        tpu.enqueue_dma source(%arg10 : memref<128x128xf32, #tpu.memory_space<vmem>>) target(%dma_start3A_62 : memref<128x128xf32, #tpu.memory_space<hbm>>) target_semaphore(%run_scoped3A : memref<!tpu.dma_semaphore, #tpu.memory_space<semaphore_mem>>)
        %dma_wait3A = arith.constant 0 : i32
        %dma_wait3A_63 = tpu.memref_slice %arg6[%add3A_55, %dma_wait3A] : memref<10240x128xf32, #tpu.memory_space<hbm>> -> memref<128x128xf32, #tpu.memory_space<hbm>>
        %dma_wait3A_64 = arith.constant 0 : i32
        %dma_wait3A_65 = tpu.memref_slice %arg6[%add3A_55, %dma_wait3A_64] : memref<10240x128xf32, #tpu.memory_space<hbm>> -> memref<128x128xf32, #tpu.memory_space<hbm>>
        tpu.wait_dma2 semaphore(%run_scoped3A : memref<!tpu.dma_semaphore, #tpu.memory_space<semaphore_mem>>) src(%arg10 : memref<128x128xf32, #tpu.memory_space<vmem>>) dst(%dma_wait3A_65 : memref<128x128xf32, #tpu.memory_space<hbm>>)
        tpu.yield
      }) : () -> ()
      %mul3A_56 = arith.constant 640 : i32
      %mul3A_57 = arith.muli %arg1, %mul3A_56 : i32
      %add3A_58 = arith.constant 512 : i32
      %add3A_59 = arith.addi %mul3A_57, %add3A_58 : i32
      "tpu.region"() ({
        %run_scoped3A = tpu.sem_alloc : memref<!tpu.dma_semaphore, #tpu.memory_space<semaphore_mem>>
        %dma_start3A = arith.constant 0 : i32
        %dma_start3A_60 = tpu.memref_slice %arg12[%add3A_59, %dma_start3A] : memref<10240x128xf32, #tpu.memory_space<vmem_shared>> -> memref<128x128xf32, #tpu.memory_space<vmem_shared>>
        %dma_start3A_61 = arith.constant 0 : i32
        %dma_start3A_62 = tpu.memref_slice %arg12[%add3A_59, %dma_start3A_61] : memref<10240x128xf32, #tpu.memory_space<vmem_shared>> -> memref<128x128xf32, #tpu.memory_space<vmem_shared>>
        tpu.enqueue_dma source(%dma_start3A_62 : memref<128x128xf32, #tpu.memory_space<vmem_shared>>) target(%arg10 : memref<128x128xf32, #tpu.memory_space<vmem>>) target_semaphore(%run_scoped3A : memref<!tpu.dma_semaphore, #tpu.memory_space<semaphore_mem>>)
        %dma_wait3A = arith.constant 0 : i32
        %dma_wait3A_63 = tpu.memref_slice %arg12[%add3A_59, %dma_wait3A] : memref<10240x128xf32, #tpu.memory_space<vmem_shared>> -> memref<128x128xf32, #tpu.memory_space<vmem_shared>>
        %dma_wait3A_64 = arith.constant 0 : i32
        %dma_wait3A_65 = tpu.memref_slice %arg12[%add3A_59, %dma_wait3A_64] : memref<10240x128xf32, #tpu.memory_space<vmem_shared>> -> memref<128x128xf32, #tpu.memory_space<vmem_shared>>
        tpu.wait_dma2 semaphore(%run_scoped3A : memref<!tpu.dma_semaphore, #tpu.memory_space<semaphore_mem>>) src(%dma_wait3A_65 : memref<128x128xf32, #tpu.memory_space<vmem_shared>>) dst(%arg10 : memref<128x128xf32, #tpu.memory_space<vmem>>)
        tpu.yield
      }) : () -> ()
      "tpu.region"() ({
        %run_scoped3A = tpu.sem_alloc : memref<!tpu.dma_semaphore, #tpu.memory_space<semaphore_mem>>
        %dma_start3A = arith.constant 0 : i32
        %dma_start3A_60 = tpu.memref_slice %arg6[%add3A_59, %dma_start3A] : memref<10240x128xf32, #tpu.memory_space<hbm>> -> memref<128x128xf32, #tpu.memory_space<hbm>>
        %dma_start3A_61 = arith.constant 0 : i32
        %dma_start3A_62 = tpu.memref_slice %arg6[%add3A_59, %dma_start3A_61] : memref<10240x128xf32, #tpu.memory_space<hbm>> -> memref<128x128xf32, #tpu.memory_space<hbm>>
        tpu.enqueue_dma source(%arg10 : memref<128x128xf32, #tpu.memory_space<vmem>>) target(%dma_start3A_62 : memref<128x128xf32, #tpu.memory_space<hbm>>) target_semaphore(%run_scoped3A : memref<!tpu.dma_semaphore, #tpu.memory_space<semaphore_mem>>)
        %dma_wait3A = arith.constant 0 : i32
        %dma_wait3A_63 = tpu.memref_slice %arg6[%add3A_59, %dma_wait3A] : memref<10240x128xf32, #tpu.memory_space<hbm>> -> memref<128x128xf32, #tpu.memory_space<hbm>>
        %dma_wait3A_64 = arith.constant 0 : i32
        %dma_wait3A_65 = tpu.memref_slice %arg6[%add3A_59, %dma_wait3A_64] : memref<10240x128xf32, #tpu.memory_space<hbm>> -> memref<128x128xf32, #tpu.memory_space<hbm>>
        tpu.wait_dma2 semaphore(%run_scoped3A : memref<!tpu.dma_semaphore, #tpu.memory_space<semaphore_mem>>) src(%arg10 : memref<128x128xf32, #tpu.memory_space<vmem>>) dst(%dma_wait3A_65 : memref<128x128xf32, #tpu.memory_space<hbm>>)
        tpu.yield
      }) : () -> ()
    } else {
    }
    %eq3A_35 = arith.constant 1 : i32
    %eq3A_36 = arith.cmpi eq, %arg0, %eq3A_35 : i32
    %convert_element_type3A_37 = arith.extui %eq3A_36 : i1 to i32
    %cond3A_38 = arith.constant 0 : i32
    %cond3A_39 = arith.cmpi ne, %convert_element_type3A_37, %cond3A_38 : i32
    scf.if %cond3A_39 {
      %mul3A_40 = arith.constant 640 : i32
      %mul3A_41 = arith.muli %arg1, %mul3A_40 : i32
      %add3A_42 = arith.constant 0 : i32
      %add3A_43 = arith.addi %mul3A_41, %add3A_42 : i32
      "tpu.region"() ({
        %run_scoped3A = tpu.sem_alloc : memref<!tpu.dma_semaphore, #tpu.memory_space<semaphore_mem>>
        %dma_start3A = arith.constant 0 : i32
        %dma_start3A_60 = tpu.memref_slice %arg12[%add3A_43, %dma_start3A] : memref<10240x128xf32, #tpu.memory_space<vmem_shared>> -> memref<128x128xf32, #tpu.memory_space<vmem_shared>>
        %dma_start3A_61 = arith.constant 0 : i32
        %dma_start3A_62 = tpu.memref_slice %arg12[%add3A_43, %dma_start3A_61] : memref<10240x128xf32, #tpu.memory_space<vmem_shared>> -> memref<128x128xf32, #tpu.memory_space<vmem_shared>>
        tpu.enqueue_dma source(%dma_start3A_62 : memref<128x128xf32, #tpu.memory_space<vmem_shared>>) target(%arg10 : memref<128x128xf32, #tpu.memory_space<vmem>>) target_semaphore(%run_scoped3A : memref<!tpu.dma_semaphore, #tpu.memory_space<semaphore_mem>>)
        %dma_wait3A = arith.constant 0 : i32
        %dma_wait3A_63 = tpu.memref_slice %arg12[%add3A_43, %dma_wait3A] : memref<10240x128xf32, #tpu.memory_space<vmem_shared>> -> memref<128x128xf32, #tpu.memory_space<vmem_shared>>
        %dma_wait3A_64 = arith.constant 0 : i32
        %dma_wait3A_65 = tpu.memref_slice %arg12[%add3A_43, %dma_wait3A_64] : memref<10240x128xf32, #tpu.memory_space<vmem_shared>> -> memref<128x128xf32, #tpu.memory_space<vmem_shared>>
        tpu.wait_dma2 semaphore(%run_scoped3A : memref<!tpu.dma_semaphore, #tpu.memory_space<semaphore_mem>>) src(%dma_wait3A_65 : memref<128x128xf32, #tpu.memory_space<vmem_shared>>) dst(%arg10 : memref<128x128xf32, #tpu.memory_space<vmem>>)
        tpu.yield
      }) : () -> ()
      "tpu.region"() ({
        %run_scoped3A = tpu.sem_alloc : memref<!tpu.dma_semaphore, #tpu.memory_space<semaphore_mem>>
        %dma_start3A = arith.constant 0 : i32
        %dma_start3A_60 = tpu.memref_slice %arg7[%add3A_43, %dma_start3A] : memref<10240x128xf32, #tpu.memory_space<hbm>> -> memref<128x128xf32, #tpu.memory_space<hbm>>
        %dma_start3A_61 = arith.constant 0 : i32
        %dma_start3A_62 = tpu.memref_slice %arg7[%add3A_43, %dma_start3A_61] : memref<10240x128xf32, #tpu.memory_space<hbm>> -> memref<128x128xf32, #tpu.memory_space<hbm>>
        tpu.enqueue_dma source(%arg10 : memref<128x128xf32, #tpu.memory_space<vmem>>) target(%dma_start3A_62 : memref<128x128xf32, #tpu.memory_space<hbm>>) target_semaphore(%run_scoped3A : memref<!tpu.dma_semaphore, #tpu.memory_space<semaphore_mem>>)
        %dma_wait3A = arith.constant 0 : i32
        %dma_wait3A_63 = tpu.memref_slice %arg7[%add3A_43, %dma_wait3A] : memref<10240x128xf32, #tpu.memory_space<hbm>> -> memref<128x128xf32, #tpu.memory_space<hbm>>
        %dma_wait3A_64 = arith.constant 0 : i32
        %dma_wait3A_65 = tpu.memref_slice %arg7[%add3A_43, %dma_wait3A_64] : memref<10240x128xf32, #tpu.memory_space<hbm>> -> memref<128x128xf32, #tpu.memory_space<hbm>>
        tpu.wait_dma2 semaphore(%run_scoped3A : memref<!tpu.dma_semaphore, #tpu.memory_space<semaphore_mem>>) src(%arg10 : memref<128x128xf32, #tpu.memory_space<vmem>>) dst(%dma_wait3A_65 : memref<128x128xf32, #tpu.memory_space<hbm>>)
        tpu.yield
      }) : () -> ()
      %mul3A_44 = arith.constant 640 : i32
      %mul3A_45 = arith.muli %arg1, %mul3A_44 : i32
      %add3A_46 = arith.constant 128 : i32
      %add3A_47 = arith.addi %mul3A_45, %add3A_46 : i32
      "tpu.region"() ({
        %run_scoped3A = tpu.sem_alloc : memref<!tpu.dma_semaphore, #tpu.memory_space<semaphore_mem>>
        %dma_start3A = arith.constant 0 : i32
        %dma_start3A_60 = tpu.memref_slice %arg12[%add3A_47, %dma_start3A] : memref<10240x128xf32, #tpu.memory_space<vmem_shared>> -> memref<128x128xf32, #tpu.memory_space<vmem_shared>>
        %dma_start3A_61 = arith.constant 0 : i32
        %dma_start3A_62 = tpu.memref_slice %arg12[%add3A_47, %dma_start3A_61] : memref<10240x128xf32, #tpu.memory_space<vmem_shared>> -> memref<128x128xf32, #tpu.memory_space<vmem_shared>>
        tpu.enqueue_dma source(%dma_start3A_62 : memref<128x128xf32, #tpu.memory_space<vmem_shared>>) target(%arg10 : memref<128x128xf32, #tpu.memory_space<vmem>>) target_semaphore(%run_scoped3A : memref<!tpu.dma_semaphore, #tpu.memory_space<semaphore_mem>>)
        %dma_wait3A = arith.constant 0 : i32
        %dma_wait3A_63 = tpu.memref_slice %arg12[%add3A_47, %dma_wait3A] : memref<10240x128xf32, #tpu.memory_space<vmem_shared>> -> memref<128x128xf32, #tpu.memory_space<vmem_shared>>
        %dma_wait3A_64 = arith.constant 0 : i32
        %dma_wait3A_65 = tpu.memref_slice %arg12[%add3A_47, %dma_wait3A_64] : memref<10240x128xf32, #tpu.memory_space<vmem_shared>> -> memref<128x128xf32, #tpu.memory_space<vmem_shared>>
        tpu.wait_dma2 semaphore(%run_scoped3A : memref<!tpu.dma_semaphore, #tpu.memory_space<semaphore_mem>>) src(%dma_wait3A_65 : memref<128x128xf32, #tpu.memory_space<vmem_shared>>) dst(%arg10 : memref<128x128xf32, #tpu.memory_space<vmem>>)
        tpu.yield
      }) : () -> ()
      "tpu.region"() ({
        %run_scoped3A = tpu.sem_alloc : memref<!tpu.dma_semaphore, #tpu.memory_space<semaphore_mem>>
        %dma_start3A = arith.constant 0 : i32
        %dma_start3A_60 = tpu.memref_slice %arg7[%add3A_47, %dma_start3A] : memref<10240x128xf32, #tpu.memory_space<hbm>> -> memref<128x128xf32, #tpu.memory_space<hbm>>
        %dma_start3A_61 = arith.constant 0 : i32
        %dma_start3A_62 = tpu.memref_slice %arg7[%add3A_47, %dma_start3A_61] : memref<10240x128xf32, #tpu.memory_space<hbm>> -> memref<128x128xf32, #tpu.memory_space<hbm>>
        tpu.enqueue_dma source(%arg10 : memref<128x128xf32, #tpu.memory_space<vmem>>) target(%dma_start3A_62 : memref<128x128xf32, #tpu.memory_space<hbm>>) target_semaphore(%run_scoped3A : memref<!tpu.dma_semaphore, #tpu.memory_space<semaphore_mem>>)
        %dma_wait3A = arith.constant 0 : i32
        %dma_wait3A_63 = tpu.memref_slice %arg7[%add3A_47, %dma_wait3A] : memref<10240x128xf32, #tpu.memory_space<hbm>> -> memref<128x128xf32, #tpu.memory_space<hbm>>
        %dma_wait3A_64 = arith.constant 0 : i32
        %dma_wait3A_65 = tpu.memref_slice %arg7[%add3A_47, %dma_wait3A_64] : memref<10240x128xf32, #tpu.memory_space<hbm>> -> memref<128x128xf32, #tpu.memory_space<hbm>>
        tpu.wait_dma2 semaphore(%run_scoped3A : memref<!tpu.dma_semaphore, #tpu.memory_space<semaphore_mem>>) src(%arg10 : memref<128x128xf32, #tpu.memory_space<vmem>>) dst(%dma_wait3A_65 : memref<128x128xf32, #tpu.memory_space<hbm>>)
        tpu.yield
      }) : () -> ()
      %mul3A_48 = arith.constant 640 : i32
      %mul3A_49 = arith.muli %arg1, %mul3A_48 : i32
      %add3A_50 = arith.constant 256 : i32
      %add3A_51 = arith.addi %mul3A_49, %add3A_50 : i32
      "tpu.region"() ({
        %run_scoped3A = tpu.sem_alloc : memref<!tpu.dma_semaphore, #tpu.memory_space<semaphore_mem>>
        %dma_start3A = arith.constant 0 : i32
        %dma_start3A_60 = tpu.memref_slice %arg12[%add3A_51, %dma_start3A] : memref<10240x128xf32, #tpu.memory_space<vmem_shared>> -> memref<128x128xf32, #tpu.memory_space<vmem_shared>>
        %dma_start3A_61 = arith.constant 0 : i32
        %dma_start3A_62 = tpu.memref_slice %arg12[%add3A_51, %dma_start3A_61] : memref<10240x128xf32, #tpu.memory_space<vmem_shared>> -> memref<128x128xf32, #tpu.memory_space<vmem_shared>>
        tpu.enqueue_dma source(%dma_start3A_62 : memref<128x128xf32, #tpu.memory_space<vmem_shared>>) target(%arg10 : memref<128x128xf32, #tpu.memory_space<vmem>>) target_semaphore(%run_scoped3A : memref<!tpu.dma_semaphore, #tpu.memory_space<semaphore_mem>>)
        %dma_wait3A = arith.constant 0 : i32
        %dma_wait3A_63 = tpu.memref_slice %arg12[%add3A_51, %dma_wait3A] : memref<10240x128xf32, #tpu.memory_space<vmem_shared>> -> memref<128x128xf32, #tpu.memory_space<vmem_shared>>
        %dma_wait3A_64 = arith.constant 0 : i32
        %dma_wait3A_65 = tpu.memref_slice %arg12[%add3A_51, %dma_wait3A_64] : memref<10240x128xf32, #tpu.memory_space<vmem_shared>> -> memref<128x128xf32, #tpu.memory_space<vmem_shared>>
        tpu.wait_dma2 semaphore(%run_scoped3A : memref<!tpu.dma_semaphore, #tpu.memory_space<semaphore_mem>>) src(%dma_wait3A_65 : memref<128x128xf32, #tpu.memory_space<vmem_shared>>) dst(%arg10 : memref<128x128xf32, #tpu.memory_space<vmem>>)
        tpu.yield
      }) : () -> ()
      "tpu.region"() ({
        %run_scoped3A = tpu.sem_alloc : memref<!tpu.dma_semaphore, #tpu.memory_space<semaphore_mem>>
        %dma_start3A = arith.constant 0 : i32
        %dma_start3A_60 = tpu.memref_slice %arg7[%add3A_51, %dma_start3A] : memref<10240x128xf32, #tpu.memory_space<hbm>> -> memref<128x128xf32, #tpu.memory_space<hbm>>
        %dma_start3A_61 = arith.constant 0 : i32
        %dma_start3A_62 = tpu.memref_slice %arg7[%add3A_51, %dma_start3A_61] : memref<10240x128xf32, #tpu.memory_space<hbm>> -> memref<128x128xf32, #tpu.memory_space<hbm>>
        tpu.enqueue_dma source(%arg10 : memref<128x128xf32, #tpu.memory_space<vmem>>) target(%dma_start3A_62 : memref<128x128xf32, #tpu.memory_space<hbm>>) target_semaphore(%run_scoped3A : memref<!tpu.dma_semaphore, #tpu.memory_space<semaphore_mem>>)
        %dma_wait3A = arith.constant 0 : i32
        %dma_wait3A_63 = tpu.memref_slice %arg7[%add3A_51, %dma_wait3A] : memref<10240x128xf32, #tpu.memory_space<hbm>> -> memref<128x128xf32, #tpu.memory_space<hbm>>
        %dma_wait3A_64 = arith.constant 0 : i32
        %dma_wait3A_65 = tpu.memref_slice %arg7[%add3A_51, %dma_wait3A_64] : memref<10240x128xf32, #tpu.memory_space<hbm>> -> memref<128x128xf32, #tpu.memory_space<hbm>>
        tpu.wait_dma2 semaphore(%run_scoped3A : memref<!tpu.dma_semaphore, #tpu.memory_space<semaphore_mem>>) src(%arg10 : memref<128x128xf32, #tpu.memory_space<vmem>>) dst(%dma_wait3A_65 : memref<128x128xf32, #tpu.memory_space<hbm>>)
        tpu.yield
      }) : () -> ()
      %mul3A_52 = arith.constant 640 : i32
      %mul3A_53 = arith.muli %arg1, %mul3A_52 : i32
      %add3A_54 = arith.constant 384 : i32
      %add3A_55 = arith.addi %mul3A_53, %add3A_54 : i32
      "tpu.region"() ({
        %run_scoped3A = tpu.sem_alloc : memref<!tpu.dma_semaphore, #tpu.memory_space<semaphore_mem>>
        %dma_start3A = arith.constant 0 : i32
        %dma_start3A_60 = tpu.memref_slice %arg12[%add3A_55, %dma_start3A] : memref<10240x128xf32, #tpu.memory_space<vmem_shared>> -> memref<128x128xf32, #tpu.memory_space<vmem_shared>>
        %dma_start3A_61 = arith.constant 0 : i32
        %dma_start3A_62 = tpu.memref_slice %arg12[%add3A_55, %dma_start3A_61] : memref<10240x128xf32, #tpu.memory_space<vmem_shared>> -> memref<128x128xf32, #tpu.memory_space<vmem_shared>>
        tpu.enqueue_dma source(%dma_start3A_62 : memref<128x128xf32, #tpu.memory_space<vmem_shared>>) target(%arg10 : memref<128x128xf32, #tpu.memory_space<vmem>>) target_semaphore(%run_scoped3A : memref<!tpu.dma_semaphore, #tpu.memory_space<semaphore_mem>>)
        %dma_wait3A = arith.constant 0 : i32
        %dma_wait3A_63 = tpu.memref_slice %arg12[%add3A_55, %dma_wait3A] : memref<10240x128xf32, #tpu.memory_space<vmem_shared>> -> memref<128x128xf32, #tpu.memory_space<vmem_shared>>
        %dma_wait3A_64 = arith.constant 0 : i32
        %dma_wait3A_65 = tpu.memref_slice %arg12[%add3A_55, %dma_wait3A_64] : memref<10240x128xf32, #tpu.memory_space<vmem_shared>> -> memref<128x128xf32, #tpu.memory_space<vmem_shared>>
        tpu.wait_dma2 semaphore(%run_scoped3A : memref<!tpu.dma_semaphore, #tpu.memory_space<semaphore_mem>>) src(%dma_wait3A_65 : memref<128x128xf32, #tpu.memory_space<vmem_shared>>) dst(%arg10 : memref<128x128xf32, #tpu.memory_space<vmem>>)
        tpu.yield
      }) : () -> ()
      "tpu.region"() ({
        %run_scoped3A = tpu.sem_alloc : memref<!tpu.dma_semaphore, #tpu.memory_space<semaphore_mem>>
        %dma_start3A = arith.constant 0 : i32
        %dma_start3A_60 = tpu.memref_slice %arg7[%add3A_55, %dma_start3A] : memref<10240x128xf32, #tpu.memory_space<hbm>> -> memref<128x128xf32, #tpu.memory_space<hbm>>
        %dma_start3A_61 = arith.constant 0 : i32
        %dma_start3A_62 = tpu.memref_slice %arg7[%add3A_55, %dma_start3A_61] : memref<10240x128xf32, #tpu.memory_space<hbm>> -> memref<128x128xf32, #tpu.memory_space<hbm>>
        tpu.enqueue_dma source(%arg10 : memref<128x128xf32, #tpu.memory_space<vmem>>) target(%dma_start3A_62 : memref<128x128xf32, #tpu.memory_space<hbm>>) target_semaphore(%run_scoped3A : memref<!tpu.dma_semaphore, #tpu.memory_space<semaphore_mem>>)
        %dma_wait3A = arith.constant 0 : i32
        %dma_wait3A_63 = tpu.memref_slice %arg7[%add3A_55, %dma_wait3A] : memref<10240x128xf32, #tpu.memory_space<hbm>> -> memref<128x128xf32, #tpu.memory_space<hbm>>
        %dma_wait3A_64 = arith.constant 0 : i32
        %dma_wait3A_65 = tpu.memref_slice %arg7[%add3A_55, %dma_wait3A_64] : memref<10240x128xf32, #tpu.memory_space<hbm>> -> memref<128x128xf32, #tpu.memory_space<hbm>>
        tpu.wait_dma2 semaphore(%run_scoped3A : memref<!tpu.dma_semaphore, #tpu.memory_space<semaphore_mem>>) src(%arg10 : memref<128x128xf32, #tpu.memory_space<vmem>>) dst(%dma_wait3A_65 : memref<128x128xf32, #tpu.memory_space<hbm>>)
        tpu.yield
      }) : () -> ()
      %mul3A_56 = arith.constant 640 : i32
      %mul3A_57 = arith.muli %arg1, %mul3A_56 : i32
      %add3A_58 = arith.constant 512 : i32
      %add3A_59 = arith.addi %mul3A_57, %add3A_58 : i32
      "tpu.region"() ({
        %run_scoped3A = tpu.sem_alloc : memref<!tpu.dma_semaphore, #tpu.memory_space<semaphore_mem>>
        %dma_start3A = arith.constant 0 : i32
        %dma_start3A_60 = tpu.memref_slice %arg12[%add3A_59, %dma_start3A] : memref<10240x128xf32, #tpu.memory_space<vmem_shared>> -> memref<128x128xf32, #tpu.memory_space<vmem_shared>>
        %dma_start3A_61 = arith.constant 0 : i32
        %dma_start3A_62 = tpu.memref_slice %arg12[%add3A_59, %dma_start3A_61] : memref<10240x128xf32, #tpu.memory_space<vmem_shared>> -> memref<128x128xf32, #tpu.memory_space<vmem_shared>>
        tpu.enqueue_dma source(%dma_start3A_62 : memref<128x128xf32, #tpu.memory_space<vmem_shared>>) target(%arg10 : memref<128x128xf32, #tpu.memory_space<vmem>>) target_semaphore(%run_scoped3A : memref<!tpu.dma_semaphore, #tpu.memory_space<semaphore_mem>>)
        %dma_wait3A = arith.constant 0 : i32
        %dma_wait3A_63 = tpu.memref_slice %arg12[%add3A_59, %dma_wait3A] : memref<10240x128xf32, #tpu.memory_space<vmem_shared>> -> memref<128x128xf32, #tpu.memory_space<vmem_shared>>
        %dma_wait3A_64 = arith.constant 0 : i32
        %dma_wait3A_65 = tpu.memref_slice %arg12[%add3A_59, %dma_wait3A_64] : memref<10240x128xf32, #tpu.memory_space<vmem_shared>> -> memref<128x128xf32, #tpu.memory_space<vmem_shared>>
        tpu.wait_dma2 semaphore(%run_scoped3A : memref<!tpu.dma_semaphore, #tpu.memory_space<semaphore_mem>>) src(%dma_wait3A_65 : memref<128x128xf32, #tpu.memory_space<vmem_shared>>) dst(%arg10 : memref<128x128xf32, #tpu.memory_space<vmem>>)
        tpu.yield
      }) : () -> ()
      "tpu.region"() ({
        %run_scoped3A = tpu.sem_alloc : memref<!tpu.dma_semaphore, #tpu.memory_space<semaphore_mem>>
        %dma_start3A = arith.constant 0 : i32
        %dma_start3A_60 = tpu.memref_slice %arg7[%add3A_59, %dma_start3A] : memref<10240x128xf32, #tpu.memory_space<hbm>> -> memref<128x128xf32, #tpu.memory_space<hbm>>
        %dma_start3A_61 = arith.constant 0 : i32
        %dma_start3A_62 = tpu.memref_slice %arg7[%add3A_59, %dma_start3A_61] : memref<10240x128xf32, #tpu.memory_space<hbm>> -> memref<128x128xf32, #tpu.memory_space<hbm>>
        tpu.enqueue_dma source(%arg10 : memref<128x128xf32, #tpu.memory_space<vmem>>) target(%dma_start3A_62 : memref<128x128xf32, #tpu.memory_space<hbm>>) target_semaphore(%run_scoped3A : memref<!tpu.dma_semaphore, #tpu.memory_space<semaphore_mem>>)
        %dma_wait3A = arith.constant 0 : i32
        %dma_wait3A_63 = tpu.memref_slice %arg7[%add3A_59, %dma_wait3A] : memref<10240x128xf32, #tpu.memory_space<hbm>> -> memref<128x128xf32, #tpu.memory_space<hbm>>
        %dma_wait3A_64 = arith.constant 0 : i32
        %dma_wait3A_65 = tpu.memref_slice %arg7[%add3A_59, %dma_wait3A_64] : memref<10240x128xf32, #tpu.memory_space<hbm>> -> memref<128x128xf32, #tpu.memory_space<hbm>>
        tpu.wait_dma2 semaphore(%run_scoped3A : memref<!tpu.dma_semaphore, #tpu.memory_space<semaphore_mem>>) src(%arg10 : memref<128x128xf32, #tpu.memory_space<vmem>>) dst(%dma_wait3A_65 : memref<128x128xf32, #tpu.memory_space<hbm>>)
        tpu.yield
      }) : () -> ()
    } else {
    }
    return
  }
}

#map = affine_map<(d0, d1) -> (0, 0)>
#map1 = affine_map<(d0, d1) -> (0)>
module attributes {stable_mosaic.version = 14 : i64} {
  func.func @hist_kernel(%arg0: i32, %arg1: i32, %arg2: memref<2560x128xi32, #tpu.memory_space<hbm>>, %arg3: memref<2560x128xi32, #tpu.memory_space<hbm>>, %arg4: memref<10240xf32, #tpu.memory_space<hbm>>, %arg5: memref<10240xf32, #tpu.memory_space<hbm>>, %arg6: memref<160x128xi32, #tpu.memory_space<vmem>>, %arg7: memref<640xf32, #tpu.memory_space<vmem>>, %arg8: memref<128xf32, #tpu.memory_space<vmem>>, %arg9: memref<10240xf32, #tpu.memory_space<vmem_shared>>, %arg10: memref<!tpu.dma_semaphore, #tpu.memory_space<semaphore_mem>>) attributes {dimension_semantics = [#tpu.dimension_semantics<core_parallel>, #tpu.dimension_semantics<subcore_parallel>], iteration_bounds = array<i64: 2, 16>, scalar_prefetch = 0 : i64, scratch_operands = 5 : i64, tpu.core_type = #tpu.core_type<sc_vector_subcore>, window_params = [{transform_indices = #map}, {transform_indices = #map}, {transform_indices = #map1}, {transform_indices = #map1}]} {
    %scan3A = arith.constant 0 : i32
    %scan3A_0 = arith.constant 40 : i32
    %scan3A_1 = arith.addi %scan3A, %scan3A_0 : i32
    %scan3A_2 = arith.constant 1 : i32
    scf.for %scan3A_69 = %scan3A to %scan3A_1 step %scan3A_2  : i32 {
      %mul3A_70 = arith.constant 1 : i32
      %mul3A_71 = arith.muli %scan3A_69, %mul3A_70 : i32
      %add3A = arith.constant 0 : i32
      %add3A_72 = arith.addi %add3A, %mul3A_71 : i32
      %broadcast_in_dim3A_73 = arith.constant 0.000000e+00 : f32
      %broadcast_in_dim3A_74 = vector.broadcast %broadcast_in_dim3A_73 : f32 to vector<16xf32>
      %mul3A_75 = arith.constant 16 : i32
      %mul3A_76 = arith.muli %add3A_72, %mul3A_75 : i32
      %swap3A_77 = arith.index_cast %mul3A_76 : i32 to index
      %swap3A_78 = tpu.vector_load %arg7[%swap3A_77] {strides = array<i32>} : memref<640xf32, #tpu.memory_space<vmem>>, vector<16xf32>,
      %swap3A_79 = vector.shape_cast %swap3A_78 : vector<16xf32> to vector<16xf32>
      %swap3A_80 = vector.shape_cast %broadcast_in_dim3A_74 : vector<16xf32> to vector<16xf32>
      tpu.vector_store %arg7[%swap3A_77], %swap3A_80 {strides = array<i32>} : memref<640xf32, #tpu.memory_space<vmem>>, vector<16xf32>,
    }
    %scan3A_3 = arith.constant 40 : i32
    %broadcast_in_dim3A = arith.constant 1.000000e+00 : f32
    %broadcast_in_dim3A_4 = vector.broadcast %broadcast_in_dim3A : f32 to vector<16xf32>
    %swap3A = arith.constant 0 : index
    %swap3A_5 = tpu.vector_load %arg8[%swap3A] {strides = array<i32>} : memref<128xf32, #tpu.memory_space<vmem>>, vector<16xf32>,
    %swap3A_6 = vector.shape_cast %swap3A_5 : vector<16xf32> to vector<16xf32>
    %swap3A_7 = vector.shape_cast %broadcast_in_dim3A_4 : vector<16xf32> to vector<16xf32>
    tpu.vector_store %arg8[%swap3A], %swap3A_7 {strides = array<i32>} : memref<128xf32, #tpu.memory_space<vmem>>, vector<16xf32>,
    %broadcast_in_dim3A_8 = arith.constant 1.000000e+00 : f32
    %broadcast_in_dim3A_9 = vector.broadcast %broadcast_in_dim3A_8 : f32 to vector<16xf32>
    %swap3A_10 = arith.constant 16 : index
    %swap3A_11 = tpu.vector_load %arg8[%swap3A_10] {strides = array<i32>} : memref<128xf32, #tpu.memory_space<vmem>>, vector<16xf32>,
    %swap3A_12 = vector.shape_cast %swap3A_11 : vector<16xf32> to vector<16xf32>
    %swap3A_13 = vector.shape_cast %broadcast_in_dim3A_9 : vector<16xf32> to vector<16xf32>
    tpu.vector_store %arg8[%swap3A_10], %swap3A_13 {strides = array<i32>} : memref<128xf32, #tpu.memory_space<vmem>>, vector<16xf32>,
    %broadcast_in_dim3A_14 = arith.constant 1.000000e+00 : f32
    %broadcast_in_dim3A_15 = vector.broadcast %broadcast_in_dim3A_14 : f32 to vector<16xf32>
    %swap3A_16 = arith.constant 32 : index
    %swap3A_17 = tpu.vector_load %arg8[%swap3A_16] {strides = array<i32>} : memref<128xf32, #tpu.memory_space<vmem>>, vector<16xf32>,
    %swap3A_18 = vector.shape_cast %swap3A_17 : vector<16xf32> to vector<16xf32>
    %swap3A_19 = vector.shape_cast %broadcast_in_dim3A_15 : vector<16xf32> to vector<16xf32>
    tpu.vector_store %arg8[%swap3A_16], %swap3A_19 {strides = array<i32>} : memref<128xf32, #tpu.memory_space<vmem>>, vector<16xf32>,
    %broadcast_in_dim3A_20 = arith.constant 1.000000e+00 : f32
    %broadcast_in_dim3A_21 = vector.broadcast %broadcast_in_dim3A_20 : f32 to vector<16xf32>
    %swap3A_22 = arith.constant 48 : index
    %swap3A_23 = tpu.vector_load %arg8[%swap3A_22] {strides = array<i32>} : memref<128xf32, #tpu.memory_space<vmem>>, vector<16xf32>,
    %swap3A_24 = vector.shape_cast %swap3A_23 : vector<16xf32> to vector<16xf32>
    %swap3A_25 = vector.shape_cast %broadcast_in_dim3A_21 : vector<16xf32> to vector<16xf32>
    tpu.vector_store %arg8[%swap3A_22], %swap3A_25 {strides = array<i32>} : memref<128xf32, #tpu.memory_space<vmem>>, vector<16xf32>,
    %broadcast_in_dim3A_26 = arith.constant 1.000000e+00 : f32
    %broadcast_in_dim3A_27 = vector.broadcast %broadcast_in_dim3A_26 : f32 to vector<16xf32>
    %swap3A_28 = arith.constant 64 : index
    %swap3A_29 = tpu.vector_load %arg8[%swap3A_28] {strides = array<i32>} : memref<128xf32, #tpu.memory_space<vmem>>, vector<16xf32>,
    %swap3A_30 = vector.shape_cast %swap3A_29 : vector<16xf32> to vector<16xf32>
    %swap3A_31 = vector.shape_cast %broadcast_in_dim3A_27 : vector<16xf32> to vector<16xf32>
    tpu.vector_store %arg8[%swap3A_28], %swap3A_31 {strides = array<i32>} : memref<128xf32, #tpu.memory_space<vmem>>, vector<16xf32>,
    %broadcast_in_dim3A_32 = arith.constant 1.000000e+00 : f32
    %broadcast_in_dim3A_33 = vector.broadcast %broadcast_in_dim3A_32 : f32 to vector<16xf32>
    %swap3A_34 = arith.constant 80 : index
    %swap3A_35 = tpu.vector_load %arg8[%swap3A_34] {strides = array<i32>} : memref<128xf32, #tpu.memory_space<vmem>>, vector<16xf32>,
    %swap3A_36 = vector.shape_cast %swap3A_35 : vector<16xf32> to vector<16xf32>
    %swap3A_37 = vector.shape_cast %broadcast_in_dim3A_33 : vector<16xf32> to vector<16xf32>
    tpu.vector_store %arg8[%swap3A_34], %swap3A_37 {strides = array<i32>} : memref<128xf32, #tpu.memory_space<vmem>>, vector<16xf32>,
    %broadcast_in_dim3A_38 = arith.constant 1.000000e+00 : f32
    %broadcast_in_dim3A_39 = vector.broadcast %broadcast_in_dim3A_38 : f32 to vector<16xf32>
    %swap3A_40 = arith.constant 96 : index
    %swap3A_41 = tpu.vector_load %arg8[%swap3A_40] {strides = array<i32>} : memref<128xf32, #tpu.memory_space<vmem>>, vector<16xf32>,
    %swap3A_42 = vector.shape_cast %swap3A_41 : vector<16xf32> to vector<16xf32>
    %swap3A_43 = vector.shape_cast %broadcast_in_dim3A_39 : vector<16xf32> to vector<16xf32>
    tpu.vector_store %arg8[%swap3A_40], %swap3A_43 {strides = array<i32>} : memref<128xf32, #tpu.memory_space<vmem>>, vector<16xf32>,
    %broadcast_in_dim3A_44 = arith.constant 1.000000e+00 : f32
    %broadcast_in_dim3A_45 = vector.broadcast %broadcast_in_dim3A_44 : f32 to vector<16xf32>
    %swap3A_46 = arith.constant 112 : index
    %swap3A_47 = tpu.vector_load %arg8[%swap3A_46] {strides = array<i32>} : memref<128xf32, #tpu.memory_space<vmem>>, vector<16xf32>,
    %swap3A_48 = vector.shape_cast %swap3A_47 : vector<16xf32> to vector<16xf32>
    %swap3A_49 = vector.shape_cast %broadcast_in_dim3A_45 : vector<16xf32> to vector<16xf32>
    tpu.vector_store %arg8[%swap3A_46], %swap3A_49 {strides = array<i32>} : memref<128xf32, #tpu.memory_space<vmem>>, vector<16xf32>,
    %mul3A = arith.constant 640 : i32
    %mul3A_50 = arith.muli %arg1, %mul3A : i32
    "tpu.region"() ({
      %run_scoped3A = tpu.sem_alloc : memref<!tpu.dma_semaphore, #tpu.memory_space<semaphore_mem>>
      %dma_start3A = tpu.memref_slice %arg9[%mul3A_50] : memref<10240xf32, #tpu.memory_space<vmem_shared>> -> memref<640xf32, #tpu.memory_space<vmem_shared>>
      %dma_start3A_69 = tpu.memref_slice %arg9[%mul3A_50] : memref<10240xf32, #tpu.memory_space<vmem_shared>> -> memref<640xf32, #tpu.memory_space<vmem_shared>>
      tpu.enqueue_dma source(%arg7 : memref<640xf32, #tpu.memory_space<vmem>>) target(%dma_start3A_69 : memref<640xf32, #tpu.memory_space<vmem_shared>>) target_semaphore(%run_scoped3A : memref<!tpu.dma_semaphore, #tpu.memory_space<semaphore_mem>>)
      %dma_wait3A = tpu.memref_slice %arg9[%mul3A_50] : memref<10240xf32, #tpu.memory_space<vmem_shared>> -> memref<640xf32, #tpu.memory_space<vmem_shared>>
      %dma_wait3A_70 = tpu.memref_slice %arg9[%mul3A_50] : memref<10240xf32, #tpu.memory_space<vmem_shared>> -> memref<640xf32, #tpu.memory_space<vmem_shared>>
      tpu.wait_dma2 semaphore(%run_scoped3A : memref<!tpu.dma_semaphore, #tpu.memory_space<semaphore_mem>>) src(%arg7 : memref<640xf32, #tpu.memory_space<vmem>>) dst(%dma_wait3A_70 : memref<640xf32, #tpu.memory_space<vmem_shared>>)
      tpu.yield
    }) : () -> ()
    %barrier3A = arith.constant 0 : index
    tpu.barrier barrier_id(%barrier3A)
    %eq3A = arith.constant 0 : i32
    %eq3A_51 = arith.cmpi eq, %arg0, %eq3A : i32
    %convert_element_type3A = arith.extui %eq3A_51 : i1 to i32
    %cond3A = arith.constant 0 : i32
    %cond3A_52 = arith.cmpi ne, %convert_element_type3A, %cond3A : i32
    scf.if %cond3A_52 {
      %mul3A_69 = arith.constant 160 : i32
      %mul3A_70 = arith.muli %arg1, %mul3A_69 : i32
      "tpu.region"() ({
        %run_scoped3A = tpu.sem_alloc : memref<!tpu.dma_semaphore, #tpu.memory_space<semaphore_mem>>
        %dma_start3A = arith.constant 0 : i32
        %dma_start3A_76 = tpu.memref_slice %arg2[%mul3A_70, %dma_start3A] : memref<2560x128xi32, #tpu.memory_space<hbm>> -> memref<160x128xi32, #tpu.memory_space<hbm>>
        %dma_start3A_77 = arith.constant 0 : i32
        %dma_start3A_78 = tpu.memref_slice %arg2[%mul3A_70, %dma_start3A_77] : memref<2560x128xi32, #tpu.memory_space<hbm>> -> memref<160x128xi32, #tpu.memory_space<hbm>>
        tpu.enqueue_dma source(%dma_start3A_78 : memref<160x128xi32, #tpu.memory_space<hbm>>) target(%arg6 : memref<160x128xi32, #tpu.memory_space<vmem>>) target_semaphore(%run_scoped3A : memref<!tpu.dma_semaphore, #tpu.memory_space<semaphore_mem>>)
        %dma_wait3A = arith.constant 0 : i32
        %dma_wait3A_79 = tpu.memref_slice %arg2[%mul3A_70, %dma_wait3A] : memref<2560x128xi32, #tpu.memory_space<hbm>> -> memref<160x128xi32, #tpu.memory_space<hbm>>
        %dma_wait3A_80 = arith.constant 0 : i32
        %dma_wait3A_81 = tpu.memref_slice %arg2[%mul3A_70, %dma_wait3A_80] : memref<2560x128xi32, #tpu.memory_space<hbm>> -> memref<160x128xi32, #tpu.memory_space<hbm>>
        tpu.wait_dma2 semaphore(%run_scoped3A : memref<!tpu.dma_semaphore, #tpu.memory_space<semaphore_mem>>) src(%dma_wait3A_81 : memref<160x128xi32, #tpu.memory_space<hbm>>) dst(%arg6 : memref<160x128xi32, #tpu.memory_space<vmem>>)
        tpu.yield
      }) : () -> ()
      %scan3A_71 = arith.constant 0 : i32
      %scan3A_72 = arith.constant 20 : i32
      %scan3A_73 = arith.addi %scan3A_71, %scan3A_72 : i32
      %scan3A_74 = arith.constant 1 : i32
      scf.for %scan3A_76 = %scan3A_71 to %scan3A_73 step %scan3A_74  : i32 {
        %mul3A_77 = arith.constant 1 : i32
        %mul3A_78 = arith.muli %scan3A_76, %mul3A_77 : i32
        %add3A = arith.constant 0 : i32
        %add3A_79 = arith.addi %add3A, %mul3A_78 : i32
        %mul3A_80 = arith.constant 8 : i32
        %mul3A_81 = arith.muli %add3A_79, %mul3A_80 : i32
        %add3A_82 = arith.constant 0 : i32
        %add3A_83 = arith.addi %mul3A_81, %add3A_82 : i32
        %dma_start3A = arith.constant 0 : i32
        %dma_start3A_84 = tpu.memref_slice %arg6[%add3A_83, %dma_start3A] : memref<160x128xi32, #tpu.memory_space<vmem>> -> memref<1x128xi32, #tpu.memory_space<vmem>>
        %dma_start3A_85 = tpu.memref_squeeze %dma_start3A_84 : memref<1x128xi32, #tpu.memory_space<vmem>> -> memref<128xi32, #tpu.memory_space<vmem>>
        %dma_start3A_86 = arith.constant 0 : i32
        %dma_start3A_87 = tpu.memref_slice %arg9[%dma_start3A_86] : memref<10240xf32, #tpu.memory_space<vmem_shared>> -> memref<10240xf32, #tpu.memory_space<vmem_shared>>
        tpu.enqueue_indirect_dma source(%arg8 : memref<128xf32, #tpu.memory_space<vmem>>) target(%dma_start3A_87 : memref<10240xf32, #tpu.memory_space<vmem_shared>>) offsets(%dma_start3A_85 : memref<128xi32, #tpu.memory_space<vmem>>) semaphore(%arg10 : memref<!tpu.dma_semaphore, #tpu.memory_space<semaphore_mem>>) {add = true}
        %mul3A_88 = arith.constant 8 : i32
        %mul3A_89 = arith.muli %add3A_79, %mul3A_88 : i32
        %add3A_90 = arith.constant 1 : i32
        %add3A_91 = arith.addi %mul3A_89, %add3A_90 : i32
        %dma_start3A_92 = arith.constant 0 : i32
        %dma_start3A_93 = tpu.memref_slice %arg6[%add3A_91, %dma_start3A_92] : memref<160x128xi32, #tpu.memory_space<vmem>> -> memref<1x128xi32, #tpu.memory_space<vmem>>
        %dma_start3A_94 = tpu.memref_squeeze %dma_start3A_93 : memref<1x128xi32, #tpu.memory_space<vmem>> -> memref<128xi32, #tpu.memory_space<vmem>>
        %dma_start3A_95 = arith.constant 0 : i32
        %dma_start3A_96 = tpu.memref_slice %arg9[%dma_start3A_95] : memref<10240xf32, #tpu.memory_space<vmem_shared>> -> memref<10240xf32, #tpu.memory_space<vmem_shared>>
        tpu.enqueue_indirect_dma source(%arg8 : memref<128xf32, #tpu.memory_space<vmem>>) target(%dma_start3A_96 : memref<10240xf32, #tpu.memory_space<vmem_shared>>) offsets(%dma_start3A_94 : memref<128xi32, #tpu.memory_space<vmem>>) semaphore(%arg10 : memref<!tpu.dma_semaphore, #tpu.memory_space<semaphore_mem>>) {add = true}
        %mul3A_97 = arith.constant 8 : i32
        %mul3A_98 = arith.muli %add3A_79, %mul3A_97 : i32
        %add3A_99 = arith.constant 2 : i32
        %add3A_100 = arith.addi %mul3A_98, %add3A_99 : i32
        %dma_start3A_101 = arith.constant 0 : i32
        %dma_start3A_102 = tpu.memref_slice %arg6[%add3A_100, %dma_start3A_101] : memref<160x128xi32, #tpu.memory_space<vmem>> -> memref<1x128xi32, #tpu.memory_space<vmem>>
        %dma_start3A_103 = tpu.memref_squeeze %dma_start3A_102 : memref<1x128xi32, #tpu.memory_space<vmem>> -> memref<128xi32, #tpu.memory_space<vmem>>
        %dma_start3A_104 = arith.constant 0 : i32
        %dma_start3A_105 = tpu.memref_slice %arg9[%dma_start3A_104] : memref<10240xf32, #tpu.memory_space<vmem_shared>> -> memref<10240xf32, #tpu.memory_space<vmem_shared>>
        tpu.enqueue_indirect_dma source(%arg8 : memref<128xf32, #tpu.memory_space<vmem>>) target(%dma_start3A_105 : memref<10240xf32, #tpu.memory_space<vmem_shared>>) offsets(%dma_start3A_103 : memref<128xi32, #tpu.memory_space<vmem>>) semaphore(%arg10 : memref<!tpu.dma_semaphore, #tpu.memory_space<semaphore_mem>>) {add = true}
        %mul3A_106 = arith.constant 8 : i32
        %mul3A_107 = arith.muli %add3A_79, %mul3A_106 : i32
        %add3A_108 = arith.constant 3 : i32
        %add3A_109 = arith.addi %mul3A_107, %add3A_108 : i32
        %dma_start3A_110 = arith.constant 0 : i32
        %dma_start3A_111 = tpu.memref_slice %arg6[%add3A_109, %dma_start3A_110] : memref<160x128xi32, #tpu.memory_space<vmem>> -> memref<1x128xi32, #tpu.memory_space<vmem>>
        %dma_start3A_112 = tpu.memref_squeeze %dma_start3A_111 : memref<1x128xi32, #tpu.memory_space<vmem>> -> memref<128xi32, #tpu.memory_space<vmem>>
        %dma_start3A_113 = arith.constant 0 : i32
        %dma_start3A_114 = tpu.memref_slice %arg9[%dma_start3A_113] : memref<10240xf32, #tpu.memory_space<vmem_shared>> -> memref<10240xf32, #tpu.memory_space<vmem_shared>>
        tpu.enqueue_indirect_dma source(%arg8 : memref<128xf32, #tpu.memory_space<vmem>>) target(%dma_start3A_114 : memref<10240xf32, #tpu.memory_space<vmem_shared>>) offsets(%dma_start3A_112 : memref<128xi32, #tpu.memory_space<vmem>>) semaphore(%arg10 : memref<!tpu.dma_semaphore, #tpu.memory_space<semaphore_mem>>) {add = true}
        %mul3A_115 = arith.constant 8 : i32
        %mul3A_116 = arith.muli %add3A_79, %mul3A_115 : i32
        %add3A_117 = arith.constant 4 : i32
        %add3A_118 = arith.addi %mul3A_116, %add3A_117 : i32
        %dma_start3A_119 = arith.constant 0 : i32
        %dma_start3A_120 = tpu.memref_slice %arg6[%add3A_118, %dma_start3A_119] : memref<160x128xi32, #tpu.memory_space<vmem>> -> memref<1x128xi32, #tpu.memory_space<vmem>>
        %dma_start3A_121 = tpu.memref_squeeze %dma_start3A_120 : memref<1x128xi32, #tpu.memory_space<vmem>> -> memref<128xi32, #tpu.memory_space<vmem>>
        %dma_start3A_122 = arith.constant 0 : i32
        %dma_start3A_123 = tpu.memref_slice %arg9[%dma_start3A_122] : memref<10240xf32, #tpu.memory_space<vmem_shared>> -> memref<10240xf32, #tpu.memory_space<vmem_shared>>
        tpu.enqueue_indirect_dma source(%arg8 : memref<128xf32, #tpu.memory_space<vmem>>) target(%dma_start3A_123 : memref<10240xf32, #tpu.memory_space<vmem_shared>>) offsets(%dma_start3A_121 : memref<128xi32, #tpu.memory_space<vmem>>) semaphore(%arg10 : memref<!tpu.dma_semaphore, #tpu.memory_space<semaphore_mem>>) {add = true}
        %mul3A_124 = arith.constant 8 : i32
        %mul3A_125 = arith.muli %add3A_79, %mul3A_124 : i32
        %add3A_126 = arith.constant 5 : i32
        %add3A_127 = arith.addi %mul3A_125, %add3A_126 : i32
        %dma_start3A_128 = arith.constant 0 : i32
        %dma_start3A_129 = tpu.memref_slice %arg6[%add3A_127, %dma_start3A_128] : memref<160x128xi32, #tpu.memory_space<vmem>> -> memref<1x128xi32, #tpu.memory_space<vmem>>
        %dma_start3A_130 = tpu.memref_squeeze %dma_start3A_129 : memref<1x128xi32, #tpu.memory_space<vmem>> -> memref<128xi32, #tpu.memory_space<vmem>>
        %dma_start3A_131 = arith.constant 0 : i32
        %dma_start3A_132 = tpu.memref_slice %arg9[%dma_start3A_131] : memref<10240xf32, #tpu.memory_space<vmem_shared>> -> memref<10240xf32, #tpu.memory_space<vmem_shared>>
        tpu.enqueue_indirect_dma source(%arg8 : memref<128xf32, #tpu.memory_space<vmem>>) target(%dma_start3A_132 : memref<10240xf32, #tpu.memory_space<vmem_shared>>) offsets(%dma_start3A_130 : memref<128xi32, #tpu.memory_space<vmem>>) semaphore(%arg10 : memref<!tpu.dma_semaphore, #tpu.memory_space<semaphore_mem>>) {add = true}
        %mul3A_133 = arith.constant 8 : i32
        %mul3A_134 = arith.muli %add3A_79, %mul3A_133 : i32
        %add3A_135 = arith.constant 6 : i32
        %add3A_136 = arith.addi %mul3A_134, %add3A_135 : i32
        %dma_start3A_137 = arith.constant 0 : i32
        %dma_start3A_138 = tpu.memref_slice %arg6[%add3A_136, %dma_start3A_137] : memref<160x128xi32, #tpu.memory_space<vmem>> -> memref<1x128xi32, #tpu.memory_space<vmem>>
        %dma_start3A_139 = tpu.memref_squeeze %dma_start3A_138 : memref<1x128xi32, #tpu.memory_space<vmem>> -> memref<128xi32, #tpu.memory_space<vmem>>
        %dma_start3A_140 = arith.constant 0 : i32
        %dma_start3A_141 = tpu.memref_slice %arg9[%dma_start3A_140] : memref<10240xf32, #tpu.memory_space<vmem_shared>> -> memref<10240xf32, #tpu.memory_space<vmem_shared>>
        tpu.enqueue_indirect_dma source(%arg8 : memref<128xf32, #tpu.memory_space<vmem>>) target(%dma_start3A_141 : memref<10240xf32, #tpu.memory_space<vmem_shared>>) offsets(%dma_start3A_139 : memref<128xi32, #tpu.memory_space<vmem>>) semaphore(%arg10 : memref<!tpu.dma_semaphore, #tpu.memory_space<semaphore_mem>>) {add = true}
        %mul3A_142 = arith.constant 8 : i32
        %mul3A_143 = arith.muli %add3A_79, %mul3A_142 : i32
        %add3A_144 = arith.constant 7 : i32
        %add3A_145 = arith.addi %mul3A_143, %add3A_144 : i32
        %dma_start3A_146 = arith.constant 0 : i32
        %dma_start3A_147 = tpu.memref_slice %arg6[%add3A_145, %dma_start3A_146] : memref<160x128xi32, #tpu.memory_space<vmem>> -> memref<1x128xi32, #tpu.memory_space<vmem>>
        %dma_start3A_148 = tpu.memref_squeeze %dma_start3A_147 : memref<1x128xi32, #tpu.memory_space<vmem>> -> memref<128xi32, #tpu.memory_space<vmem>>
        %dma_start3A_149 = arith.constant 0 : i32
        %dma_start3A_150 = tpu.memref_slice %arg9[%dma_start3A_149] : memref<10240xf32, #tpu.memory_space<vmem_shared>> -> memref<10240xf32, #tpu.memory_space<vmem_shared>>
        tpu.enqueue_indirect_dma source(%arg8 : memref<128xf32, #tpu.memory_space<vmem>>) target(%dma_start3A_150 : memref<10240xf32, #tpu.memory_space<vmem_shared>>) offsets(%dma_start3A_148 : memref<128xi32, #tpu.memory_space<vmem>>) semaphore(%arg10 : memref<!tpu.dma_semaphore, #tpu.memory_space<semaphore_mem>>) {add = true}
        %dma_wait3A = arith.constant 0 : i32
        %dma_wait3A_151 = arith.constant 0 : i32
        %dma_wait3A_152 = tpu.memref_slice %arg6[%dma_wait3A, %dma_wait3A_151] : memref<160x128xi32, #tpu.memory_space<vmem>> -> memref<1x128xi32, #tpu.memory_space<vmem>>
        %dma_wait3A_153 = tpu.memref_squeeze %dma_wait3A_152 : memref<1x128xi32, #tpu.memory_space<vmem>> -> memref<128xi32, #tpu.memory_space<vmem>>
        %dma_wait3A_154 = arith.constant 0 : i32
        %dma_wait3A_155 = tpu.memref_slice %arg9[%dma_wait3A_154] : memref<10240xf32, #tpu.memory_space<vmem_shared>> -> memref<10240xf32, #tpu.memory_space<vmem_shared>>
        tpu.wait_indirect_dma semaphore(%arg10 : memref<!tpu.dma_semaphore, #tpu.memory_space<semaphore_mem>>) src(%arg8 : memref<128xf32, #tpu.memory_space<vmem>>) dst(%dma_wait3A_155 : memref<10240xf32, #tpu.memory_space<vmem_shared>>)
        %dma_wait3A_156 = arith.constant 0 : i32
        %dma_wait3A_157 = arith.constant 0 : i32
        %dma_wait3A_158 = tpu.memref_slice %arg6[%dma_wait3A_156, %dma_wait3A_157] : memref<160x128xi32, #tpu.memory_space<vmem>> -> memref<1x128xi32, #tpu.memory_space<vmem>>
        %dma_wait3A_159 = tpu.memref_squeeze %dma_wait3A_158 : memref<1x128xi32, #tpu.memory_space<vmem>> -> memref<128xi32, #tpu.memory_space<vmem>>
        %dma_wait3A_160 = arith.constant 0 : i32
        %dma_wait3A_161 = tpu.memref_slice %arg9[%dma_wait3A_160] : memref<10240xf32, #tpu.memory_space<vmem_shared>> -> memref<10240xf32, #tpu.memory_space<vmem_shared>>
        tpu.wait_indirect_dma semaphore(%arg10 : memref<!tpu.dma_semaphore, #tpu.memory_space<semaphore_mem>>) src(%arg8 : memref<128xf32, #tpu.memory_space<vmem>>) dst(%dma_wait3A_161 : memref<10240xf32, #tpu.memory_space<vmem_shared>>)
        %dma_wait3A_162 = arith.constant 0 : i32
        %dma_wait3A_163 = arith.constant 0 : i32
        %dma_wait3A_164 = tpu.memref_slice %arg6[%dma_wait3A_162, %dma_wait3A_163] : memref<160x128xi32, #tpu.memory_space<vmem>> -> memref<1x128xi32, #tpu.memory_space<vmem>>
        %dma_wait3A_165 = tpu.memref_squeeze %dma_wait3A_164 : memref<1x128xi32, #tpu.memory_space<vmem>> -> memref<128xi32, #tpu.memory_space<vmem>>
        %dma_wait3A_166 = arith.constant 0 : i32
        %dma_wait3A_167 = tpu.memref_slice %arg9[%dma_wait3A_166] : memref<10240xf32, #tpu.memory_space<vmem_shared>> -> memref<10240xf32, #tpu.memory_space<vmem_shared>>
        tpu.wait_indirect_dma semaphore(%arg10 : memref<!tpu.dma_semaphore, #tpu.memory_space<semaphore_mem>>) src(%arg8 : memref<128xf32, #tpu.memory_space<vmem>>) dst(%dma_wait3A_167 : memref<10240xf32, #tpu.memory_space<vmem_shared>>)
        %dma_wait3A_168 = arith.constant 0 : i32
        %dma_wait3A_169 = arith.constant 0 : i32
        %dma_wait3A_170 = tpu.memref_slice %arg6[%dma_wait3A_168, %dma_wait3A_169] : memref<160x128xi32, #tpu.memory_space<vmem>> -> memref<1x128xi32, #tpu.memory_space<vmem>>
        %dma_wait3A_171 = tpu.memref_squeeze %dma_wait3A_170 : memref<1x128xi32, #tpu.memory_space<vmem>> -> memref<128xi32, #tpu.memory_space<vmem>>
        %dma_wait3A_172 = arith.constant 0 : i32
        %dma_wait3A_173 = tpu.memref_slice %arg9[%dma_wait3A_172] : memref<10240xf32, #tpu.memory_space<vmem_shared>> -> memref<10240xf32, #tpu.memory_space<vmem_shared>>
        tpu.wait_indirect_dma semaphore(%arg10 : memref<!tpu.dma_semaphore, #tpu.memory_space<semaphore_mem>>) src(%arg8 : memref<128xf32, #tpu.memory_space<vmem>>) dst(%dma_wait3A_173 : memref<10240xf32, #tpu.memory_space<vmem_shared>>)
        %dma_wait3A_174 = arith.constant 0 : i32
        %dma_wait3A_175 = arith.constant 0 : i32
        %dma_wait3A_176 = tpu.memref_slice %arg6[%dma_wait3A_174, %dma_wait3A_175] : memref<160x128xi32, #tpu.memory_space<vmem>> -> memref<1x128xi32, #tpu.memory_space<vmem>>
        %dma_wait3A_177 = tpu.memref_squeeze %dma_wait3A_176 : memref<1x128xi32, #tpu.memory_space<vmem>> -> memref<128xi32, #tpu.memory_space<vmem>>
        %dma_wait3A_178 = arith.constant 0 : i32
        %dma_wait3A_179 = tpu.memref_slice %arg9[%dma_wait3A_178] : memref<10240xf32, #tpu.memory_space<vmem_shared>> -> memref<10240xf32, #tpu.memory_space<vmem_shared>>
        tpu.wait_indirect_dma semaphore(%arg10 : memref<!tpu.dma_semaphore, #tpu.memory_space<semaphore_mem>>) src(%arg8 : memref<128xf32, #tpu.memory_space<vmem>>) dst(%dma_wait3A_179 : memref<10240xf32, #tpu.memory_space<vmem_shared>>)
        %dma_wait3A_180 = arith.constant 0 : i32
        %dma_wait3A_181 = arith.constant 0 : i32
        %dma_wait3A_182 = tpu.memref_slice %arg6[%dma_wait3A_180, %dma_wait3A_181] : memref<160x128xi32, #tpu.memory_space<vmem>> -> memref<1x128xi32, #tpu.memory_space<vmem>>
        %dma_wait3A_183 = tpu.memref_squeeze %dma_wait3A_182 : memref<1x128xi32, #tpu.memory_space<vmem>> -> memref<128xi32, #tpu.memory_space<vmem>>
        %dma_wait3A_184 = arith.constant 0 : i32
        %dma_wait3A_185 = tpu.memref_slice %arg9[%dma_wait3A_184] : memref<10240xf32, #tpu.memory_space<vmem_shared>> -> memref<10240xf32, #tpu.memory_space<vmem_shared>>
        tpu.wait_indirect_dma semaphore(%arg10 : memref<!tpu.dma_semaphore, #tpu.memory_space<semaphore_mem>>) src(%arg8 : memref<128xf32, #tpu.memory_space<vmem>>) dst(%dma_wait3A_185 : memref<10240xf32, #tpu.memory_space<vmem_shared>>)
        %dma_wait3A_186 = arith.constant 0 : i32
        %dma_wait3A_187 = arith.constant 0 : i32
        %dma_wait3A_188 = tpu.memref_slice %arg6[%dma_wait3A_186, %dma_wait3A_187] : memref<160x128xi32, #tpu.memory_space<vmem>> -> memref<1x128xi32, #tpu.memory_space<vmem>>
        %dma_wait3A_189 = tpu.memref_squeeze %dma_wait3A_188 : memref<1x128xi32, #tpu.memory_space<vmem>> -> memref<128xi32, #tpu.memory_space<vmem>>
        %dma_wait3A_190 = arith.constant 0 : i32
        %dma_wait3A_191 = tpu.memref_slice %arg9[%dma_wait3A_190] : memref<10240xf32, #tpu.memory_space<vmem_shared>> -> memref<10240xf32, #tpu.memory_space<vmem_shared>>
        tpu.wait_indirect_dma semaphore(%arg10 : memref<!tpu.dma_semaphore, #tpu.memory_space<semaphore_mem>>) src(%arg8 : memref<128xf32, #tpu.memory_space<vmem>>) dst(%dma_wait3A_191 : memref<10240xf32, #tpu.memory_space<vmem_shared>>)
        %dma_wait3A_192 = arith.constant 0 : i32
        %dma_wait3A_193 = arith.constant 0 : i32
        %dma_wait3A_194 = tpu.memref_slice %arg6[%dma_wait3A_192, %dma_wait3A_193] : memref<160x128xi32, #tpu.memory_space<vmem>> -> memref<1x128xi32, #tpu.memory_space<vmem>>
        %dma_wait3A_195 = tpu.memref_squeeze %dma_wait3A_194 : memref<1x128xi32, #tpu.memory_space<vmem>> -> memref<128xi32, #tpu.memory_space<vmem>>
        %dma_wait3A_196 = arith.constant 0 : i32
        %dma_wait3A_197 = tpu.memref_slice %arg9[%dma_wait3A_196] : memref<10240xf32, #tpu.memory_space<vmem_shared>> -> memref<10240xf32, #tpu.memory_space<vmem_shared>>
        tpu.wait_indirect_dma semaphore(%arg10 : memref<!tpu.dma_semaphore, #tpu.memory_space<semaphore_mem>>) src(%arg8 : memref<128xf32, #tpu.memory_space<vmem>>) dst(%dma_wait3A_197 : memref<10240xf32, #tpu.memory_space<vmem_shared>>)
      }
      %scan3A_75 = arith.constant 20 : i32
    } else {
    }
    %eq3A_53 = arith.constant 1 : i32
    %eq3A_54 = arith.cmpi eq, %arg0, %eq3A_53 : i32
    %convert_element_type3A_55 = arith.extui %eq3A_54 : i1 to i32
    %cond3A_56 = arith.constant 0 : i32
    %cond3A_57 = arith.cmpi ne, %convert_element_type3A_55, %cond3A_56 : i32
    scf.if %cond3A_57 {
      %mul3A_69 = arith.constant 160 : i32
      %mul3A_70 = arith.muli %arg1, %mul3A_69 : i32
      "tpu.region"() ({
        %run_scoped3A = tpu.sem_alloc : memref<!tpu.dma_semaphore, #tpu.memory_space<semaphore_mem>>
        %dma_start3A = arith.constant 0 : i32
        %dma_start3A_76 = tpu.memref_slice %arg3[%mul3A_70, %dma_start3A] : memref<2560x128xi32, #tpu.memory_space<hbm>> -> memref<160x128xi32, #tpu.memory_space<hbm>>
        %dma_start3A_77 = arith.constant 0 : i32
        %dma_start3A_78 = tpu.memref_slice %arg3[%mul3A_70, %dma_start3A_77] : memref<2560x128xi32, #tpu.memory_space<hbm>> -> memref<160x128xi32, #tpu.memory_space<hbm>>
        tpu.enqueue_dma source(%dma_start3A_78 : memref<160x128xi32, #tpu.memory_space<hbm>>) target(%arg6 : memref<160x128xi32, #tpu.memory_space<vmem>>) target_semaphore(%run_scoped3A : memref<!tpu.dma_semaphore, #tpu.memory_space<semaphore_mem>>)
        %dma_wait3A = arith.constant 0 : i32
        %dma_wait3A_79 = tpu.memref_slice %arg3[%mul3A_70, %dma_wait3A] : memref<2560x128xi32, #tpu.memory_space<hbm>> -> memref<160x128xi32, #tpu.memory_space<hbm>>
        %dma_wait3A_80 = arith.constant 0 : i32
        %dma_wait3A_81 = tpu.memref_slice %arg3[%mul3A_70, %dma_wait3A_80] : memref<2560x128xi32, #tpu.memory_space<hbm>> -> memref<160x128xi32, #tpu.memory_space<hbm>>
        tpu.wait_dma2 semaphore(%run_scoped3A : memref<!tpu.dma_semaphore, #tpu.memory_space<semaphore_mem>>) src(%dma_wait3A_81 : memref<160x128xi32, #tpu.memory_space<hbm>>) dst(%arg6 : memref<160x128xi32, #tpu.memory_space<vmem>>)
        tpu.yield
      }) : () -> ()
      %scan3A_71 = arith.constant 0 : i32
      %scan3A_72 = arith.constant 20 : i32
      %scan3A_73 = arith.addi %scan3A_71, %scan3A_72 : i32
      %scan3A_74 = arith.constant 1 : i32
      scf.for %scan3A_76 = %scan3A_71 to %scan3A_73 step %scan3A_74  : i32 {
        %mul3A_77 = arith.constant 1 : i32
        %mul3A_78 = arith.muli %scan3A_76, %mul3A_77 : i32
        %add3A = arith.constant 0 : i32
        %add3A_79 = arith.addi %add3A, %mul3A_78 : i32
        %mul3A_80 = arith.constant 8 : i32
        %mul3A_81 = arith.muli %add3A_79, %mul3A_80 : i32
        %add3A_82 = arith.constant 0 : i32
        %add3A_83 = arith.addi %mul3A_81, %add3A_82 : i32
        %dma_start3A = arith.constant 0 : i32
        %dma_start3A_84 = tpu.memref_slice %arg6[%add3A_83, %dma_start3A] : memref<160x128xi32, #tpu.memory_space<vmem>> -> memref<1x128xi32, #tpu.memory_space<vmem>>
        %dma_start3A_85 = tpu.memref_squeeze %dma_start3A_84 : memref<1x128xi32, #tpu.memory_space<vmem>> -> memref<128xi32, #tpu.memory_space<vmem>>
        %dma_start3A_86 = arith.constant 0 : i32
        %dma_start3A_87 = tpu.memref_slice %arg9[%dma_start3A_86] : memref<10240xf32, #tpu.memory_space<vmem_shared>> -> memref<10240xf32, #tpu.memory_space<vmem_shared>>
        tpu.enqueue_indirect_dma source(%arg8 : memref<128xf32, #tpu.memory_space<vmem>>) target(%dma_start3A_87 : memref<10240xf32, #tpu.memory_space<vmem_shared>>) offsets(%dma_start3A_85 : memref<128xi32, #tpu.memory_space<vmem>>) semaphore(%arg10 : memref<!tpu.dma_semaphore, #tpu.memory_space<semaphore_mem>>) {add = true}
        %mul3A_88 = arith.constant 8 : i32
        %mul3A_89 = arith.muli %add3A_79, %mul3A_88 : i32
        %add3A_90 = arith.constant 1 : i32
        %add3A_91 = arith.addi %mul3A_89, %add3A_90 : i32
        %dma_start3A_92 = arith.constant 0 : i32
        %dma_start3A_93 = tpu.memref_slice %arg6[%add3A_91, %dma_start3A_92] : memref<160x128xi32, #tpu.memory_space<vmem>> -> memref<1x128xi32, #tpu.memory_space<vmem>>
        %dma_start3A_94 = tpu.memref_squeeze %dma_start3A_93 : memref<1x128xi32, #tpu.memory_space<vmem>> -> memref<128xi32, #tpu.memory_space<vmem>>
        %dma_start3A_95 = arith.constant 0 : i32
        %dma_start3A_96 = tpu.memref_slice %arg9[%dma_start3A_95] : memref<10240xf32, #tpu.memory_space<vmem_shared>> -> memref<10240xf32, #tpu.memory_space<vmem_shared>>
        tpu.enqueue_indirect_dma source(%arg8 : memref<128xf32, #tpu.memory_space<vmem>>) target(%dma_start3A_96 : memref<10240xf32, #tpu.memory_space<vmem_shared>>) offsets(%dma_start3A_94 : memref<128xi32, #tpu.memory_space<vmem>>) semaphore(%arg10 : memref<!tpu.dma_semaphore, #tpu.memory_space<semaphore_mem>>) {add = true}
        %mul3A_97 = arith.constant 8 : i32
        %mul3A_98 = arith.muli %add3A_79, %mul3A_97 : i32
        %add3A_99 = arith.constant 2 : i32
        %add3A_100 = arith.addi %mul3A_98, %add3A_99 : i32
        %dma_start3A_101 = arith.constant 0 : i32
        %dma_start3A_102 = tpu.memref_slice %arg6[%add3A_100, %dma_start3A_101] : memref<160x128xi32, #tpu.memory_space<vmem>> -> memref<1x128xi32, #tpu.memory_space<vmem>>
        %dma_start3A_103 = tpu.memref_squeeze %dma_start3A_102 : memref<1x128xi32, #tpu.memory_space<vmem>> -> memref<128xi32, #tpu.memory_space<vmem>>
        %dma_start3A_104 = arith.constant 0 : i32
        %dma_start3A_105 = tpu.memref_slice %arg9[%dma_start3A_104] : memref<10240xf32, #tpu.memory_space<vmem_shared>> -> memref<10240xf32, #tpu.memory_space<vmem_shared>>
        tpu.enqueue_indirect_dma source(%arg8 : memref<128xf32, #tpu.memory_space<vmem>>) target(%dma_start3A_105 : memref<10240xf32, #tpu.memory_space<vmem_shared>>) offsets(%dma_start3A_103 : memref<128xi32, #tpu.memory_space<vmem>>) semaphore(%arg10 : memref<!tpu.dma_semaphore, #tpu.memory_space<semaphore_mem>>) {add = true}
        %mul3A_106 = arith.constant 8 : i32
        %mul3A_107 = arith.muli %add3A_79, %mul3A_106 : i32
        %add3A_108 = arith.constant 3 : i32
        %add3A_109 = arith.addi %mul3A_107, %add3A_108 : i32
        %dma_start3A_110 = arith.constant 0 : i32
        %dma_start3A_111 = tpu.memref_slice %arg6[%add3A_109, %dma_start3A_110] : memref<160x128xi32, #tpu.memory_space<vmem>> -> memref<1x128xi32, #tpu.memory_space<vmem>>
        %dma_start3A_112 = tpu.memref_squeeze %dma_start3A_111 : memref<1x128xi32, #tpu.memory_space<vmem>> -> memref<128xi32, #tpu.memory_space<vmem>>
        %dma_start3A_113 = arith.constant 0 : i32
        %dma_start3A_114 = tpu.memref_slice %arg9[%dma_start3A_113] : memref<10240xf32, #tpu.memory_space<vmem_shared>> -> memref<10240xf32, #tpu.memory_space<vmem_shared>>
        tpu.enqueue_indirect_dma source(%arg8 : memref<128xf32, #tpu.memory_space<vmem>>) target(%dma_start3A_114 : memref<10240xf32, #tpu.memory_space<vmem_shared>>) offsets(%dma_start3A_112 : memref<128xi32, #tpu.memory_space<vmem>>) semaphore(%arg10 : memref<!tpu.dma_semaphore, #tpu.memory_space<semaphore_mem>>) {add = true}
        %mul3A_115 = arith.constant 8 : i32
        %mul3A_116 = arith.muli %add3A_79, %mul3A_115 : i32
        %add3A_117 = arith.constant 4 : i32
        %add3A_118 = arith.addi %mul3A_116, %add3A_117 : i32
        %dma_start3A_119 = arith.constant 0 : i32
        %dma_start3A_120 = tpu.memref_slice %arg6[%add3A_118, %dma_start3A_119] : memref<160x128xi32, #tpu.memory_space<vmem>> -> memref<1x128xi32, #tpu.memory_space<vmem>>
        %dma_start3A_121 = tpu.memref_squeeze %dma_start3A_120 : memref<1x128xi32, #tpu.memory_space<vmem>> -> memref<128xi32, #tpu.memory_space<vmem>>
        %dma_start3A_122 = arith.constant 0 : i32
        %dma_start3A_123 = tpu.memref_slice %arg9[%dma_start3A_122] : memref<10240xf32, #tpu.memory_space<vmem_shared>> -> memref<10240xf32, #tpu.memory_space<vmem_shared>>
        tpu.enqueue_indirect_dma source(%arg8 : memref<128xf32, #tpu.memory_space<vmem>>) target(%dma_start3A_123 : memref<10240xf32, #tpu.memory_space<vmem_shared>>) offsets(%dma_start3A_121 : memref<128xi32, #tpu.memory_space<vmem>>) semaphore(%arg10 : memref<!tpu.dma_semaphore, #tpu.memory_space<semaphore_mem>>) {add = true}
        %mul3A_124 = arith.constant 8 : i32
        %mul3A_125 = arith.muli %add3A_79, %mul3A_124 : i32
        %add3A_126 = arith.constant 5 : i32
        %add3A_127 = arith.addi %mul3A_125, %add3A_126 : i32
        %dma_start3A_128 = arith.constant 0 : i32
        %dma_start3A_129 = tpu.memref_slice %arg6[%add3A_127, %dma_start3A_128] : memref<160x128xi32, #tpu.memory_space<vmem>> -> memref<1x128xi32, #tpu.memory_space<vmem>>
        %dma_start3A_130 = tpu.memref_squeeze %dma_start3A_129 : memref<1x128xi32, #tpu.memory_space<vmem>> -> memref<128xi32, #tpu.memory_space<vmem>>
        %dma_start3A_131 = arith.constant 0 : i32
        %dma_start3A_132 = tpu.memref_slice %arg9[%dma_start3A_131] : memref<10240xf32, #tpu.memory_space<vmem_shared>> -> memref<10240xf32, #tpu.memory_space<vmem_shared>>
        tpu.enqueue_indirect_dma source(%arg8 : memref<128xf32, #tpu.memory_space<vmem>>) target(%dma_start3A_132 : memref<10240xf32, #tpu.memory_space<vmem_shared>>) offsets(%dma_start3A_130 : memref<128xi32, #tpu.memory_space<vmem>>) semaphore(%arg10 : memref<!tpu.dma_semaphore, #tpu.memory_space<semaphore_mem>>) {add = true}
        %mul3A_133 = arith.constant 8 : i32
        %mul3A_134 = arith.muli %add3A_79, %mul3A_133 : i32
        %add3A_135 = arith.constant 6 : i32
        %add3A_136 = arith.addi %mul3A_134, %add3A_135 : i32
        %dma_start3A_137 = arith.constant 0 : i32
        %dma_start3A_138 = tpu.memref_slice %arg6[%add3A_136, %dma_start3A_137] : memref<160x128xi32, #tpu.memory_space<vmem>> -> memref<1x128xi32, #tpu.memory_space<vmem>>
        %dma_start3A_139 = tpu.memref_squeeze %dma_start3A_138 : memref<1x128xi32, #tpu.memory_space<vmem>> -> memref<128xi32, #tpu.memory_space<vmem>>
        %dma_start3A_140 = arith.constant 0 : i32
        %dma_start3A_141 = tpu.memref_slice %arg9[%dma_start3A_140] : memref<10240xf32, #tpu.memory_space<vmem_shared>> -> memref<10240xf32, #tpu.memory_space<vmem_shared>>
        tpu.enqueue_indirect_dma source(%arg8 : memref<128xf32, #tpu.memory_space<vmem>>) target(%dma_start3A_141 : memref<10240xf32, #tpu.memory_space<vmem_shared>>) offsets(%dma_start3A_139 : memref<128xi32, #tpu.memory_space<vmem>>) semaphore(%arg10 : memref<!tpu.dma_semaphore, #tpu.memory_space<semaphore_mem>>) {add = true}
        %mul3A_142 = arith.constant 8 : i32
        %mul3A_143 = arith.muli %add3A_79, %mul3A_142 : i32
        %add3A_144 = arith.constant 7 : i32
        %add3A_145 = arith.addi %mul3A_143, %add3A_144 : i32
        %dma_start3A_146 = arith.constant 0 : i32
        %dma_start3A_147 = tpu.memref_slice %arg6[%add3A_145, %dma_start3A_146] : memref<160x128xi32, #tpu.memory_space<vmem>> -> memref<1x128xi32, #tpu.memory_space<vmem>>
        %dma_start3A_148 = tpu.memref_squeeze %dma_start3A_147 : memref<1x128xi32, #tpu.memory_space<vmem>> -> memref<128xi32, #tpu.memory_space<vmem>>
        %dma_start3A_149 = arith.constant 0 : i32
        %dma_start3A_150 = tpu.memref_slice %arg9[%dma_start3A_149] : memref<10240xf32, #tpu.memory_space<vmem_shared>> -> memref<10240xf32, #tpu.memory_space<vmem_shared>>
        tpu.enqueue_indirect_dma source(%arg8 : memref<128xf32, #tpu.memory_space<vmem>>) target(%dma_start3A_150 : memref<10240xf32, #tpu.memory_space<vmem_shared>>) offsets(%dma_start3A_148 : memref<128xi32, #tpu.memory_space<vmem>>) semaphore(%arg10 : memref<!tpu.dma_semaphore, #tpu.memory_space<semaphore_mem>>) {add = true}
        %dma_wait3A = arith.constant 0 : i32
        %dma_wait3A_151 = arith.constant 0 : i32
        %dma_wait3A_152 = tpu.memref_slice %arg6[%dma_wait3A, %dma_wait3A_151] : memref<160x128xi32, #tpu.memory_space<vmem>> -> memref<1x128xi32, #tpu.memory_space<vmem>>
        %dma_wait3A_153 = tpu.memref_squeeze %dma_wait3A_152 : memref<1x128xi32, #tpu.memory_space<vmem>> -> memref<128xi32, #tpu.memory_space<vmem>>
        %dma_wait3A_154 = arith.constant 0 : i32
        %dma_wait3A_155 = tpu.memref_slice %arg9[%dma_wait3A_154] : memref<10240xf32, #tpu.memory_space<vmem_shared>> -> memref<10240xf32, #tpu.memory_space<vmem_shared>>
        tpu.wait_indirect_dma semaphore(%arg10 : memref<!tpu.dma_semaphore, #tpu.memory_space<semaphore_mem>>) src(%arg8 : memref<128xf32, #tpu.memory_space<vmem>>) dst(%dma_wait3A_155 : memref<10240xf32, #tpu.memory_space<vmem_shared>>)
        %dma_wait3A_156 = arith.constant 0 : i32
        %dma_wait3A_157 = arith.constant 0 : i32
        %dma_wait3A_158 = tpu.memref_slice %arg6[%dma_wait3A_156, %dma_wait3A_157] : memref<160x128xi32, #tpu.memory_space<vmem>> -> memref<1x128xi32, #tpu.memory_space<vmem>>
        %dma_wait3A_159 = tpu.memref_squeeze %dma_wait3A_158 : memref<1x128xi32, #tpu.memory_space<vmem>> -> memref<128xi32, #tpu.memory_space<vmem>>
        %dma_wait3A_160 = arith.constant 0 : i32
        %dma_wait3A_161 = tpu.memref_slice %arg9[%dma_wait3A_160] : memref<10240xf32, #tpu.memory_space<vmem_shared>> -> memref<10240xf32, #tpu.memory_space<vmem_shared>>
        tpu.wait_indirect_dma semaphore(%arg10 : memref<!tpu.dma_semaphore, #tpu.memory_space<semaphore_mem>>) src(%arg8 : memref<128xf32, #tpu.memory_space<vmem>>) dst(%dma_wait3A_161 : memref<10240xf32, #tpu.memory_space<vmem_shared>>)
        %dma_wait3A_162 = arith.constant 0 : i32
        %dma_wait3A_163 = arith.constant 0 : i32
        %dma_wait3A_164 = tpu.memref_slice %arg6[%dma_wait3A_162, %dma_wait3A_163] : memref<160x128xi32, #tpu.memory_space<vmem>> -> memref<1x128xi32, #tpu.memory_space<vmem>>
        %dma_wait3A_165 = tpu.memref_squeeze %dma_wait3A_164 : memref<1x128xi32, #tpu.memory_space<vmem>> -> memref<128xi32, #tpu.memory_space<vmem>>
        %dma_wait3A_166 = arith.constant 0 : i32
        %dma_wait3A_167 = tpu.memref_slice %arg9[%dma_wait3A_166] : memref<10240xf32, #tpu.memory_space<vmem_shared>> -> memref<10240xf32, #tpu.memory_space<vmem_shared>>
        tpu.wait_indirect_dma semaphore(%arg10 : memref<!tpu.dma_semaphore, #tpu.memory_space<semaphore_mem>>) src(%arg8 : memref<128xf32, #tpu.memory_space<vmem>>) dst(%dma_wait3A_167 : memref<10240xf32, #tpu.memory_space<vmem_shared>>)
        %dma_wait3A_168 = arith.constant 0 : i32
        %dma_wait3A_169 = arith.constant 0 : i32
        %dma_wait3A_170 = tpu.memref_slice %arg6[%dma_wait3A_168, %dma_wait3A_169] : memref<160x128xi32, #tpu.memory_space<vmem>> -> memref<1x128xi32, #tpu.memory_space<vmem>>
        %dma_wait3A_171 = tpu.memref_squeeze %dma_wait3A_170 : memref<1x128xi32, #tpu.memory_space<vmem>> -> memref<128xi32, #tpu.memory_space<vmem>>
        %dma_wait3A_172 = arith.constant 0 : i32
        %dma_wait3A_173 = tpu.memref_slice %arg9[%dma_wait3A_172] : memref<10240xf32, #tpu.memory_space<vmem_shared>> -> memref<10240xf32, #tpu.memory_space<vmem_shared>>
        tpu.wait_indirect_dma semaphore(%arg10 : memref<!tpu.dma_semaphore, #tpu.memory_space<semaphore_mem>>) src(%arg8 : memref<128xf32, #tpu.memory_space<vmem>>) dst(%dma_wait3A_173 : memref<10240xf32, #tpu.memory_space<vmem_shared>>)
        %dma_wait3A_174 = arith.constant 0 : i32
        %dma_wait3A_175 = arith.constant 0 : i32
        %dma_wait3A_176 = tpu.memref_slice %arg6[%dma_wait3A_174, %dma_wait3A_175] : memref<160x128xi32, #tpu.memory_space<vmem>> -> memref<1x128xi32, #tpu.memory_space<vmem>>
        %dma_wait3A_177 = tpu.memref_squeeze %dma_wait3A_176 : memref<1x128xi32, #tpu.memory_space<vmem>> -> memref<128xi32, #tpu.memory_space<vmem>>
        %dma_wait3A_178 = arith.constant 0 : i32
        %dma_wait3A_179 = tpu.memref_slice %arg9[%dma_wait3A_178] : memref<10240xf32, #tpu.memory_space<vmem_shared>> -> memref<10240xf32, #tpu.memory_space<vmem_shared>>
        tpu.wait_indirect_dma semaphore(%arg10 : memref<!tpu.dma_semaphore, #tpu.memory_space<semaphore_mem>>) src(%arg8 : memref<128xf32, #tpu.memory_space<vmem>>) dst(%dma_wait3A_179 : memref<10240xf32, #tpu.memory_space<vmem_shared>>)
        %dma_wait3A_180 = arith.constant 0 : i32
        %dma_wait3A_181 = arith.constant 0 : i32
        %dma_wait3A_182 = tpu.memref_slice %arg6[%dma_wait3A_180, %dma_wait3A_181] : memref<160x128xi32, #tpu.memory_space<vmem>> -> memref<1x128xi32, #tpu.memory_space<vmem>>
        %dma_wait3A_183 = tpu.memref_squeeze %dma_wait3A_182 : memref<1x128xi32, #tpu.memory_space<vmem>> -> memref<128xi32, #tpu.memory_space<vmem>>
        %dma_wait3A_184 = arith.constant 0 : i32
        %dma_wait3A_185 = tpu.memref_slice %arg9[%dma_wait3A_184] : memref<10240xf32, #tpu.memory_space<vmem_shared>> -> memref<10240xf32, #tpu.memory_space<vmem_shared>>
        tpu.wait_indirect_dma semaphore(%arg10 : memref<!tpu.dma_semaphore, #tpu.memory_space<semaphore_mem>>) src(%arg8 : memref<128xf32, #tpu.memory_space<vmem>>) dst(%dma_wait3A_185 : memref<10240xf32, #tpu.memory_space<vmem_shared>>)
        %dma_wait3A_186 = arith.constant 0 : i32
        %dma_wait3A_187 = arith.constant 0 : i32
        %dma_wait3A_188 = tpu.memref_slice %arg6[%dma_wait3A_186, %dma_wait3A_187] : memref<160x128xi32, #tpu.memory_space<vmem>> -> memref<1x128xi32, #tpu.memory_space<vmem>>
        %dma_wait3A_189 = tpu.memref_squeeze %dma_wait3A_188 : memref<1x128xi32, #tpu.memory_space<vmem>> -> memref<128xi32, #tpu.memory_space<vmem>>
        %dma_wait3A_190 = arith.constant 0 : i32
        %dma_wait3A_191 = tpu.memref_slice %arg9[%dma_wait3A_190] : memref<10240xf32, #tpu.memory_space<vmem_shared>> -> memref<10240xf32, #tpu.memory_space<vmem_shared>>
        tpu.wait_indirect_dma semaphore(%arg10 : memref<!tpu.dma_semaphore, #tpu.memory_space<semaphore_mem>>) src(%arg8 : memref<128xf32, #tpu.memory_space<vmem>>) dst(%dma_wait3A_191 : memref<10240xf32, #tpu.memory_space<vmem_shared>>)
        %dma_wait3A_192 = arith.constant 0 : i32
        %dma_wait3A_193 = arith.constant 0 : i32
        %dma_wait3A_194 = tpu.memref_slice %arg6[%dma_wait3A_192, %dma_wait3A_193] : memref<160x128xi32, #tpu.memory_space<vmem>> -> memref<1x128xi32, #tpu.memory_space<vmem>>
        %dma_wait3A_195 = tpu.memref_squeeze %dma_wait3A_194 : memref<1x128xi32, #tpu.memory_space<vmem>> -> memref<128xi32, #tpu.memory_space<vmem>>
        %dma_wait3A_196 = arith.constant 0 : i32
        %dma_wait3A_197 = tpu.memref_slice %arg9[%dma_wait3A_196] : memref<10240xf32, #tpu.memory_space<vmem_shared>> -> memref<10240xf32, #tpu.memory_space<vmem_shared>>
        tpu.wait_indirect_dma semaphore(%arg10 : memref<!tpu.dma_semaphore, #tpu.memory_space<semaphore_mem>>) src(%arg8 : memref<128xf32, #tpu.memory_space<vmem>>) dst(%dma_wait3A_197 : memref<10240xf32, #tpu.memory_space<vmem_shared>>)
      }
      %scan3A_75 = arith.constant 20 : i32
    } else {
    }
    %barrier3A_58 = arith.constant 0 : index
    tpu.barrier barrier_id(%barrier3A_58)
    %eq3A_59 = arith.constant 0 : i32
    %eq3A_60 = arith.cmpi eq, %arg0, %eq3A_59 : i32
    %convert_element_type3A_61 = arith.extui %eq3A_60 : i1 to i32
    %cond3A_62 = arith.constant 0 : i32
    %cond3A_63 = arith.cmpi ne, %convert_element_type3A_61, %cond3A_62 : i32
    scf.if %cond3A_63 {
      %mul3A_69 = arith.constant 640 : i32
      %mul3A_70 = arith.muli %arg1, %mul3A_69 : i32
      "tpu.region"() ({
        %run_scoped3A = tpu.sem_alloc : memref<!tpu.dma_semaphore, #tpu.memory_space<semaphore_mem>>
        %dma_start3A = tpu.memref_slice %arg9[%mul3A_70] : memref<10240xf32, #tpu.memory_space<vmem_shared>> -> memref<640xf32, #tpu.memory_space<vmem_shared>>
        %dma_start3A_71 = tpu.memref_slice %arg9[%mul3A_70] : memref<10240xf32, #tpu.memory_space<vmem_shared>> -> memref<640xf32, #tpu.memory_space<vmem_shared>>
        tpu.enqueue_dma source(%dma_start3A_71 : memref<640xf32, #tpu.memory_space<vmem_shared>>) target(%arg7 : memref<640xf32, #tpu.memory_space<vmem>>) target_semaphore(%run_scoped3A : memref<!tpu.dma_semaphore, #tpu.memory_space<semaphore_mem>>)
        %dma_wait3A = tpu.memref_slice %arg9[%mul3A_70] : memref<10240xf32, #tpu.memory_space<vmem_shared>> -> memref<640xf32, #tpu.memory_space<vmem_shared>>
        %dma_wait3A_72 = tpu.memref_slice %arg9[%mul3A_70] : memref<10240xf32, #tpu.memory_space<vmem_shared>> -> memref<640xf32, #tpu.memory_space<vmem_shared>>
        tpu.wait_dma2 semaphore(%run_scoped3A : memref<!tpu.dma_semaphore, #tpu.memory_space<semaphore_mem>>) src(%dma_wait3A_72 : memref<640xf32, #tpu.memory_space<vmem_shared>>) dst(%arg7 : memref<640xf32, #tpu.memory_space<vmem>>)
        tpu.yield
      }) : () -> ()
      "tpu.region"() ({
        %run_scoped3A = tpu.sem_alloc : memref<!tpu.dma_semaphore, #tpu.memory_space<semaphore_mem>>
        %dma_start3A = tpu.memref_slice %arg4[%mul3A_70] : memref<10240xf32, #tpu.memory_space<hbm>> -> memref<640xf32, #tpu.memory_space<hbm>>
        %dma_start3A_71 = tpu.memref_slice %arg4[%mul3A_70] : memref<10240xf32, #tpu.memory_space<hbm>> -> memref<640xf32, #tpu.memory_space<hbm>>
        tpu.enqueue_dma source(%arg7 : memref<640xf32, #tpu.memory_space<vmem>>) target(%dma_start3A_71 : memref<640xf32, #tpu.memory_space<hbm>>) target_semaphore(%run_scoped3A : memref<!tpu.dma_semaphore, #tpu.memory_space<semaphore_mem>>)
        %dma_wait3A = tpu.memref_slice %arg4[%mul3A_70] : memref<10240xf32, #tpu.memory_space<hbm>> -> memref<640xf32, #tpu.memory_space<hbm>>
        %dma_wait3A_72 = tpu.memref_slice %arg4[%mul3A_70] : memref<10240xf32, #tpu.memory_space<hbm>> -> memref<640xf32, #tpu.memory_space<hbm>>
        tpu.wait_dma2 semaphore(%run_scoped3A : memref<!tpu.dma_semaphore, #tpu.memory_space<semaphore_mem>>) src(%arg7 : memref<640xf32, #tpu.memory_space<vmem>>) dst(%dma_wait3A_72 : memref<640xf32, #tpu.memory_space<hbm>>)
        tpu.yield
      }) : () -> ()
    } else {
    }
    %eq3A_64 = arith.constant 1 : i32
    %eq3A_65 = arith.cmpi eq, %arg0, %eq3A_64 : i32
    %convert_element_type3A_66 = arith.extui %eq3A_65 : i1 to i32
    %cond3A_67 = arith.constant 0 : i32
    %cond3A_68 = arith.cmpi ne, %convert_element_type3A_66, %cond3A_67 : i32
    scf.if %cond3A_68 {
      %mul3A_69 = arith.constant 640 : i32
      %mul3A_70 = arith.muli %arg1, %mul3A_69 : i32
      "tpu.region"() ({
        %run_scoped3A = tpu.sem_alloc : memref<!tpu.dma_semaphore, #tpu.memory_space<semaphore_mem>>
        %dma_start3A = tpu.memref_slice %arg9[%mul3A_70] : memref<10240xf32, #tpu.memory_space<vmem_shared>> -> memref<640xf32, #tpu.memory_space<vmem_shared>>
        %dma_start3A_71 = tpu.memref_slice %arg9[%mul3A_70] : memref<10240xf32, #tpu.memory_space<vmem_shared>> -> memref<640xf32, #tpu.memory_space<vmem_shared>>
        tpu.enqueue_dma source(%dma_start3A_71 : memref<640xf32, #tpu.memory_space<vmem_shared>>) target(%arg7 : memref<640xf32, #tpu.memory_space<vmem>>) target_semaphore(%run_scoped3A : memref<!tpu.dma_semaphore, #tpu.memory_space<semaphore_mem>>)
        %dma_wait3A = tpu.memref_slice %arg9[%mul3A_70] : memref<10240xf32, #tpu.memory_space<vmem_shared>> -> memref<640xf32, #tpu.memory_space<vmem_shared>>
        %dma_wait3A_72 = tpu.memref_slice %arg9[%mul3A_70] : memref<10240xf32, #tpu.memory_space<vmem_shared>> -> memref<640xf32, #tpu.memory_space<vmem_shared>>
        tpu.wait_dma2 semaphore(%run_scoped3A : memref<!tpu.dma_semaphore, #tpu.memory_space<semaphore_mem>>) src(%dma_wait3A_72 : memref<640xf32, #tpu.memory_space<vmem_shared>>) dst(%arg7 : memref<640xf32, #tpu.memory_space<vmem>>)
        tpu.yield
      }) : () -> ()
      "tpu.region"() ({
        %run_scoped3A = tpu.sem_alloc : memref<!tpu.dma_semaphore, #tpu.memory_space<semaphore_mem>>
        %dma_start3A = tpu.memref_slice %arg5[%mul3A_70] : memref<10240xf32, #tpu.memory_space<hbm>> -> memref<640xf32, #tpu.memory_space<hbm>>
        %dma_start3A_71 = tpu.memref_slice %arg5[%mul3A_70] : memref<10240xf32, #tpu.memory_space<hbm>> -> memref<640xf32, #tpu.memory_space<hbm>>
        tpu.enqueue_dma source(%arg7 : memref<640xf32, #tpu.memory_space<vmem>>) target(%dma_start3A_71 : memref<640xf32, #tpu.memory_space<hbm>>) target_semaphore(%run_scoped3A : memref<!tpu.dma_semaphore, #tpu.memory_space<semaphore_mem>>)
        %dma_wait3A = tpu.memref_slice %arg5[%mul3A_70] : memref<10240xf32, #tpu.memory_space<hbm>> -> memref<640xf32, #tpu.memory_space<hbm>>
        %dma_wait3A_72 = tpu.memref_slice %arg5[%mul3A_70] : memref<10240xf32, #tpu.memory_space<hbm>> -> memref<640xf32, #tpu.memory_space<hbm>>
        tpu.wait_dma2 semaphore(%run_scoped3A : memref<!tpu.dma_semaphore, #tpu.memory_space<semaphore_mem>>) src(%arg7 : memref<640xf32, #tpu.memory_space<vmem>>) dst(%dma_wait3A_72 : memref<640xf32, #tpu.memory_space<hbm>>)
        tpu.yield
      }) : () -> ()
    } else {
    }
    return
  }
}

module attributes {stable_mosaic.version = 14 : i64} {
  func.func @_mm_body(%arg0: i32, %arg1: memref<1024x128xf32, #tpu.memory_space<vmem>>, %arg2: memref<128x128xf32, #tpu.memory_space<vmem>>, %arg3: memref<128x128xf32, #tpu.memory_space<vmem>>, %arg4: memref<1024x128xf32, #tpu.memory_space<vmem>>, %arg5: memref<1024x128xf32, #tpu.memory_space<vmem>>) attributes {dimension_semantics = [#tpu.dimension_semantics<arbitrary>], iteration_bounds = array<i64: 10>, scalar_prefetch = 0 : i64, scratch_operands = 0 : i64, tpu.core_type = #tpu.core_type<tc>, window_params = [{transform_indices = @transform_0, window_bounds = array<i64: 1024, 128>}, {pipeline_mode = #tpu.pipeline_mode<synchronous>, transform_indices = @transform_1, window_bounds = array<i64: 128, 128>}, {pipeline_mode = #tpu.pipeline_mode<synchronous>, transform_indices = @transform_2, window_bounds = array<i64: 128, 128>}, {transform_indices = @transform_3, window_bounds = array<i64: 1024, 128>}, {transform_indices = @transform_4, window_bounds = array<i64: 1024, 128>}]} {
    %get3A = arith.constant 0 : index
    %get3A_0 = arith.constant 0 : index
    %get3A_1 = vector.load %arg1[%get3A, %get3A_0] : memref<1024x128xf32, #tpu.memory_space<vmem>>, vector<1024x128xf32>
    %get3A_2 = arith.constant 0 : index
    %get3A_3 = arith.constant 0 : index
    %get3A_4 = vector.load %arg2[%get3A_2, %get3A_3] : memref<128x128xf32, #tpu.memory_space<vmem>>, vector<128x128xf32>
    %dot_general3A = arith.constant dense<0.000000e+00> : vector<1024x128xf32>
    %dot_general3A_5 = tpu.matmul %get3A_1, %get3A_4, %dot_general3A {dimension_numbers = #tpu.dot_dimension_numbers<[1], [1], [0], [0], [0, 0, 1, 0], [], []>, transpose_lhs_hint = false} : vector<1024x128xf32>, vector<128x128xf32>, vector<1024x128xf32> -> vector<1024x128xf32>
    %mul3A = arith.constant 5.000000e-01 : f32
    %mul3A_6 = vector.broadcast %mul3A : f32 to vector<1024x128xf32>
    %mul3A_7 = arith.mulf %mul3A_6, %dot_general3A_5 : vector<1024x128xf32>
    %swap3A = arith.constant 0 : index
    %swap3A_8 = arith.constant 0 : index
    %swap3A_9 = vector.load %arg4[%swap3A, %swap3A_8] : memref<1024x128xf32, #tpu.memory_space<vmem>>, vector<1024x128xf32>
    tpu.vector_store %arg4[%swap3A, %swap3A_8], %mul3A_7 {strides = array<i32>} : memref<1024x128xf32, #tpu.memory_space<vmem>>, vector<1024x128xf32>,
    %get3A_10 = arith.constant 0 : index
    %get3A_11 = arith.constant 0 : index
    %get3A_12 = vector.load %arg3[%get3A_10, %get3A_11] : memref<128x128xf32, #tpu.memory_space<vmem>>, vector<128x128xf32>
    %dot_general3A_13 = arith.constant dense<0.000000e+00> : vector<1024x128xf32>
    %dot_general3A_14 = tpu.matmul %get3A_1, %get3A_12, %dot_general3A_13 {dimension_numbers = #tpu.dot_dimension_numbers<[1], [1], [0], [0], [0, 0, 1, 0], [], []>, transpose_lhs_hint = false} : vector<1024x128xf32>, vector<128x128xf32>, vector<1024x128xf32> -> vector<1024x128xf32>
    %mul3A_15 = arith.constant 5.000000e-01 : f32
    %mul3A_16 = vector.broadcast %mul3A_15 : f32 to vector<1024x128xf32>
    %mul3A_17 = arith.mulf %mul3A_16, %dot_general3A_14 : vector<1024x128xf32>
    %swap3A_18 = arith.constant 0 : index
    %swap3A_19 = arith.constant 0 : index
    %swap3A_20 = vector.load %arg5[%swap3A_18, %swap3A_19] : memref<1024x128xf32, #tpu.memory_space<vmem>>, vector<1024x128xf32>
    tpu.vector_store %arg5[%swap3A_18, %swap3A_19], %mul3A_17 {strides = array<i32>} : memref<1024x128xf32, #tpu.memory_space<vmem>>, vector<1024x128xf32>,
    return
  }
  func.func @transform_0(%arg0: i32) -> (i32, i32) {
    %c0_i32 = arith.constant 0 : i32
    %c0_i32_0 = arith.constant 0 : i32
    return %arg0, %c0_i32 : i32, i32
  }
  func.func @transform_1(%arg0: i32) -> (i32, i32) {
    %c0_i32 = arith.constant 0 : i32
    %c0_i32_0 = arith.constant 0 : i32
    %c0_i32_1 = arith.constant 0 : i32
    return %c0_i32, %c0_i32_0 : i32, i32
  }
  func.func @transform_2(%arg0: i32) -> (i32, i32) {
    %c0_i32 = arith.constant 0 : i32
    %c0_i32_0 = arith.constant 0 : i32
    %c0_i32_1 = arith.constant 0 : i32
    return %c0_i32, %c0_i32_0 : i32, i32
  }
  func.func @transform_3(%arg0: i32) -> (i32, i32) {
    %c0_i32 = arith.constant 0 : i32
    %c0_i32_0 = arith.constant 0 : i32
    return %arg0, %c0_i32 : i32, i32
  }
  func.func @transform_4(%arg0: i32) -> (i32, i32) {
    %c0_i32 = arith.constant 0 : i32
    %c0_i32_0 = arith.constant 0 : i32
    return %arg0, %c0_i32 : i32, i32
  }
}

module attributes {stable_mosaic.version = 14 : i64} {
  func.func @_scale_body(%arg0: i32, %arg1: memref<1024x128xf32, #tpu.memory_space<vmem>>, %arg2: memref<1024x128xf32, #tpu.memory_space<vmem>>, %arg3: memref<1024x1xf32, #tpu.memory_space<vmem>>, %arg4: memref<1024x1xf32, #tpu.memory_space<vmem>>, %arg5: memref<1024x128xf32, #tpu.memory_space<vmem>>, %arg6: memref<1024x128xf32, #tpu.memory_space<vmem>>, %arg7: memref<1024x1xf32, #tpu.memory_space<vmem>>, %arg8: memref<1024x1xf32, #tpu.memory_space<vmem>>) attributes {dimension_semantics = [#tpu.dimension_semantics<arbitrary>], iteration_bounds = array<i64: 10>, scalar_prefetch = 0 : i64, scratch_operands = 0 : i64, tpu.core_type = #tpu.core_type<tc>, window_params = [{transform_indices = @transform_0, window_bounds = array<i64: 1024, 128>}, {transform_indices = @transform_1, window_bounds = array<i64: 1024, 128>}, {transform_indices = @transform_2, window_bounds = array<i64: 1024, 1>}, {transform_indices = @transform_3, window_bounds = array<i64: 1024, 1>}, {transform_indices = @transform_4, window_bounds = array<i64: 1024, 128>}, {transform_indices = @transform_5, window_bounds = array<i64: 1024, 128>}, {transform_indices = @transform_6, window_bounds = array<i64: 1024, 1>}, {transform_indices = @transform_7, window_bounds = array<i64: 1024, 1>}]} {
    %get3A = arith.constant 0 : index
    %get3A_0 = arith.constant 0 : index
    %get3A_1 = vector.load %arg3[%get3A, %get3A_0] : memref<1024x1xf32, #tpu.memory_space<vmem>>, vector<1024x1xf32>
    %get3A_2 = arith.constant 0 : index
    %get3A_3 = arith.constant 0 : index
    %get3A_4 = vector.load %arg4[%get3A_2, %get3A_3] : memref<1024x1xf32, #tpu.memory_space<vmem>>, vector<1024x1xf32>
    %gt3A = arith.constant 0.000000e+00 : f32
    %gt3A_5 = vector.broadcast %gt3A : f32 to vector<1024x1xf32>
    %gt3A_6 = arith.cmpf ogt, %get3A_1, %gt3A_5 : vector<1024x1xf32>
    %rsqrt3A = math.rsqrt %get3A_1 : vector<1024x1xf32>
    %jit3A = arith.constant 0.000000e+00 : f32
    %broadcast_in_dim3A = vector.broadcast %jit3A : f32 to vector<1024x1xf32>
    %select_n3A = arith.select %gt3A_6, %rsqrt3A, %broadcast_in_dim3A : vector<1024x1xi1>, vector<1024x1xf32>
    %gt3A_7 = arith.constant 0.000000e+00 : f32
    %gt3A_8 = vector.broadcast %gt3A_7 : f32 to vector<1024x1xf32>
    %gt3A_9 = arith.cmpf ogt, %get3A_4, %gt3A_8 : vector<1024x1xf32>
    %rsqrt3A_10 = math.rsqrt %get3A_4 : vector<1024x1xf32>
    %jit3A_11 = arith.constant 0.000000e+00 : f32
    %broadcast_in_dim3A_12 = vector.broadcast %jit3A_11 : f32 to vector<1024x1xf32>
    %select_n3A_13 = arith.select %gt3A_9, %rsqrt3A_10, %broadcast_in_dim3A_12 : vector<1024x1xi1>, vector<1024x1xf32>
    %swap3A = arith.constant 0 : index
    %swap3A_14 = arith.constant 0 : index
    %swap3A_15 = vector.load %arg7[%swap3A, %swap3A_14] : memref<1024x1xf32, #tpu.memory_space<vmem>>, vector<1024x1xf32>
    tpu.vector_store %arg7[%swap3A, %swap3A_14], %select_n3A {strides = array<i32>} : memref<1024x1xf32, #tpu.memory_space<vmem>>, vector<1024x1xf32>,
    %swap3A_16 = arith.constant 0 : index
    %swap3A_17 = arith.constant 0 : index
    %swap3A_18 = vector.load %arg8[%swap3A_16, %swap3A_17] : memref<1024x1xf32, #tpu.memory_space<vmem>>, vector<1024x1xf32>
    tpu.vector_store %arg8[%swap3A_16, %swap3A_17], %select_n3A_13 {strides = array<i32>} : memref<1024x1xf32, #tpu.memory_space<vmem>>, vector<1024x1xf32>,
    %get3A_19 = arith.constant 0 : index
    %get3A_20 = arith.constant 0 : index
    %get3A_21 = vector.load %arg1[%get3A_19, %get3A_20] : memref<1024x128xf32, #tpu.memory_space<vmem>>, vector<1024x128xf32>
    %mul3A = vector.broadcast %select_n3A : vector<1024x1xf32> to vector<1024x128xf32>
    %mul3A_22 = arith.mulf %mul3A, %get3A_21 : vector<1024x128xf32>
    %swap3A_23 = arith.constant 0 : index
    %swap3A_24 = arith.constant 0 : index
    %swap3A_25 = vector.load %arg5[%swap3A_23, %swap3A_24] : memref<1024x128xf32, #tpu.memory_space<vmem>>, vector<1024x128xf32>
    tpu.vector_store %arg5[%swap3A_23, %swap3A_24], %mul3A_22 {strides = array<i32>} : memref<1024x128xf32, #tpu.memory_space<vmem>>, vector<1024x128xf32>,
    %get3A_26 = arith.constant 0 : index
    %get3A_27 = arith.constant 0 : index
    %get3A_28 = vector.load %arg2[%get3A_26, %get3A_27] : memref<1024x128xf32, #tpu.memory_space<vmem>>, vector<1024x128xf32>
    %mul3A_29 = vector.broadcast %select_n3A_13 : vector<1024x1xf32> to vector<1024x128xf32>
    %mul3A_30 = arith.mulf %mul3A_29, %get3A_28 : vector<1024x128xf32>
    %swap3A_31 = arith.constant 0 : index
    %swap3A_32 = arith.constant 0 : index
    %swap3A_33 = vector.load %arg6[%swap3A_31, %swap3A_32] : memref<1024x128xf32, #tpu.memory_space<vmem>>, vector<1024x128xf32>
    tpu.vector_store %arg6[%swap3A_31, %swap3A_32], %mul3A_30 {strides = array<i32>} : memref<1024x128xf32, #tpu.memory_space<vmem>>, vector<1024x128xf32>,
    return
  }
  func.func @transform_0(%arg0: i32) -> (i32, i32) {
    %c0_i32 = arith.constant 0 : i32
    %c0_i32_0 = arith.constant 0 : i32
    return %arg0, %c0_i32 : i32, i32
  }
  func.func @transform_1(%arg0: i32) -> (i32, i32) {
    %c0_i32 = arith.constant 0 : i32
    %c0_i32_0 = arith.constant 0 : i32
    return %arg0, %c0_i32 : i32, i32
  }
  func.func @transform_2(%arg0: i32) -> (i32, i32) {
    %c0_i32 = arith.constant 0 : i32
    %c0_i32_0 = arith.constant 0 : i32
    return %arg0, %c0_i32 : i32, i32
  }
  func.func @transform_3(%arg0: i32) -> (i32, i32) {
    %c0_i32 = arith.constant 0 : i32
    %c0_i32_0 = arith.constant 0 : i32
    return %arg0, %c0_i32 : i32, i32
  }
  func.func @transform_4(%arg0: i32) -> (i32, i32) {
    %c0_i32 = arith.constant 0 : i32
    %c0_i32_0 = arith.constant 0 : i32
    return %arg0, %c0_i32 : i32, i32
  }
  func.func @transform_5(%arg0: i32) -> (i32, i32) {
    %c0_i32 = arith.constant 0 : i32
    %c0_i32_0 = arith.constant 0 : i32
    return %arg0, %c0_i32 : i32, i32
  }
  func.func @transform_6(%arg0: i32) -> (i32, i32) {
    %c0_i32 = arith.constant 0 : i32
    %c0_i32_0 = arith.constant 0 : i32
    return %arg0, %c0_i32 : i32, i32
  }
  func.func @transform_7(%arg0: i32) -> (i32, i32) {
    %c0_i32 = arith.constant 0 : i32
    %c0_i32_0 = arith.constant 0 : i32
    return %arg0, %c0_i32 : i32, i32
  }
}

module attributes {stable_mosaic.version = 14 : i64} {
  func.func @_final_body(%arg0: i32, %arg1: memref<1024x128xf32, #tpu.memory_space<vmem>>, %arg2: memref<1024x128xf32, #tpu.memory_space<vmem>>, %arg3: memref<1024x1xf32, #tpu.memory_space<vmem>>, %arg4: memref<1024x1xf32, #tpu.memory_space<vmem>>, %arg5: memref<1x128xf32, #tpu.memory_space<vmem>>, %arg6: memref<1x128xf32, #tpu.memory_space<vmem>>, %arg7: memref<1024x128xf32, #tpu.memory_space<vmem>>) attributes {dimension_semantics = [#tpu.dimension_semantics<arbitrary>], iteration_bounds = array<i64: 10>, scalar_prefetch = 0 : i64, scratch_operands = 0 : i64, tpu.core_type = #tpu.core_type<tc>, window_params = [{transform_indices = @transform_0, window_bounds = array<i64: 1024, 128>}, {transform_indices = @transform_1, window_bounds = array<i64: 1024, 128>}, {transform_indices = @transform_2, window_bounds = array<i64: 1024, 1>}, {transform_indices = @transform_3, window_bounds = array<i64: 1024, 1>}, {pipeline_mode = #tpu.pipeline_mode<synchronous>, transform_indices = @transform_4, window_bounds = array<i64: 1, 128>}, {pipeline_mode = #tpu.pipeline_mode<synchronous>, transform_indices = @transform_5, window_bounds = array<i64: 1, 128>}, {transform_indices = @transform_6, window_bounds = array<i64: 1024, 128>}]} {
    %get3A = arith.constant 0 : index
    %get3A_0 = arith.constant 0 : index
    %get3A_1 = vector.load %arg5[%get3A, %get3A_0] : memref<1x128xf32, #tpu.memory_space<vmem>>, vector<1x128xf32>
    %mul3A = arith.constant 5.000000e-01 : f32
    %mul3A_2 = vector.broadcast %mul3A : f32 to vector<1x128xf32>
    %mul3A_3 = arith.mulf %mul3A_2, %get3A_1 : vector<1x128xf32>
    %get3A_4 = arith.constant 0 : index
    %get3A_5 = arith.constant 0 : index
    %get3A_6 = vector.load %arg6[%get3A_4, %get3A_5] : memref<1x128xf32, #tpu.memory_space<vmem>>, vector<1x128xf32>
    %mul3A_7 = arith.constant 5.000000e-01 : f32
    %mul3A_8 = vector.broadcast %mul3A_7 : f32 to vector<1x128xf32>
    %mul3A_9 = arith.mulf %mul3A_8, %get3A_6 : vector<1x128xf32>
    %add3A = arith.addf %mul3A_3, %mul3A_9 : vector<1x128xf32>
    %get3A_10 = arith.constant 0 : index
    %get3A_11 = arith.constant 0 : index
    %get3A_12 = vector.load %arg3[%get3A_10, %get3A_11] : memref<1024x1xf32, #tpu.memory_space<vmem>>, vector<1024x1xf32>
    %get3A_13 = arith.constant 0 : index
    %get3A_14 = arith.constant 0 : index
    %get3A_15 = vector.load %arg1[%get3A_13, %get3A_14] : memref<1024x128xf32, #tpu.memory_space<vmem>>, vector<1024x128xf32>
    %mul3A_16 = vector.broadcast %get3A_12 : vector<1024x1xf32> to vector<1024x128xf32>
    %mul3A_17 = arith.mulf %mul3A_16, %get3A_15 : vector<1024x128xf32>
    %get3A_18 = arith.constant 0 : index
    %get3A_19 = arith.constant 0 : index
    %get3A_20 = vector.load %arg4[%get3A_18, %get3A_19] : memref<1024x1xf32, #tpu.memory_space<vmem>>, vector<1024x1xf32>
    %get3A_21 = arith.constant 0 : index
    %get3A_22 = arith.constant 0 : index
    %get3A_23 = vector.load %arg2[%get3A_21, %get3A_22] : memref<1024x128xf32, #tpu.memory_space<vmem>>, vector<1024x128xf32>
    %mul3A_24 = vector.broadcast %get3A_20 : vector<1024x1xf32> to vector<1024x128xf32>
    %mul3A_25 = arith.mulf %mul3A_24, %get3A_23 : vector<1024x128xf32>
    %add3A_26 = arith.addf %mul3A_17, %mul3A_25 : vector<1024x128xf32>
    %add3A_27 = vector.broadcast %add3A : vector<1x128xf32> to vector<1024x128xf32>
    %add3A_28 = arith.addf %add3A_26, %add3A_27 : vector<1024x128xf32>
    %swap3A = arith.constant 0 : index
    %swap3A_29 = arith.constant 0 : index
    %swap3A_30 = vector.load %arg7[%swap3A, %swap3A_29] : memref<1024x128xf32, #tpu.memory_space<vmem>>, vector<1024x128xf32>
    tpu.vector_store %arg7[%swap3A, %swap3A_29], %add3A_28 {strides = array<i32>} : memref<1024x128xf32, #tpu.memory_space<vmem>>, vector<1024x128xf32>,
    return
  }
  func.func @transform_0(%arg0: i32) -> (i32, i32) {
    %c0_i32 = arith.constant 0 : i32
    %c0_i32_0 = arith.constant 0 : i32
    return %arg0, %c0_i32 : i32, i32
  }
  func.func @transform_1(%arg0: i32) -> (i32, i32) {
    %c0_i32 = arith.constant 0 : i32
    %c0_i32_0 = arith.constant 0 : i32
    return %arg0, %c0_i32 : i32, i32
  }
  func.func @transform_2(%arg0: i32) -> (i32, i32) {
    %c0_i32 = arith.constant 0 : i32
    %c0_i32_0 = arith.constant 0 : i32
    return %arg0, %c0_i32 : i32, i32
  }
  func.func @transform_3(%arg0: i32) -> (i32, i32) {
    %c0_i32 = arith.constant 0 : i32
    %c0_i32_0 = arith.constant 0 : i32
    return %arg0, %c0_i32 : i32, i32
  }
  func.func @transform_4(%arg0: i32) -> (i32, i32) {
    %c0_i32 = arith.constant 0 : i32
    %c0_i32_0 = arith.constant 0 : i32
    %c0_i32_1 = arith.constant 0 : i32
    return %c0_i32, %c0_i32_0 : i32, i32
  }
  func.func @transform_5(%arg0: i32) -> (i32, i32) {
    %c0_i32 = arith.constant 0 : i32
    %c0_i32_0 = arith.constant 0 : i32
    %c0_i32_1 = arith.constant 0 : i32
    return %c0_i32, %c0_i32_0 : i32, i32
  }
  func.func @transform_6(%arg0: i32) -> (i32, i32) {
    %c0_i32 = arith.constant 0 : i32
    %c0_i32_0 = arith.constant 0 : i32
    return %arg0, %c0_i32 : i32, i32
  }
}

</mosaic_0001>

<sc_bundles>
// kernel: kernel.10.cloned.1.call-start
scs
__scs_entry_jumppad:
0x0: {  	(pc) =	sbr.rel $0x88, $3  }
0x1: {  	(tag) =	ssettag $0x0;
	lr =	simm.s32 $0x1  }
0x2: {  	[smem:$0x3F9B] =	sst lr;
	_ =	strace $0xD0000000  }
0x3: {  	_ = 	snop  }
0x4: {  	_ = 	snop  }
0x5: {  	_ = 	snop  }
0x6: {  	_ = 	snop  }
0x7: {  	_ = 	snop  }
__scs_overlays_trampoline_lowered:
0x8: {  	[smem:$0x3FAA] =	sst s0  }
0x9: {  	[smem:$0x3FAB] =	sst s1  }
0xa: {  	[smem:$0x3FAC] =	sst s2  }
0xb: {  	[smem:$0x3FAD] =	sst s3  }
0xc: {  	[smem:$0x3FAE] =	sst s4  }
0xd: {  	[smem:$0x3FAF] =	sst s5  }
0xe: {  	[smem:$0x3FB0] =	sst s6  }
0xf: {  	[smem:$0x3FB1] =	sst s7  }
0x10: {  	[smem:$0x3FB2] =	sst s8  }
0x11: {  	[smem:$0x3FB3] =	sst s9;
	s0 =	simm.s32 @!p0 $0x0  }
0x12: {  	s1 =	sld [smem:$0x3F99];
	s0 =	simm.s32 @p0 $0x1  }
0x13: {  	[smem:$0x3FB4] =	sst s0;
	s0 =	simm.s32 @!p1 $0x0  }
0x14: {  	s2 =	sld [smem:$0x3F98];
	s0 =	simm.s32 @p1 $0x1  }
0x15: {  	[smem:$0x3FB5] =	sst s0;
	s0 =	simm.s32 @!p2 $0x0  }
0x16: {  	s3 =	sld [smem:$0x3FDB];
	s0 =	simm.s32 @p2 $0x1  }
0x17: {  	s4 =	simm.s32 $0x1BF5;
	[smem:$0x3FB7] =	sst s0  }
0x18: {  	s0 =	sld [smem:$0x3F9A];
	_ =	swait.ge [sflag:s4], $0x0  }
0x19: {  	s7 =	sld [smem:$0x3F9B]  }
0x1a: {  	s8 =	sadd.s32 $0xFFFFE003, lr  }
0x1b: {  	s9 =	sadd.s32 $0xFFFFFEF7, lr;
	s5 =	simm.s32 $0xFFFFFFFF;
	p2 =	slt.u32 s8, $0xFFFFF086  }
0x1c: {  	p1 =	slt.u32 s9, $0xF7A;
	s5 =	simm.s32 @!p2 $0x0  }
0x1d: {  	s5 =	simm.s32 @p1 $0x1;
	p0 =	seq.s32 s7, s2  }
0x1e: {  	s7 =	smul.u32 @!p0 $0xF7A, s2;
	p2 =	seq.s32 @!p0 s5, $0x0  }
0x1f: {  	s9 =	smul.u32 $0xF7A, s1;
	s8 =	simm.s32 @!p0 $0x1BF5;
	p2 =	por !p2, p0  }
0x20: {  	[sflag:s8] =	ssyncset.s32 @!p0 $0xFFFFF086;
	s6 =	sadd.s32 @!p0 s3, s7;
	s7 =	simm.s32 @!p0 $0x108  }
0x21: {  	s3 =	sadd.s32 s3, s9;
	s6 =	sadd.s32 @!p0 $0x88, s6;
	s7 =	simm.s32 @p2 $0x1082  }
0x22: {  	[simem:s7], [sflag:s8] =	dma.local @!p0 [hbm:s6], $0xF7A  }
0x23: {  	s9 =	sor.u32 $0xD0000000, s2;
	s6 =	simm.s32 $0x108;
	_ =	swait.ge @!p0 [sflag:s8], $0x0  }
0x24: {  	s3 =	sadd.s32 $0x88, s3;
	s6 =	simm.s32 @!p1 $0x1082;
	[sflag:s4] =	ssyncset.s32 $0xFFFFF086  }
0x25: {  	[simem:s6], [sflag:s4] =	dma.local [hbm:s3], $0xF7A  }
0x26: {  	[smem:$0x3F9B] =	sst s1;
	(tag) =	ssettag s2;
	_ =	strace s9  }
0x27: {  	s1 =	sld [smem:$0x3FAB]  }
0x28: {  	s2 =	sld [smem:$0x3FAC]  }
0x29: {  	s4 =	sld [smem:$0x3FAE]  }
0x2a: {  	p0 =	seq.s32 s5, $0x0;
	s5 =	sld [smem:$0x3FAF]  }
0x2b: {  	s6 =	sld [smem:$0x3FB0]  }
0x2c: {  	s7 =	sld [smem:$0x3FB1]  }
0x2d: {  	s3 =	simm.s32 $0x108;
	s8 =	sld [smem:$0x3FB2]  }
0x2e: {  	s3 =	simm.s32 @!p0 $0x1082;
	s9 =	sld [smem:$0x3FB3]  }
0x2f: {  	lr =	sadd.s32 s0, s3;
	s0 =	sld [smem:$0x3FAA]  }
0x30: {  	s3 =	sld [smem:$0x3FAD]  }
0x31: {  	[smem:$0x3FB6] =	sst s10  }
0x32: {  	s10 =	sld [smem:$0x3FB4];
	_ =	sdelay $0x3  }
0x33: {  	p0 =	seq.s32 s10, $0x1;
	s10 =	sld [smem:$0x3FB6];
	_ =	sdelay $0x3  }
0x34: {  	[smem:$0x3FB6] =	sst s10  }
0x35: {  	s10 =	sld [smem:$0x3FB5];
	_ =	sdelay $0x3  }
0x36: {  	p1 =	seq.s32 s10, $0x1;
	s10 =	sld [smem:$0x3FB6];
	_ =	sdelay $0x3  }
0x37: {  	[smem:$0x3FB6] =	sst s10  }
0x38: {  	s10 =	sld [smem:$0x3FB7]  }
0x39: {  	_ = 	snop;
	(pc) =	sbr.ind lr, $3  }
0x3a: {  	_ = 	snop  }
0x3b: {  	_ = 	snop  }
0x3c: {  	p2 =	seq.s32 s10, $0x1;
	s10 =	sld [smem:$0x3FB6]  }
0x3d: {  	_ =	shalt  }
0x3e: {  	_ =	shalt  }
0x3f: {  	_ =	shalt  }
0x40: {  	_ =	shalt  }
0x41: {  	_ =	shalt  }
0x42: {  	_ =	shalt  }
0x43: {  	_ =	shalt  }
0x44: {  	_ =	shalt  }
0x45: {  	_ =	shalt  }
0x46: {  	_ =	shalt  }
0x47: {  	_ =	shalt  }
0x48: {  	_ =	shalt  }
0x49: {  	_ =	shalt  }
0x4a: {  	_ =	shalt  }
0x4b: {  	_ =	shalt  }
0x4c: {  	_ =	shalt  }
0x4d: {  	_ =	shalt  }
0x4e: {  	_ =	shalt  }
0x4f: {  	_ =	shalt  }
0x50: {  	_ =	shalt  }
0x51: {  	_ =	shalt  }
0x52: {  	_ =	shalt  }
0x53: {  	_ =	shalt  }
0x54: {  	_ =	shalt  }
0x55: {  	_ =	shalt  }
0x56: {  	_ =	shalt  }
0x57: {  	_ =	shalt  }
0x58: {  	_ =	shalt  }
0x59: {  	_ =	shalt  }
0x5a: {  	_ =	shalt  }
0x5b: {  	_ =	shalt  }
0x5c: {  	_ =	shalt  }
0x5d: {  	_ =	shalt  }
0x5e: {  	_ =	shalt  }
0x5f: {  	_ =	shalt  }
0x60: {  	_ =	shalt  }
0x61: {  	_ =	shalt  }
0x62: {  	_ =	shalt  }
0x63: {  	_ =	shalt  }
0x64: {  	_ =	shalt  }
0x65: {  	_ =	shalt  }
0x66: {  	_ =	shalt  }
0x67: {  	_ =	shalt  }
0x68: {  	_ =	shalt  }
0x69: {  	_ =	shalt  }
0x6a: {  	_ =	shalt  }
0x6b: {  	_ =	shalt  }
0x6c: {  	_ =	shalt  }
0x6d: {  	_ =	shalt  }
0x6e: {  	_ =	shalt  }
0x6f: {  	_ =	shalt  }
0x70: {  	_ =	shalt  }
0x71: {  	_ =	shalt  }
0x72: {  	_ =	shalt  }
0x73: {  	_ =	shalt  }
0x74: {  	_ =	shalt  }
0x75: {  	_ =	shalt  }
0x76: {  	_ =	shalt  }
0x77: {  	_ =	shalt  }
0x78: {  	_ =	shalt  }
0x79: {  	_ =	shalt  }
0x7a: {  	_ =	shalt  }
0x7b: {  	_ =	shalt  }
0x7c: {  	_ =	shalt  }
0x7d: {  	_ =	shalt  }
0x7e: {  	_ =	shalt  }
0x7f: {  	_ =	shalt  }
0x80: {  	_ =	shalt  }
0x81: {  	_ =	shalt  }
0x82: {  	_ =	shalt  }
0x83: {  	_ =	shalt  }
0x84: {  	_ =	shalt  }
0x85: {  	_ =	shalt  }
0x86: {  	_ =	shalt  }
0x87: {  	_ =	shalt  }
.Lfunc_end0:
.L_simem_size_0:
called_computation.1_lowered:
.L_overlay_start_0:
0x88: {  	s2 =	sld [smem:$0x3FD9]  }
0x89: {  	s3 =	sld [smem:$0x3FFE];
	_ =	sdelay $0x1  }
0x8a: {  	s1 =	srdreg.scid  }
0x8b: {  	s0 =	sand.u32 $0x1, s1  }
0x8c: {  	s17 =	sshll.u32 s0, $0xA;
	s2 =	sadd.s32 s3, s2  }
0x8d: {  	s2 =	sadd.s32 s2, s17  }
0x8e: {  	[smem:$0x3FC2] =	sst s2  }
0x8f: {  	_ = 	snop  }
0x90: {  	s2 =	sld [smem:$0x3FD0];
	(tm) =	ssettm $0x1  }
0x91: {  	s18 =	sld [smem:$0x3FFB];
	_ =	sdelay $0x3  }
0x92: {  	_ =	strace s18  }
0x93: {  	s3 =	sld [smem:$0x3FFC];
	_ =	sdelay $0x3  }
0x94: {  	_ =	strace s3  }
0x95: {  	s3 =	sld [smem:$0x3FFD];
	_ =	sdelay $0x3  }
0x96: {  	_ =	strace s3  }
0x97: {  	_ =	strace $0x8FFFFFFF  }
0x98: {  	s19 =	sld [smem:$0x3FDB];
	_ =	sdelay $0x1  }
0x99: {  	s4 =	simm.s32 $_scs_section_size  }
0x9a: {  	s5 =	simm.s32 $_size__tile_overlayer_lowered;
	s6 =	simm.s32 $_tile_overlayer_lowered  }
0x9b: {  	s22 =	simm.s32 $0x1BFF;
	s21 =	sshll.u32 s6, $0x1;
	s3 =	sadd.s32 s4, s19  }
0x9c: {  	s7 =	simm.s32 $0x0;
	s20 =	sshll.u32 s5, $0x1;
	s5 =	sadd.s32 s21, s3  }
0x9d: {  	[timem:s7], [sflag:s22] =	dma.local [hbm:s5], s20  }
0x9e: {  	_ =	swait.ge [sflag:s22], s20  }
0x9f: {  	s4 =	ssub.s32 $0x0, s20;
	[sflag:s22] =	ssyncset.done $0x0  }
0xa0: {  	[sflag:s22] =	ssyncadd.s32 s4;
	_ =	sdelay $0x1  }
0xa1: {  	s23 =	simm.s32 $0x1B8B  }
0xa2: {  	_ =	swait.ge [sflag:s23], $0x1  }
0xa3: {  	[sflag:s23] =	ssyncset.done $0x0  }
0xa4: {  	s25 =	simm.s32 $0x1B8E;
	s24 =	sld [smem:$0x3FFE];
	[sflag:s23] =	ssyncadd.s32 $0xFFFFFFFF  }
0xa5: {  	s26 =	simm.s32 $execute0_lowered;
	[smem:$0x3FD2] =	sst s25  }
0xa6: {  	s5 =	sshll.u32 s26, $0x1;
	_ =	strace $0x80000049;
	[dreg:$0x1] =	wrdreg $0xFFFFFFFF  }
0xa7: {  	s28 =	simm.s32 $_size_execute0_lowered;
	s3 =	sadd.s32 s3, s5;
	[dreg:$0x0] =	wrdreg $0x0  }
0xa8: {  	s5 =	sshll.u32 s28, $0x1;
	[dreg:$0x2] =	wrdreg s3  }
0xa9: {  	[dreg:$0x3] =	wrdreg s5  }
0xaa: {  	[dreg:$0x4] =	wrdreg $0xC0  }
0xab: {  	_ =	task [dreg:s7], $0x5FFFF  }
0xac: {  	[dreg:$0x1] =	wrdreg $0xFFFFFFFF  }
0xad: {  	[dreg:$0x0] =	wrdreg $0x60  }
0xae: {  	[dreg:$0x2] =	wrdreg s24  }
0xaf: {  	[dreg:$0x3] =	wrdreg s2  }
0xb0: {  	[dreg:$0x4] =	wrdreg $0xA8000  }
0xb1: {  	[dreg:$0x5] =	wrdreg $0x9  }
0xb2: {  	_ =	task.clear_ibuf [dreg:s7], $0x6FFFF;
	_ =	strace $0x90000049  }
0xb3: {  	s29 =	simm.s32 $0x9;
	_ =	strace $0x8000004B  }
0xb4: {  	_ =	swait.ge [sflag:s29], $0x1  }
0xb5: {  	[sflag:s29] =	ssyncadd.s32 $0xFFFFFFFF  }
0xb6: {  	_ =	strace $0x9000004B  }
0xb7: {  	_ =	sfence  }
0xb8: {  	s30 =	sld [smem:$0x0];
	_ =	sdelay $0x2  }
0xb9: {  	s31 =	sshll.u32 s1, $0xD;
	s1 =	sshrl.u32 s1, $0x2  }
0xba: {  	s3 =	sand.u32 $0x4000, s31;
	s1 =	sadd.s32 s1, s30  }
0xbb: {  	s0 =	sor.u32 s3, s0;
	s1 =	sshll.u32 s1, $0x11  }
0xbc: {  	s0 =	sor.u32 s1, s0  }
0xbd: {  	s0 =	sadd.s32 $0x8F2B, s0  }
0xbe: {  	[sflag:s0] =	ssyncadd.remote.s32 $0x1  }
0xbf: {  	_ =	sfence.sel $0xFFFF  }
0xc0: {  	[dreg:$0x0] =	wrdreg $0xFFFFFFFF;
	(pc) =	sbr.abs _section_cstart, $3  }
0xc1: {  	[dreg:$0x1] =	wrdreg $0xFFFFFFFF  }
0xc2: {  	_ =	task.clear_ibuf [dreg:s7], $0x2FFFF;
	_ =	strace $0x9FFFFFFF  }
0xc3: {  	(tm) =	ssettm $0x7FFFFFFF  }
tec
execute0_lowered:
.L_overlay_start_1:
0x0: {  	(tag) =	ssettag $0x1  }
0x1: {  	s0 =	rddreg [dreg:$0x0]  }
0x2: {  	s1 =	rddreg [dreg:$0x1]  }
0x3: {  	s2 =	rddreg [dreg:$0x2]  }
0x4: {  	s3 =	simm.s32 $0x0;
	s4 =	srdreg.scid;
	s18 =	stileid.u32  }
0x5: {  	s28 =	simm.s32 $0x1;
	s29 =	simm.s32 $0x3;
	s30 =	simm.s32 $0x2  }
0x6: {  	s31 =	simm.s32 $0x4;
	[smem:$0x7FF] =	sst s3;
	s8 =	smul.u32 $0x280, s18  }
0x7: {  	s5 =	sadd.s32 $0xCE00, s0;
	s6 =	sadd.s32 $0x34E00, s0;
	s10 =	smul.u32 $0x50000, s18  }
0x8: {  	s4 =	sand.u32 $0x1, s4;
	s7 =	sadd.s32 $0x2E00, s0;
	s14 =	smul.u32 $0xA0, s18  }
0x9: {  	s11 =	sadd.s32 $0x84E00, s0;
	s0 =	sadd.s32 $0xACE00, s0;
	s24 =	smul.u32 $0x2800, s18  }
0xa: {  	_ =	strace $0x8000004A;
	s9 =	ssub.s32 $0x2, s4;
	[dreg:$0x4] =	wrdreg s11  }
0xb: {  	[dreg:$0x5] =	wrdreg s0;
	p0 =	sne.s32 s4, $0x0;
	s17 =	sshrl.u32 s9, $0x1  }
0xc: {  	s19 =	sshrl.u32 s10, $0x2;
	s16 =	sadd.s32 $0x80, s8;
	[dreg:$0x6] =	wrdreg s24  }
0xd: {  	s24 =	simm.s32 $0x1400;
	s0 =	ssub.s32 s9, s17;
	s10 =	sadd.s32 s19, s2  }
0xe: {  	s20 =	sshll.u32 s16, $0x7;
	s17 =	sadd.s32 $0x100, s8;
	s19 =	sadd.s32 $0x180, s8  }
0xf: {  	s8 =	sadd.s32 $0x200, s8;
	s25 =	sshll.u32 s16, $0x4;
	s11 =	sadd.s32 s20, s2  }
0x10: {  	s21 =	sshll.u32 s17, $0x7;
	s22 =	sshll.u32 s19, $0x7;
	s23 =	sshll.u32 s8, $0x7  }
.Ltmp0:
0x11: {  	[dreg:$0x7] =	wrdreg s25;
	s26 =	sshll.u32 s17, $0x4;
	(pc) =	sbr.rel .LBB2_1-.Ltmp0, $4  }
0x12: {  	s19 =	sshll.u32 s19, $0x4;
	s20 =	sshll.u32 s8, $0x4;
	s25 =	simm.s32 $0x80  }
0x13: {  	s12 =	sadd.s32 s21, s2;
	s13 =	sadd.s32 s22, s2;
	s15 =	sadd.s32 s23, s2  }
0x14: {  	[dreg:$0x8] =	wrdreg s26;
	s21 =	smax.u32 s0, $0x1;
	s22 =	simm.s32 $0x2800  }
0x15: {  	v0 =	vimm.f32 $0.0e+00;
	s23 =	simm.s32 $0x5;
	s26 =	simm.s32 $0x6800;
	s0 =	simm.s32 $0x0  }
.LBB2_13:
0x16: {  	s4 =	rddreg [dreg:$0x5]  }
.LBB2_14:
0x17: {  	[bflag:$0x0] =	sbarrier.arrive $0xFFFF  }
0x18: {  	[tilespmem:s22], [sflag:$0x5] =	stream.linear.gather [spmem:s10], $0x4000, $0x38;
	[tilespmem:$0x1E800] =	vst v63  }
0x19: {  	_ =	swait.ge [sflag:s23], $0x4000  }
0x1a: {  	[sflag:s23] =	ssyncset.done $0x0;
	s8 =	rddreg [dreg:$0x6]  }
0x1b: {  	s8 =	sadd.s32 s4, s8;
	[sflag:s23] =	ssyncadd.s32 $0xFFFFC000  }
0x1c: {  	[hbm4b:s8+s3] =	stream.linear.scatter [tilespmem:s22], [sflag:$0x5], $0x4000, $0x38;
	[tilespmem:$0x1E800] =	vst v63  }
0x1d: {  	_ =	swait.ge [sflag:s23], $0x4000  }
0x1e: {  	[sflag:s23] =	ssyncset.done $0x0  }
0x1f: {  	[sflag:s23] =	ssyncadd.s32 $0xFFFFC000  }
0x20: {  	[tilespmem:s22], [sflag:$0x5] =	stream.linear.gather [spmem:s11], $0x4000, $0x38;
	[tilespmem:$0x1E800] =	vst v63  }
0x21: {  	_ =	swait.ge [sflag:s23], $0x4000  }
0x22: {  	[sflag:s23] =	ssyncset.done $0x0;
	s9 =	rddreg [dreg:$0x7]  }
0x23: {  	s8 =	sadd.s32 s4, s9;
	[sflag:s23] =	ssyncadd.s32 $0xFFFFC000  }
0x24: {  	[hbm4b:s8+s3] =	stream.linear.scatter [tilespmem:s22], [sflag:$0x5], $0x4000, $0x38;
	[tilespmem:$0x1E800] =	vst v63  }
0x25: {  	_ =	swait.ge [sflag:s23], $0x4000  }
0x26: {  	[sflag:s23] =	ssyncset.done $0x0  }
0x27: {  	[sflag:s23] =	ssyncadd.s32 $0xFFFFC000  }
0x28: {  	[tilespmem:s22], [sflag:$0x5] =	stream.linear.gather [spmem:s12], $0x4000, $0x38;
	[tilespmem:$0x1E800] =	vst v63  }
0x29: {  	_ =	swait.ge [sflag:s23], $0x4000  }
0x2a: {  	[sflag:s23] =	ssyncset.done $0x0;
	s16 =	rddreg [dreg:$0x8]  }
0x2b: {  	s8 =	sadd.s32 s4, s16;
	[sflag:s23] =	ssyncadd.s32 $0xFFFFC000  }
0x2c: {  	[hbm4b:s8+s3] =	stream.linear.scatter [tilespmem:s22], [sflag:$0x5], $0x4000, $0x38;
	[tilespmem:$0x1E800] =	vst v63  }
0x2d: {  	_ =	swait.ge [sflag:s23], $0x4000  }
0x2e: {  	[sflag:s23] =	ssyncset.done $0x0  }
0x2f: {  	[sflag:s23] =	ssyncadd.s32 $0xFFFFC000  }
0x30: {  	[tilespmem:s22], [sflag:$0x5] =	stream.linear.gather [spmem:s13], $0x4000, $0x38;
	[tilespmem:$0x1E800] =	vst v63  }
0x31: {  	_ =	swait.ge [sflag:s23], $0x4000  }
0x32: {  	[sflag:s23] =	ssyncset.done $0x0  }
0x33: {  	s17 =	sadd.s32 s4, s19;
	[sflag:s23] =	ssyncadd.s32 $0xFFFFC000  }
0x34: {  	[hbm4b:s17+s3] =	stream.linear.scatter [tilespmem:s22], [sflag:$0x5], $0x4000, $0x38;
	[tilespmem:$0x1E800] =	vst v63  }
0x35: {  	_ =	swait.ge [sflag:s23], $0x4000  }
0x36: {  	[sflag:s23] =	ssyncset.done $0x0  }
0x37: {  	[sflag:s23] =	ssyncadd.s32 $0xFFFFC000  }
0x38: {  	[tilespmem:s22], [sflag:$0x5] =	stream.linear.gather [spmem:s15], $0x4000, $0x38;
	[tilespmem:$0x1E800] =	vst v63  }
0x39: {  	s0 =	sadd.s32 $0x1, s0;
	_ =	swait.ge [sflag:s23], $0x4000  }
0x3a: {  	p1 =	sne.s32 s0, s21;
	[sflag:s23] =	ssyncset.done $0x0  }
.Ltmp1:
0x3b: {  	s18 =	sadd.s32 s4, s20;
	[sflag:s23] =	ssyncadd.s32 $0xFFFFC000;
	(pc) =	sbr.rel @!p1 .LBB2_15-.Ltmp1, $4  }
0x3c: {  	[hbm4b:s18+s3] =	stream.linear.scatter [tilespmem:s22], [sflag:$0x5], $0x4000, $0x38;
	[tilespmem:$0x1E800] =	vst v63  }
0x3d: {  	_ =	swait.ge [sflag:s23], $0x4000  }
0x3e: {  	[sflag:s23] =	ssyncset.done $0x0  }
0x3f: {  	[sflag:s23] =	ssyncadd.s32 $0xFFFFC000  }
.LBB2_1:
0x40: {  	s4 =	simm.s32 $0x0;
	s8 =	simm.s32 $0x200  }
.LBB2_2:
0x41: {  	p1 =	sne.s32 s8, $0xFE00;
	[tilespmem:s4+$0x2870] =	vst v0  }
0x42: {  	[tilespmem:s4+$0x2800] =	vst v0  }
0x43: {  	[tilespmem:s4+$0x2810] =	vst v0  }
.Ltmp2:
0x44: {  	[tilespmem:s4+$0x2820] =	vst v0;
	(pc) =	sbr.rel @p1 .LBB2_2-.Ltmp2, $4  }
0x45: {  	[tilespmem:s4+$0x2830] =	vst v0  }
0x46: {  	[tilespmem:s4+$0x2840] =	vst v0  }
0x47: {  	[tilespmem:s4+$0x2850] =	vst v0  }
0x48: {  	[tilespmem:s4+$0x2860] =	vst v0;
	s4 =	sshra.s32 s8, $0x2;
	s8 =	sadd.s32 $0x200, s8  }
0x49: {  	[tilespmem:s4+$0x2870] =	vst v0  }
0x4a: {  	[tilespmem:s4+$0x2800] =	vst v0  }
0x4b: {  	[tilespmem:s4+$0x2810] =	vst v0  }
0x4c: {  	[tilespmem:s4+$0x2820] =	vst v0  }
0x4d: {  	[tilespmem:s4+$0x2830] =	vst v0  }
0x4e: {  	[tilespmem:s4+$0x2840] =	vst v0  }
0x4f: {  	[tilespmem:s4+$0x2850] =	vst v0  }
0x50: {  	[tilespmem:s4+$0x2860] =	vst v0  }
0x51: {  	[spmem:s10] =	stream.linear.scatter [tilespmem:s22], [sflag:$0x5], $0x4000, $0x38;
	[tilespmem:$0x1E800] =	vst v63  }
0x52: {  	_ =	swait.ge [sflag:s23], $0x4000  }
0x53: {  	[sflag:s23] =	ssyncset.done $0x0  }
0x54: {  	[sflag:s23] =	ssyncadd.s32 $0xFFFFC000  }
0x55: {  	[spmem:s11] =	stream.linear.scatter [tilespmem:s22], [sflag:$0x5], $0x4000, $0x38;
	[tilespmem:$0x1E800] =	vst v63  }
0x56: {  	_ =	swait.ge [sflag:s23], $0x4000  }
0x57: {  	[sflag:s23] =	ssyncset.done $0x0  }
0x58: {  	[sflag:s23] =	ssyncadd.s32 $0xFFFFC000  }
0x59: {  	[spmem:s12] =	stream.linear.scatter [tilespmem:s22], [sflag:$0x5], $0x4000, $0x38;
	[tilespmem:$0x1E800] =	vst v63  }
0x5a: {  	_ =	swait.ge [sflag:s23], $0x4000  }
0x5b: {  	[sflag:s23] =	ssyncset.done $0x0  }
0x5c: {  	[sflag:s23] =	ssyncadd.s32 $0xFFFFC000  }
0x5d: {  	[spmem:s13] =	stream.linear.scatter [tilespmem:s22], [sflag:$0x5], $0x4000, $0x38;
	[tilespmem:$0x1E800] =	vst v63  }
0x5e: {  	_ =	swait.ge [sflag:s23], $0x4000  }
0x5f: {  	[sflag:s23] =	ssyncset.done $0x0  }
0x60: {  	[sflag:s23] =	ssyncadd.s32 $0xFFFFC000  }
0x61: {  	[spmem:s15] =	stream.linear.scatter [tilespmem:s22], [sflag:$0x5], $0x4000, $0x38;
	[tilespmem:$0x1E800] =	vst v63  }
.Ltmp3:
0x62: {  	_ =	swait.ge [sflag:s23], $0x4000;
	(pc) =	sbr.rel @p0 .LBB2_9-.Ltmp3, $4  }
.Ltmp4:
0x63: {  	[sflag:s23] =	ssyncset.done $0x0;
	(pc) =	sbr.rel @!p0 .LBB2_4-.Ltmp4, $4  }
0x64: {  	[sflag:s23] =	ssyncadd.s32 $0xFFFFC000  }
0x65: {  	[bflag:$0x0] =	sbarrier.arrive $0xFFFF  }
0x66: {  	s4 =	simm.s32 $0x0;
	s8 =	simm.s32 $0x0;
	s9 =	simm.s32 $0x0  }
0x67: {  	_ = 	snop  }
.LBB2_7:
0x68: {  	_ =	swait.ge [sflag:s30], $0x4000;
	s8 =	sadd.s32 $0x1, s8  }
0x69: {  	[sflag:s30] =	ssyncset.done $0x0;
	p1 =	seq.s32 s8, $0x4  }
.Ltmp5:
0x6a: {  	[sflag:s30] =	ssyncadd.s32 $0xFFFFC000;
	(pc) =	sbr.rel @p1 .LBB2_8-.Ltmp5, $4  }
0x6b: {  	[spmem:s2] =	stream.indirect.scatter.add.f32 [tilespmem:s26], [sflag:$0x4], $0x80, s17, s25, $0xb8;
	[tilespmem:$0x1E800] =	vst v63  }
0x6c: {  	_ =	swait.ge [sflag:s31], $0x4000  }
0x6d: {  	[sflag:s31] =	ssyncset.done $0x0  }
0x6e: {  	[sflag:s31] =	ssyncadd.s32 $0xFFFFC000  }
.LBB2_4:
0x6f: {  	s9 =	smul.u32 $0x28, s8;
	_ =	sdelay $0x1  }
0x70: {  	s9 =	sadd.s32 s14, s9  }
0x71: {  	s9 =	sshll.u32 s9, $0x4  }
0x72: {  	s16 =	sadd.s32 s7, s9  }
0x73: {  	[tilespmem:s4], [sflag:$0x5] =	stream.linear.gather [hbm4b:s16+s4], $0x1400, $0x38;
	[tilespmem:$0x1E800] =	vst v63  }
0x74: {  	_ =	swait.ge [sflag:s23], $0x1400  }
0x75: {  	[sflag:s23] =	ssyncset.done $0x0  }
0x76: {  	s9 =	sadd.s32 s1, s9;
	[sflag:s23] =	ssyncadd.s32 $0xFFFFEC00  }
0x77: {  	[tilespmem:s24], [sflag:$0x5] =	stream.linear.gather [hbm4b:s9+s4], $0x1400, $0x38;
	[tilespmem:$0x1E800] =	vst v63  }
0x78: {  	_ =	swait.ge [sflag:s23], $0x1400  }
0x79: {  	[sflag:s23] =	ssyncset.done $0x0  }
0x7a: {  	[sflag:s23] =	ssyncadd.s32 $0xFFFFEC00  }
0x7b: {  	[tilespmem:s22], [sflag:$0x1] =	stream.indirect.gather [hbm4b:s5+s25], $0x80, s4, s25, $0xb8;
	[tilespmem:$0x1E800] =	vst v63  }
0x7c: {  	s9 =	simm.s32 $0x0  }
0x7d: {  	[tilespmem:s26], [sflag:$0x2] =	stream.indirect.gather [hbm4b:s5+s25], $0x80, s25, s25, $0xb8;
	[tilespmem:$0x1E800] =	vst v63  }
.LBB2_5:
0x7e: {  	_ =	swait.ge [sflag:s28], $0x4000  }
0x7f: {  	s16 =	sshra.s32 s9, $0x2;
	[sflag:s28] =	ssyncset.done $0x0  }
0x80: {  	s17 =	sadd.s32 $0x1400, s16;
	[sflag:s28] =	ssyncadd.s32 $0xFFFFC000  }
0x81: {  	[spmem:s2] =	stream.indirect.scatter.add.f32 [tilespmem:s22], [sflag:$0x3], $0x80, s17, s25, $0xb8;
	[tilespmem:$0x1E800] =	vst v63  }
0x82: {  	_ =	swait.ge [sflag:s29], $0x4000  }
0x83: {  	[sflag:s29] =	ssyncset.done $0x0  }
0x84: {  	s18 =	sadd.s32 $0x100, s16;
	[sflag:s29] =	ssyncadd.s32 $0xFFFFC000  }
0x85: {  	[tilespmem:s22], [sflag:$0x1] =	stream.indirect.gather [hbm4b:s5+s25], $0x80, s18, s25, $0xb8;
	[tilespmem:$0x1E800] =	vst v63  }
0x86: {  	_ =	swait.ge [sflag:s30], $0x4000  }
0x87: {  	[sflag:s30] =	ssyncset.done $0x0  }
0x88: {  	s18 =	sadd.s32 $0x1480, s16;
	[sflag:s30] =	ssyncadd.s32 $0xFFFFC000  }
0x89: {  	[spmem:s2] =	stream.indirect.scatter.add.f32 [tilespmem:s26], [sflag:$0x4], $0x80, s18, s25, $0xb8;
	[tilespmem:$0x1E800] =	vst v63  }
0x8a: {  	_ =	swait.ge [sflag:s31], $0x4000  }
0x8b: {  	[sflag:s31] =	ssyncset.done $0x0  }
0x8c: {  	s18 =	sadd.s32 $0x180, s16;
	[sflag:s31] =	ssyncadd.s32 $0xFFFFC000  }
0x8d: {  	[tilespmem:s26], [sflag:$0x2] =	stream.indirect.gather [hbm4b:s5+s25], $0x80, s18, s25, $0xb8;
	[tilespmem:$0x1E800] =	vst v63  }
0x8e: {  	_ =	swait.ge [sflag:s28], $0x4000  }
0x8f: {  	[sflag:s28] =	ssyncset.done $0x0  }
0x90: {  	s18 =	sadd.s32 $0x1500, s16;
	[sflag:s28] =	ssyncadd.s32 $0xFFFFC000  }
0x91: {  	[spmem:s2] =	stream.indirect.scatter.add.f32 [tilespmem:s22], [sflag:$0x3], $0x80, s18, s25, $0xb8;
	[tilespmem:$0x1E800] =	vst v63  }
0x92: {  	_ =	swait.ge [sflag:s29], $0x4000  }
0x93: {  	[sflag:s29] =	ssyncset.done $0x0  }
0x94: {  	s18 =	sadd.s32 $0x200, s16;
	[sflag:s29] =	ssyncadd.s32 $0xFFFFC000  }
0x95: {  	[tilespmem:s22], [sflag:$0x1] =	stream.indirect.gather [hbm4b:s5+s25], $0x80, s18, s25, $0xb8;
	[tilespmem:$0x1E800] =	vst v63  }
0x96: {  	_ =	swait.ge [sflag:s30], $0x4000  }
0x97: {  	[sflag:s30] =	ssyncset.done $0x0  }
0x98: {  	s18 =	sadd.s32 $0x1580, s16;
	[sflag:s30] =	ssyncadd.s32 $0xFFFFC000  }
0x99: {  	[spmem:s2] =	stream.indirect.scatter.add.f32 [tilespmem:s26], [sflag:$0x4], $0x80, s18, s25, $0xb8;
	[tilespmem:$0x1E800] =	vst v63  }
0x9a: {  	_ =	swait.ge [sflag:s31], $0x4000  }
0x9b: {  	[sflag:s31] =	ssyncset.done $0x0  }
0x9c: {  	s18 =	sadd.s32 $0x280, s16;
	[sflag:s31] =	ssyncadd.s32 $0xFFFFC000  }
0x9d: {  	[tilespmem:s26], [sflag:$0x2] =	stream.indirect.gather [hbm4b:s5+s25], $0x80, s18, s25, $0xb8;
	[tilespmem:$0x1E800] =	vst v63  }
0x9e: {  	_ =	swait.ge [sflag:s28], $0x4000  }
0x9f: {  	[sflag:s28] =	ssyncset.done $0x0  }
0xa0: {  	s18 =	sadd.s32 $0x1600, s16;
	[sflag:s28] =	ssyncadd.s32 $0xFFFFC000  }
0xa1: {  	[spmem:s2] =	stream.indirect.scatter.add.f32 [tilespmem:s22], [sflag:$0x3], $0x80, s18, s25, $0xb8;
	[tilespmem:$0x1E800] =	vst v63  }
0xa2: {  	_ =	swait.ge [sflag:s29], $0x4000  }
0xa3: {  	[sflag:s29] =	ssyncset.done $0x0  }
0xa4: {  	s18 =	sadd.s32 $0x300, s16;
	[sflag:s29] =	ssyncadd.s32 $0xFFFFC000  }
0xa5: {  	[tilespmem:s22], [sflag:$0x1] =	stream.indirect.gather [hbm4b:s5+s25], $0x80, s18, s25, $0xb8;
	[tilespmem:$0x1E800] =	vst v63  }
0xa6: {  	_ =	swait.ge [sflag:s30], $0x4000  }
0xa7: {  	[sflag:s30] =	ssyncset.done $0x0  }
0xa8: {  	s18 =	sadd.s32 $0x1680, s16;
	[sflag:s30] =	ssyncadd.s32 $0xFFFFC000  }
0xa9: {  	[spmem:s2] =	stream.indirect.scatter.add.f32 [tilespmem:s26], [sflag:$0x4], $0x80, s18, s25, $0xb8;
	[tilespmem:$0x1E800] =	vst v63  }
0xaa: {  	_ =	swait.ge [sflag:s31], $0x4000  }
0xab: {  	[sflag:s31] =	ssyncset.done $0x0  }
0xac: {  	s18 =	sadd.s32 $0x380, s16;
	[sflag:s31] =	ssyncadd.s32 $0xFFFFC000  }
0xad: {  	[tilespmem:s26], [sflag:$0x2] =	stream.indirect.gather [hbm4b:s5+s25], $0x80, s18, s25, $0xb8;
	[tilespmem:$0x1E800] =	vst v63  }
0xae: {  	_ =	swait.ge [sflag:s28], $0x4000  }
0xaf: {  	p1 =	seq.s32 s9, $0x4000;
	[sflag:s28] =	ssyncset.done $0x0  }
.Ltmp6:
0xb0: {  	s18 =	sadd.s32 $0x1700, s16;
	[sflag:s28] =	ssyncadd.s32 $0xFFFFC000;
	(pc) =	sbr.rel @p1 .LBB2_7-.Ltmp6, $4  }
0xb1: {  	[spmem:s2] =	stream.indirect.scatter.add.f32 [tilespmem:s22], [sflag:$0x3], $0x80, s18, s25, $0xb8;
	[tilespmem:$0x1E800] =	vst v63  }
0xb2: {  	_ =	swait.ge [sflag:s29], $0x4000  }
0xb3: {  	[sflag:s29] =	ssyncset.done $0x0  }
0xb4: {  	s17 =	sadd.s32 $0x1780, s16;
	[sflag:s29] =	ssyncadd.s32 $0xFFFFC000  }
0xb5: {  	s18 =	sadd.s32 $0x400, s16  }
0xb6: {  	[tilespmem:s22], [sflag:$0x1] =	stream.indirect.gather [hbm4b:s5+s25], $0x80, s18, s25, $0xb8;
	[tilespmem:$0x1E800] =	vst v63  }
0xb7: {  	_ =	swait.ge [sflag:s30], $0x4000  }
0xb8: {  	[sflag:s30] =	ssyncset.done $0x0  }
0xb9: {  	[sflag:s30] =	ssyncadd.s32 $0xFFFFC000  }
0xba: {  	[spmem:s2] =	stream.indirect.scatter.add.f32 [tilespmem:s26], [sflag:$0x4], $0x80, s17, s25, $0xb8;
	[tilespmem:$0x1E800] =	vst v63  }
.Ltmp7:
0xbb: {  	_ = 	snop;
	(pc) =	sbr.rel .LBB2_5-.Ltmp7, $4  }
0xbc: {  	_ =	swait.ge [sflag:s31], $0x4000  }
0xbd: {  	[sflag:s31] =	ssyncset.done $0x0  }
0xbe: {  	s9 =	sadd.s32 $0x1000, s9;
	s18 =	sadd.s32 $0x480, s16;
	[sflag:s31] =	ssyncadd.s32 $0xFFFFC000  }
0xbf: {  	[tilespmem:s26], [sflag:$0x2] =	stream.indirect.gather [hbm4b:s5+s25], $0x80, s18, s25, $0xb8;
	[tilespmem:$0x1E800] =	vst v63  }
.LBB2_12:
0xc0: {  	_ =	swait.ge [sflag:s30], $0x4000;
	s9 =	sadd.s32 $0x1, s9  }
0xc1: {  	[sflag:s30] =	ssyncset.done $0x0;
	p1 =	sne.s32 s9, $0x4  }
.Ltmp8:
0xc2: {  	[sflag:s30] =	ssyncadd.s32 $0xFFFFC000;
	(pc) =	sbr.rel @!p1 .LBB2_13-.Ltmp8, $4  }
0xc3: {  	[spmem:s2] =	stream.indirect.scatter.add.f32 [tilespmem:s26], [sflag:$0x4], $0x80, s17, s25, $0xb8;
	[tilespmem:$0x1E800] =	vst v63  }
0xc4: {  	_ =	swait.ge [sflag:s31], $0x4000  }
0xc5: {  	[sflag:s31] =	ssyncset.done $0x0  }
0xc6: {  	[sflag:s31] =	ssyncadd.s32 $0xFFFFC000  }
.LBB2_9:
0xc7: {  	s8 =	smul.u32 $0x28, s9;
	_ =	sdelay $0x1  }
0xc8: {  	s8 =	sadd.s32 s14, s8  }
0xc9: {  	s8 =	sshll.u32 s8, $0x4  }
0xca: {  	s16 =	sadd.s32 s1, s8  }
0xcb: {  	[tilespmem:s4], [sflag:$0x5] =	stream.linear.gather [hbm4b:s16+s4], $0x1400, $0x38;
	[tilespmem:$0x1E800] =	vst v63  }
0xcc: {  	_ =	swait.ge [sflag:s23], $0x1400  }
0xcd: {  	[sflag:s23] =	ssyncset.done $0x0  }
0xce: {  	s8 =	sadd.s32 s7, s8;
	[sflag:s23] =	ssyncadd.s32 $0xFFFFEC00  }
0xcf: {  	[tilespmem:s24], [sflag:$0x5] =	stream.linear.gather [hbm4b:s8+s4], $0x1400, $0x38;
	[tilespmem:$0x1E800] =	vst v63  }
0xd0: {  	_ =	swait.ge [sflag:s23], $0x1400  }
0xd1: {  	[sflag:s23] =	ssyncset.done $0x0  }
0xd2: {  	[sflag:s23] =	ssyncadd.s32 $0xFFFFEC00  }
0xd3: {  	[tilespmem:s22], [sflag:$0x1] =	stream.indirect.gather [hbm4b:s6+s25], $0x80, s4, s25, $0xb8;
	[tilespmem:$0x1E800] =	vst v63  }
0xd4: {  	s8 =	simm.s32 $0x0  }
0xd5: {  	[tilespmem:s26], [sflag:$0x2] =	stream.indirect.gather [hbm4b:s6+s25], $0x80, s25, s25, $0xb8;
	[tilespmem:$0x1E800] =	vst v63  }
.LBB2_10:
0xd6: {  	_ =	swait.ge [sflag:s28], $0x4000  }
0xd7: {  	s16 =	sshra.s32 s8, $0x2;
	[sflag:s28] =	ssyncset.done $0x0  }
0xd8: {  	s17 =	sadd.s32 $0x1400, s16;
	[sflag:s28] =	ssyncadd.s32 $0xFFFFC000  }
0xd9: {  	[spmem:s2] =	stream.indirect.scatter.add.f32 [tilespmem:s22], [sflag:$0x3], $0x80, s17, s25, $0xb8;
	[tilespmem:$0x1E800] =	vst v63  }
0xda: {  	_ =	swait.ge [sflag:s29], $0x4000  }
0xdb: {  	[sflag:s29] =	ssyncset.done $0x0  }
0xdc: {  	s18 =	sadd.s32 $0x100, s16;
	[sflag:s29] =	ssyncadd.s32 $0xFFFFC000  }
0xdd: {  	[tilespmem:s22], [sflag:$0x1] =	stream.indirect.gather [hbm4b:s6+s25], $0x80, s18, s25, $0xb8;
	[tilespmem:$0x1E800] =	vst v63  }
0xde: {  	_ =	swait.ge [sflag:s30], $0x4000  }
0xdf: {  	[sflag:s30] =	ssyncset.done $0x0  }
0xe0: {  	s18 =	sadd.s32 $0x1480, s16;
	[sflag:s30] =	ssyncadd.s32 $0xFFFFC000  }
0xe1: {  	[spmem:s2] =	stream.indirect.scatter.add.f32 [tilespmem:s26], [sflag:$0x4], $0x80, s18, s25, $0xb8;
	[tilespmem:$0x1E800] =	vst v63  }
0xe2: {  	_ =	swait.ge [sflag:s31], $0x4000  }
0xe3: {  	[sflag:s31] =	ssyncset.done $0x0  }
0xe4: {  	s18 =	sadd.s32 $0x180, s16;
	[sflag:s31] =	ssyncadd.s32 $0xFFFFC000  }
0xe5: {  	[tilespmem:s26], [sflag:$0x2] =	stream.indirect.gather [hbm4b:s6+s25], $0x80, s18, s25, $0xb8;
	[tilespmem:$0x1E800] =	vst v63  }
0xe6: {  	_ =	swait.ge [sflag:s28], $0x4000  }
0xe7: {  	[sflag:s28] =	ssyncset.done $0x0  }
0xe8: {  	s18 =	sadd.s32 $0x1500, s16;
	[sflag:s28] =	ssyncadd.s32 $0xFFFFC000  }
0xe9: {  	[spmem:s2] =	stream.indirect.scatter.add.f32 [tilespmem:s22], [sflag:$0x3], $0x80, s18, s25, $0xb8;
	[tilespmem:$0x1E800] =	vst v63  }
0xea: {  	_ =	swait.ge [sflag:s29], $0x4000  }
0xeb: {  	[sflag:s29] =	ssyncset.done $0x0  }
0xec: {  	s18 =	sadd.s32 $0x200, s16;
	[sflag:s29] =	ssyncadd.s32 $0xFFFFC000  }
0xed: {  	[tilespmem:s22], [sflag:$0x1] =	stream.indirect.gather [hbm4b:s6+s25], $0x80, s18, s25, $0xb8;
	[tilespmem:$0x1E800] =	vst v63  }
0xee: {  	_ =	swait.ge [sflag:s30], $0x4000  }
0xef: {  	[sflag:s30] =	ssyncset.done $0x0  }
0xf0: {  	s18 =	sadd.s32 $0x1580, s16;
	[sflag:s30] =	ssyncadd.s32 $0xFFFFC000  }
0xf1: {  	[spmem:s2] =	stream.indirect.scatter.add.f32 [tilespmem:s26], [sflag:$0x4], $0x80, s18, s25, $0xb8;
	[tilespmem:$0x1E800] =	vst v63  }
0xf2: {  	_ =	swait.ge [sflag:s31], $0x4000  }
0xf3: {  	[sflag:s31] =	ssyncset.done $0x0  }
0xf4: {  	s18 =	sadd.s32 $0x280, s16;
	[sflag:s31] =	ssyncadd.s32 $0xFFFFC000  }
0xf5: {  	[tilespmem:s26], [sflag:$0x2] =	stream.indirect.gather [hbm4b:s6+s25], $0x80, s18, s25, $0xb8;
	[tilespmem:$0x1E800] =	vst v63  }
0xf6: {  	_ =	swait.ge [sflag:s28], $0x4000  }
0xf7: {  	[sflag:s28] =	ssyncset.done $0x0  }
0xf8: {  	s18 =	sadd.s32 $0x1600, s16;
	[sflag:s28] =	ssyncadd.s32 $0xFFFFC000  }
0xf9: {  	[spmem:s2] =	stream.indirect.scatter.add.f32 [tilespmem:s22], [sflag:$0x3], $0x80, s18, s25, $0xb8;
	[tilespmem:$0x1E800] =	vst v63  }
0xfa: {  	_ =	swait.ge [sflag:s29], $0x4000  }
0xfb: {  	[sflag:s29] =	ssyncset.done $0x0  }
0xfc: {  	s18 =	sadd.s32 $0x300, s16;
	[sflag:s29] =	ssyncadd.s32 $0xFFFFC000  }
0xfd: {  	[tilespmem:s22], [sflag:$0x1] =	stream.indirect.gather [hbm4b:s6+s25], $0x80, s18, s25, $0xb8;
	[tilespmem:$0x1E800] =	vst v63  }
0xfe: {  	_ =	swait.ge [sflag:s30], $0x4000  }
0xff: {  	[sflag:s30] =	ssyncset.done $0x0  }
0x100: {  	s18 =	sadd.s32 $0x1680, s16;
	[sflag:s30] =	ssyncadd.s32 $0xFFFFC000  }
0x101: {  	[spmem:s2] =	stream.indirect.scatter.add.f32 [tilespmem:s26], [sflag:$0x4], $0x80, s18, s25, $0xb8;
	[tilespmem:$0x1E800] =	vst v63  }
0x102: {  	_ =	swait.ge [sflag:s31], $0x4000  }
0x103: {  	[sflag:s31] =	ssyncset.done $0x0  }
0x104: {  	s18 =	sadd.s32 $0x380, s16;
	[sflag:s31] =	ssyncadd.s32 $0xFFFFC000  }
0x105: {  	[tilespmem:s26], [sflag:$0x2] =	stream.indirect.gather [hbm4b:s6+s25], $0x80, s18, s25, $0xb8;
	[tilespmem:$0x1E800] =	vst v63  }
0x106: {  	_ =	swait.ge [sflag:s28], $0x4000  }
0x107: {  	p1 =	seq.s32 s8, $0x4000;
	[sflag:s28] =	ssyncset.done $0x0  }
.Ltmp9:
0x108: {  	s18 =	sadd.s32 $0x1700, s16;
	[sflag:s28] =	ssyncadd.s32 $0xFFFFC000;
	(pc) =	sbr.rel @p1 .LBB2_12-.Ltmp9, $4  }
0x109: {  	[spmem:s2] =	stream.indirect.scatter.add.f32 [tilespmem:s22], [sflag:$0x3], $0x80, s18, s25, $0xb8;
	[tilespmem:$0x1E800] =	vst v63  }
0x10a: {  	_ =	swait.ge [sflag:s29], $0x4000  }
0x10b: {  	[sflag:s29] =	ssyncset.done $0x0  }
0x10c: {  	s17 =	sadd.s32 $0x1780, s16;
	[sflag:s29] =	ssyncadd.s32 $0xFFFFC000  }
0x10d: {  	s18 =	sadd.s32 $0x400, s16  }
0x10e: {  	[tilespmem:s22], [sflag:$0x1] =	stream.indirect.gather [hbm4b:s6+s25], $0x80, s18, s25, $0xb8;
	[tilespmem:$0x1E800] =	vst v63  }
0x10f: {  	_ =	swait.ge [sflag:s30], $0x4000  }
0x110: {  	[sflag:s30] =	ssyncset.done $0x0  }
0x111: {  	[sflag:s30] =	ssyncadd.s32 $0xFFFFC000  }
0x112: {  	[spmem:s2] =	stream.indirect.scatter.add.f32 [tilespmem:s26], [sflag:$0x4], $0x80, s17, s25, $0xb8;
	[tilespmem:$0x1E800] =	vst v63  }
.Ltmp10:
0x113: {  	_ = 	snop;
	(pc) =	sbr.rel .LBB2_10-.Ltmp10, $4  }
0x114: {  	_ =	swait.ge [sflag:s31], $0x4000  }
0x115: {  	[sflag:s31] =	ssyncset.done $0x0  }
0x116: {  	s8 =	sadd.s32 $0x1000, s8;
	s18 =	sadd.s32 $0x480, s16;
	[sflag:s31] =	ssyncadd.s32 $0xFFFFC000  }
0x117: {  	[tilespmem:s26], [sflag:$0x2] =	stream.indirect.gather [hbm4b:s6+s25], $0x80, s18, s25, $0xb8;
	[tilespmem:$0x1E800] =	vst v63  }
.LBB2_8:
.Ltmp11:
0x118: {  	(pc) =	sbr.rel .LBB2_14-.Ltmp11, $2  }
0x119: {  	_ =	sdelay $0x2  }
0x11a: {  	s4 =	rddreg [dreg:$0x4]  }
.LBB2_15:
0x11b: {  	_ =	sfence.sel $0x180000  }
0x11c: {  	[bflag:$0x0] =	sbarrier.arrive $0xFFFF  }
0x11d: {  	_ =	strace $0x9000004A  }
0x11e: {  	s0 =	stileid.u32;
	[bflag:$0x2] =	sbarrier.arrive $0xFFFF  }
0x11f: {  	p0 =	sne.s32 s0, $0x0;
	s0 =	rddreg [dreg:$0x3]  }
0x120: {  	s0 =	sadd.s32 @!p0 $0x100000, s0  }
0x121: {  	[sflag:s0] =	ssyncadd.tile.s32 @!p0 $0x1;
	_ =	shalt  }
.Lfunc_end2:
_tile_overlayer_lowered:
.L_overlay_start_2:
0x122: {  	(tag) =	ssettag $0x2  }
0x123: {  	s0 =	rddreg [dreg:$0x0];
	s2 =	stileid.u32  }
0x124: {  	s1 =	rddreg [dreg:$0x1];
	p0 =	sne.s32 s2, $0x0  }
0x125: {  	s3 =	rddreg [dreg:$0x2];
	[bflag:$0x3] =	sbarrier.arrive $0xFFFF;
	s2 =	simm.s32 @!p0 $0x1C05  }
0x126: {  	[timem:s3], [sflag:s2] =	dma.local @!p0 [hbm:s0], s1  }
0x127: {  	s0 =	simm.s32 @!p0 $0x5  }
0x128: {  	_ =	swait.ge @!p0 [sflag:s0], s1  }
0x129: {  	s1 =	ssub.s32 @!p0 $0x0, s1;
	[sflag:s0] =	ssyncset.done @!p0 $0x0  }
0x12a: {  	[sflag:s0] =	ssyncadd.s32 @!p0 s1  }
0x12b: {  	[bflag:$0x3] =	sbarrier.arrive $0xFFFF  }
0x12c: {  	_ =	shalt  }

// kernel: kernel.7.cloned.1.call-start
scs
__scs_entry_jumppad:
0x0: {  	(pc) =	sbr.rel $0x88, $3  }
0x1: {  	(tag) =	ssettag $0x0;
	lr =	simm.s32 $0x1  }
0x2: {  	[smem:$0x3F9B] =	sst lr;
	_ =	strace $0xD0000000  }
0x3: {  	_ = 	snop  }
0x4: {  	_ = 	snop  }
0x5: {  	_ = 	snop  }
0x6: {  	_ = 	snop  }
0x7: {  	_ = 	snop  }
__scs_overlays_trampoline_lowered:
0x8: {  	[smem:$0x3FAA] =	sst s0  }
0x9: {  	[smem:$0x3FAB] =	sst s1  }
0xa: {  	[smem:$0x3FAC] =	sst s2  }
0xb: {  	[smem:$0x3FAD] =	sst s3  }
0xc: {  	[smem:$0x3FAE] =	sst s4  }
0xd: {  	[smem:$0x3FAF] =	sst s5  }
0xe: {  	[smem:$0x3FB0] =	sst s6  }
0xf: {  	[smem:$0x3FB1] =	sst s7  }
0x10: {  	[smem:$0x3FB2] =	sst s8  }
0x11: {  	[smem:$0x3FB3] =	sst s9;
	s0 =	simm.s32 @!p0 $0x0  }
0x12: {  	s1 =	sld [smem:$0x3F99];
	s0 =	simm.s32 @p0 $0x1  }
0x13: {  	[smem:$0x3FB4] =	sst s0;
	s0 =	simm.s32 @!p1 $0x0  }
0x14: {  	s2 =	sld [smem:$0x3F98];
	s0 =	simm.s32 @p1 $0x1  }
0x15: {  	[smem:$0x3FB5] =	sst s0;
	s0 =	simm.s32 @!p2 $0x0  }
0x16: {  	s3 =	sld [smem:$0x3FDB];
	s0 =	simm.s32 @p2 $0x1  }
0x17: {  	s4 =	simm.s32 $0x1BF5;
	[smem:$0x3FB7] =	sst s0  }
0x18: {  	s0 =	sld [smem:$0x3F9A];
	_ =	swait.ge [sflag:s4], $0x0  }
0x19: {  	s7 =	sld [smem:$0x3F9B]  }
0x1a: {  	s8 =	sadd.s32 $0xFFFFE003, lr  }
0x1b: {  	s9 =	sadd.s32 $0xFFFFFEF7, lr;
	s5 =	simm.s32 $0xFFFFFFFF;
	p2 =	slt.u32 s8, $0xFFFFF086  }
0x1c: {  	p1 =	slt.u32 s9, $0xF7A;
	s5 =	simm.s32 @!p2 $0x0  }
0x1d: {  	s5 =	simm.s32 @p1 $0x1;
	p0 =	seq.s32 s7, s2  }
0x1e: {  	s7 =	smul.u32 @!p0 $0xF7A, s2;
	p2 =	seq.s32 @!p0 s5, $0x0  }
0x1f: {  	s9 =	smul.u32 $0xF7A, s1;
	s8 =	simm.s32 @!p0 $0x1BF5;
	p2 =	por !p2, p0  }
0x20: {  	[sflag:s8] =	ssyncset.s32 @!p0 $0xFFFFF086;
	s6 =	sadd.s32 @!p0 s3, s7;
	s7 =	simm.s32 @!p0 $0x108  }
0x21: {  	s3 =	sadd.s32 s3, s9;
	s6 =	sadd.s32 @!p0 $0x88, s6;
	s7 =	simm.s32 @p2 $0x1082  }
0x22: {  	[simem:s7], [sflag:s8] =	dma.local @!p0 [hbm:s6], $0xF7A  }
0x23: {  	s9 =	sor.u32 $0xD0000000, s2;
	s6 =	simm.s32 $0x108;
	_ =	swait.ge @!p0 [sflag:s8], $0x0  }
0x24: {  	s3 =	sadd.s32 $0x88, s3;
	s6 =	simm.s32 @!p1 $0x1082;
	[sflag:s4] =	ssyncset.s32 $0xFFFFF086  }
0x25: {  	[simem:s6], [sflag:s4] =	dma.local [hbm:s3], $0xF7A  }
0x26: {  	[smem:$0x3F9B] =	sst s1;
	(tag) =	ssettag s2;
	_ =	strace s9  }
0x27: {  	s1 =	sld [smem:$0x3FAB]  }
0x28: {  	s2 =	sld [smem:$0x3FAC]  }
0x29: {  	s4 =	sld [smem:$0x3FAE]  }
0x2a: {  	p0 =	seq.s32 s5, $0x0;
	s5 =	sld [smem:$0x3FAF]  }
0x2b: {  	s6 =	sld [smem:$0x3FB0]  }
0x2c: {  	s7 =	sld [smem:$0x3FB1]  }
0x2d: {  	s3 =	simm.s32 $0x108;
	s8 =	sld [smem:$0x3FB2]  }
0x2e: {  	s3 =	simm.s32 @!p0 $0x1082;
	s9 =	sld [smem:$0x3FB3]  }
0x2f: {  	lr =	sadd.s32 s0, s3;
	s0 =	sld [smem:$0x3FAA]  }
0x30: {  	s3 =	sld [smem:$0x3FAD]  }
0x31: {  	[smem:$0x3FB6] =	sst s10  }
0x32: {  	s10 =	sld [smem:$0x3FB4];
	_ =	sdelay $0x3  }
0x33: {  	p0 =	seq.s32 s10, $0x1;
	s10 =	sld [smem:$0x3FB6];
	_ =	sdelay $0x3  }
0x34: {  	[smem:$0x3FB6] =	sst s10  }
0x35: {  	s10 =	sld [smem:$0x3FB5];
	_ =	sdelay $0x3  }
0x36: {  	p1 =	seq.s32 s10, $0x1;
	s10 =	sld [smem:$0x3FB6];
	_ =	sdelay $0x3  }
0x37: {  	[smem:$0x3FB6] =	sst s10  }
0x38: {  	s10 =	sld [smem:$0x3FB7]  }
0x39: {  	_ = 	snop;
	(pc) =	sbr.ind lr, $3  }
0x3a: {  	_ = 	snop  }
0x3b: {  	_ = 	snop  }
0x3c: {  	p2 =	seq.s32 s10, $0x1;
	s10 =	sld [smem:$0x3FB6]  }
0x3d: {  	_ =	shalt  }
0x3e: {  	_ =	shalt  }
0x3f: {  	_ =	shalt  }
0x40: {  	_ =	shalt  }
0x41: {  	_ =	shalt  }
0x42: {  	_ =	shalt  }
0x43: {  	_ =	shalt  }
0x44: {  	_ =	shalt  }
0x45: {  	_ =	shalt  }
0x46: {  	_ =	shalt  }
0x47: {  	_ =	shalt  }
0x48: {  	_ =	shalt  }
0x49: {  	_ =	shalt  }
0x4a: {  	_ =	shalt  }
0x4b: {  	_ =	shalt  }
0x4c: {  	_ =	shalt  }
0x4d: {  	_ =	shalt  }
0x4e: {  	_ =	shalt  }
0x4f: {  	_ =	shalt  }
0x50: {  	_ =	shalt  }
0x51: {  	_ =	shalt  }
0x52: {  	_ =	shalt  }
0x53: {  	_ =	shalt  }
0x54: {  	_ =	shalt  }
0x55: {  	_ =	shalt  }
0x56: {  	_ =	shalt  }
0x57: {  	_ =	shalt  }
0x58: {  	_ =	shalt  }
0x59: {  	_ =	shalt  }
0x5a: {  	_ =	shalt  }
0x5b: {  	_ =	shalt  }
0x5c: {  	_ =	shalt  }
0x5d: {  	_ =	shalt  }
0x5e: {  	_ =	shalt  }
0x5f: {  	_ =	shalt  }
0x60: {  	_ =	shalt  }
0x61: {  	_ =	shalt  }
0x62: {  	_ =	shalt  }
0x63: {  	_ =	shalt  }
0x64: {  	_ =	shalt  }
0x65: {  	_ =	shalt  }
0x66: {  	_ =	shalt  }
0x67: {  	_ =	shalt  }
0x68: {  	_ =	shalt  }
0x69: {  	_ =	shalt  }
0x6a: {  	_ =	shalt  }
0x6b: {  	_ =	shalt  }
0x6c: {  	_ =	shalt  }
0x6d: {  	_ =	shalt  }
0x6e: {  	_ =	shalt  }
0x6f: {  	_ =	shalt  }
0x70: {  	_ =	shalt  }
0x71: {  	_ =	shalt  }
0x72: {  	_ =	shalt  }
0x73: {  	_ =	shalt  }
0x74: {  	_ =	shalt  }
0x75: {  	_ =	shalt  }
0x76: {  	_ =	shalt  }
0x77: {  	_ =	shalt  }
0x78: {  	_ =	shalt  }
0x79: {  	_ =	shalt  }
0x7a: {  	_ =	shalt  }
0x7b: {  	_ =	shalt  }
0x7c: {  	_ =	shalt  }
0x7d: {  	_ =	shalt  }
0x7e: {  	_ =	shalt  }
0x7f: {  	_ =	shalt  }
0x80: {  	_ =	shalt  }
0x81: {  	_ =	shalt  }
0x82: {  	_ =	shalt  }
0x83: {  	_ =	shalt  }
0x84: {  	_ =	shalt  }
0x85: {  	_ =	shalt  }
0x86: {  	_ =	shalt  }
0x87: {  	_ =	shalt  }
.Lfunc_end0:
.L_simem_size_0:
called_computation_lowered:
.L_overlay_start_0:
0x88: {  	s2 =	sld [smem:$0x3FD9]  }
0x89: {  	s3 =	sld [smem:$0x3FFE];
	_ =	sdelay $0x1  }
0x8a: {  	s1 =	srdreg.scid  }
0x8b: {  	s0 =	sand.u32 $0x1, s1  }
0x8c: {  	s17 =	sshll.u32 s0, $0xA;
	s2 =	sadd.s32 s3, s2  }
0x8d: {  	s2 =	sadd.s32 s2, s17  }
0x8e: {  	[smem:$0x3FC2] =	sst s2  }
0x8f: {  	_ = 	snop  }
0x90: {  	s2 =	sld [smem:$0x3FD0];
	(tm) =	ssettm $0x1  }
0x91: {  	s18 =	sld [smem:$0x3FFB];
	_ =	sdelay $0x3  }
0x92: {  	_ =	strace s18  }
0x93: {  	s3 =	sld [smem:$0x3FFC];
	_ =	sdelay $0x3  }
0x94: {  	_ =	strace s3  }
0x95: {  	s3 =	sld [smem:$0x3FFD];
	_ =	sdelay $0x3  }
0x96: {  	_ =	strace s3  }
0x97: {  	_ =	strace $0x8FFFFFFF  }
0x98: {  	s19 =	sld [smem:$0x3FDB];
	_ =	sdelay $0x1  }
0x99: {  	s4 =	simm.s32 $_scs_section_size  }
0x9a: {  	s5 =	simm.s32 $_size__tile_overlayer_lowered;
	s6 =	simm.s32 $_tile_overlayer_lowered  }
0x9b: {  	s22 =	simm.s32 $0x1BFF;
	s21 =	sshll.u32 s6, $0x1;
	s3 =	sadd.s32 s4, s19  }
0x9c: {  	s7 =	simm.s32 $0x0;
	s20 =	sshll.u32 s5, $0x1;
	s5 =	sadd.s32 s21, s3  }
0x9d: {  	[timem:s7], [sflag:s22] =	dma.local [hbm:s5], s20  }
0x9e: {  	_ =	swait.ge [sflag:s22], s20  }
0x9f: {  	s4 =	ssub.s32 $0x0, s20;
	[sflag:s22] =	ssyncset.done $0x0  }
0xa0: {  	[sflag:s22] =	ssyncadd.s32 s4;
	_ =	sdelay $0x1  }
0xa1: {  	s23 =	simm.s32 $0x1B8B  }
0xa2: {  	_ =	swait.ge [sflag:s23], $0x1  }
0xa3: {  	[sflag:s23] =	ssyncset.done $0x0  }
0xa4: {  	s25 =	simm.s32 $0x1B8E;
	s24 =	sld [smem:$0x3FFE];
	[sflag:s23] =	ssyncadd.s32 $0xFFFFFFFF  }
0xa5: {  	s26 =	simm.s32 $execute0_lowered;
	[smem:$0x3FD2] =	sst s25  }
0xa6: {  	s5 =	sshll.u32 s26, $0x1;
	_ =	strace $0x80000046;
	[dreg:$0x1] =	wrdreg $0xFFFFFFFF  }
0xa7: {  	s28 =	simm.s32 $_size_execute0_lowered;
	s3 =	sadd.s32 s3, s5;
	[dreg:$0x0] =	wrdreg $0x0  }
0xa8: {  	s5 =	sshll.u32 s28, $0x1;
	[dreg:$0x2] =	wrdreg s3  }
0xa9: {  	[dreg:$0x3] =	wrdreg s5  }
0xaa: {  	[dreg:$0x4] =	wrdreg $0xC0  }
0xab: {  	_ =	task [dreg:s7], $0x5FFFF  }
0xac: {  	[dreg:$0x1] =	wrdreg $0xFFFFFFFF  }
0xad: {  	[dreg:$0x0] =	wrdreg $0x60  }
0xae: {  	[dreg:$0x2] =	wrdreg s24  }
0xaf: {  	[dreg:$0x3] =	wrdreg s2  }
0xb0: {  	[dreg:$0x4] =	wrdreg $0x53000  }
0xb1: {  	[dreg:$0x5] =	wrdreg $0x9  }
0xb2: {  	_ =	task.clear_ibuf [dreg:s7], $0x6FFFF;
	_ =	strace $0x90000046  }
0xb3: {  	s29 =	simm.s32 $0x9;
	_ =	strace $0x80000048  }
0xb4: {  	_ =	swait.ge [sflag:s29], $0x1  }
0xb5: {  	[sflag:s29] =	ssyncadd.s32 $0xFFFFFFFF  }
0xb6: {  	_ =	strace $0x90000048  }
0xb7: {  	_ =	sfence  }
0xb8: {  	s30 =	sld [smem:$0x0];
	_ =	sdelay $0x2  }
0xb9: {  	s31 =	sshll.u32 s1, $0xD;
	s1 =	sshrl.u32 s1, $0x2  }
0xba: {  	s3 =	sand.u32 $0x4000, s31;
	s1 =	sadd.s32 s1, s30  }
0xbb: {  	s0 =	sor.u32 s3, s0;
	s1 =	sshll.u32 s1, $0x11  }
0xbc: {  	s0 =	sor.u32 s1, s0  }
0xbd: {  	s0 =	sadd.s32 $0x8F2B, s0  }
0xbe: {  	[sflag:s0] =	ssyncadd.remote.s32 $0x1  }
0xbf: {  	_ =	sfence.sel $0xFFFF  }
0xc0: {  	[dreg:$0x0] =	wrdreg $0xFFFFFFFF;
	(pc) =	sbr.abs _section_cstart, $3  }
0xc1: {  	[dreg:$0x1] =	wrdreg $0xFFFFFFFF  }
0xc2: {  	_ =	task.clear_ibuf [dreg:s7], $0x2FFFF;
	_ =	strace $0x9FFFFFFF  }
0xc3: {  	(tm) =	ssettm $0x7FFFFFFF  }
tec
execute0_lowered:
.L_overlay_start_1:
0x0: {  	(tag) =	ssettag $0x1  }
0x1: {  	s5 =	rddreg [dreg:$0x0]  }
0x2: {  	s7 =	rddreg [dreg:$0x1]  }
0x3: {  	s2 =	rddreg [dreg:$0x2]  }
0x4: {  	s0 =	rddreg [dreg:$0x3]  }
0x5: {  	s3 =	simm.s32 $0x0;
	s1 =	stileid.u32;
	s4 =	srdreg.scid  }
0x6: {  	s13 =	simm.s32 $0x80;
	s14 =	simm.s32 $0x5280;
	s15 =	simm.s32 $0x1  }
0x7: {  	s16 =	simm.s32 $0x0;
	[smem:$0x7FF] =	sst s3;
	s8 =	smul.u32 $0xA00, s1  }
0x8: {  	s11 =	sand.u32 $0x1, s4;
	s12 =	smul.u32 $0x280, s1;
	s4 =	sadd.s32 $0xD400, s5  }
.Ltmp0:
0x9: {  	_ =	strace $0x80000047;
	s6 =	ssub.s32 $0x2, s11;
	(pc) =	sbr.rel .LBB2_1-.Ltmp0, $4  }
0xa: {  	p0 =	sne.s32 s11, $0x0;
	s11 =	simm.s32 $0x5000;
	s9 =	sadd.s32 s8, s5  }
0xb: {  	s10 =	sshrl.u32 s6, $0x1;
	s5 =	sadd.s32 $0xCE00, s5;
	s7 =	sadd.s32 s7, s8  }
0xc: {  	s8 =	sshrl.u32 s12, $0x3;
	s10 =	ssub.s32 s6, s10;
	s6 =	sadd.s32 s12, s2  }
0xd: {  	v0 =	vimm.f32 $0.0e+00;
	v1 =	vimm.f32 $1.000000000e+00;
	s9 =	sadd.s32 $0x2E00, s9;
	s12 =	simm.s32 $0x2;
	s10 =	smax.u32 s10, $0x1  }
.LBB2_7:
0xe: {  	s17 =	sshra.s32 s17, $0x2;
	[sflag:s15] =	ssyncadd.s32 $0xFFFFFF80  }
0xf: {  	[spmem:s2] =	stream.indirect.scatter.add.f32 [tilespmem:s14], [sflag:$0x1], $0x1, s17, s13, $0xb8;
	[tilespmem:$0x5580] =	vst v63  }
0x10: {  	s18 =	sadd.s32 $0x80, s17  }
0x11: {  	[spmem:s2] =	stream.indirect.scatter.add.f32 [tilespmem:s14], [sflag:$0x1], $0x1, s18, s13, $0xb8;
	[tilespmem:$0x5580] =	vst v63  }
0x12: {  	s26 =	sadd.s32 $0x100, s17  }
0x13: {  	[spmem:s2] =	stream.indirect.scatter.add.f32 [tilespmem:s14], [sflag:$0x1], $0x1, s26, s13, $0xb8;
	[tilespmem:$0x5580] =	vst v63  }
0x14: {  	s28 =	sadd.s32 $0x180, s17  }
0x15: {  	[spmem:s2] =	stream.indirect.scatter.add.f32 [tilespmem:s14], [sflag:$0x1], $0x1, s28, s13, $0xb8;
	[tilespmem:$0x5580] =	vst v63  }
0x16: {  	s29 =	sadd.s32 $0x200, s17  }
0x17: {  	[spmem:s2] =	stream.indirect.scatter.add.f32 [tilespmem:s14], [sflag:$0x1], $0x1, s29, s13, $0xb8;
	[tilespmem:$0x5580] =	vst v63  }
0x18: {  	s30 =	sadd.s32 $0x280, s17  }
0x19: {  	[spmem:s2] =	stream.indirect.scatter.add.f32 [tilespmem:s14], [sflag:$0x1], $0x1, s30, s13, $0xb8;
	[tilespmem:$0x5580] =	vst v63  }
0x1a: {  	s31 =	sadd.s32 $0x300, s17  }
0x1b: {  	[spmem:s2] =	stream.indirect.scatter.add.f32 [tilespmem:s14], [sflag:$0x1], $0x1, s31, s13, $0xb8;
	[tilespmem:$0x5580] =	vst v63  }
0x1c: {  	s17 =	sadd.s32 $0x380, s17  }
0x1d: {  	[spmem:s2] =	stream.indirect.scatter.add.f32 [tilespmem:s14], [sflag:$0x1], $0x1, s17, s13, $0xb8;
	[tilespmem:$0x5580] =	vst v63  }
0x1e: {  	_ =	swait.ge [sflag:s15], $0x80  }
0x1f: {  	[sflag:s15] =	ssyncset.done $0x0  }
0x20: {  	[sflag:s15] =	ssyncadd.s32 $0xFFFFFF80  }
0x21: {  	_ =	swait.ge [sflag:s15], $0x80  }
0x22: {  	[sflag:s15] =	ssyncset.done $0x0  }
0x23: {  	[sflag:s15] =	ssyncadd.s32 $0xFFFFFF80  }
0x24: {  	_ =	swait.ge [sflag:s15], $0x80  }
0x25: {  	[sflag:s15] =	ssyncset.done $0x0  }
0x26: {  	[sflag:s15] =	ssyncadd.s32 $0xFFFFFF80  }
0x27: {  	_ =	swait.ge [sflag:s15], $0x80  }
0x28: {  	[sflag:s15] =	ssyncset.done $0x0  }
0x29: {  	[sflag:s15] =	ssyncadd.s32 $0xFFFFFF80  }
0x2a: {  	_ =	swait.ge [sflag:s15], $0x80  }
0x2b: {  	[sflag:s15] =	ssyncset.done $0x0  }
0x2c: {  	[sflag:s15] =	ssyncadd.s32 $0xFFFFFF80  }
0x2d: {  	_ =	swait.ge [sflag:s15], $0x80  }
0x2e: {  	[sflag:s15] =	ssyncset.done $0x0  }
0x2f: {  	[sflag:s15] =	ssyncadd.s32 $0xFFFFFF80  }
0x30: {  	_ =	swait.ge [sflag:s15], $0x80  }
0x31: {  	[sflag:s15] =	ssyncset.done $0x0  }
0x32: {  	[sflag:s15] =	ssyncadd.s32 $0xFFFFFF80  }
0x33: {  	_ =	swait.ge [sflag:s15], $0x80  }
0x34: {  	[sflag:s15] =	ssyncset.done $0x0  }
0x35: {  	s17 =	smov.u32 s5;
	[sflag:s15] =	ssyncadd.s32 $0xFFFFFF80  }
.LBB2_8:
0x36: {  	[bflag:$0x0] =	sbarrier.arrive $0xFFFF  }
0x37: {  	[tilespmem:s11], [sflag:$0x2] =	stream.linear.gather [spmem:s6], $0x280, $0x38;
	[tilespmem:$0x5580] =	vst v63  }
0x38: {  	s16 =	sadd.s32 $0x1, s16;
	_ =	swait.ge [sflag:s12], $0x280  }
0x39: {  	p1 =	sne.s32 s16, s10;
	[sflag:s12] =	ssyncset.done $0x0  }
.Ltmp1:
0x3a: {  	s17 =	sadd.s32 s17, s8;
	[sflag:s12] =	ssyncadd.s32 $0xFFFFFD80;
	(pc) =	sbr.rel @!p1 .LBB2_9-.Ltmp1, $4  }
0x3b: {  	[hbm4b:s17+s3] =	stream.linear.scatter [tilespmem:s11], [sflag:$0x2], $0x280, $0x38;
	[tilespmem:$0x5580] =	vst v63  }
0x3c: {  	_ =	swait.ge [sflag:s12], $0x280  }
0x3d: {  	[sflag:s12] =	ssyncset.done $0x0  }
0x3e: {  	[sflag:s12] =	ssyncadd.s32 $0xFFFFFD80  }
.LBB2_1:
0x3f: {  	[tilespmem:$0x5000] =	vst v0  }
0x40: {  	[tilespmem:$0x5010] =	vst v0  }
0x41: {  	[tilespmem:$0x5020] =	vst v0  }
0x42: {  	[tilespmem:$0x5030] =	vst v0  }
0x43: {  	[tilespmem:$0x5040] =	vst v0  }
0x44: {  	[tilespmem:$0x5050] =	vst v0  }
0x45: {  	[tilespmem:$0x5060] =	vst v0  }
0x46: {  	[tilespmem:$0x5070] =	vst v0  }
0x47: {  	[tilespmem:$0x5080] =	vst v0  }
0x48: {  	[tilespmem:$0x5090] =	vst v0  }
0x49: {  	[tilespmem:$0x50A0] =	vst v0  }
0x4a: {  	[tilespmem:$0x50B0] =	vst v0  }
0x4b: {  	[tilespmem:$0x50C0] =	vst v0  }
0x4c: {  	[tilespmem:$0x50D0] =	vst v0  }
0x4d: {  	[tilespmem:$0x50E0] =	vst v0  }
0x4e: {  	[tilespmem:$0x50F0] =	vst v0  }
0x4f: {  	[tilespmem:$0x5100] =	vst v0  }
0x50: {  	[tilespmem:$0x5110] =	vst v0  }
0x51: {  	[tilespmem:$0x5120] =	vst v0  }
0x52: {  	[tilespmem:$0x5130] =	vst v0  }
0x53: {  	[tilespmem:$0x5140] =	vst v0  }
0x54: {  	[tilespmem:$0x5150] =	vst v0  }
0x55: {  	[tilespmem:$0x5160] =	vst v0  }
0x56: {  	[tilespmem:$0x5170] =	vst v0  }
0x57: {  	[tilespmem:$0x5180] =	vst v0  }
0x58: {  	[tilespmem:$0x5190] =	vst v0  }
0x59: {  	[tilespmem:$0x51A0] =	vst v0  }
0x5a: {  	[tilespmem:$0x51B0] =	vst v0  }
0x5b: {  	[tilespmem:$0x51C0] =	vst v0  }
0x5c: {  	[tilespmem:$0x51D0] =	vst v0  }
0x5d: {  	[tilespmem:$0x51E0] =	vst v0  }
0x5e: {  	[tilespmem:$0x51F0] =	vst v0  }
0x5f: {  	[tilespmem:$0x5200] =	vst v0  }
0x60: {  	[tilespmem:$0x5210] =	vst v0  }
0x61: {  	[tilespmem:$0x5220] =	vst v0  }
0x62: {  	[tilespmem:$0x5230] =	vst v0  }
0x63: {  	[tilespmem:$0x5240] =	vst v0  }
0x64: {  	[tilespmem:$0x5250] =	vst v0  }
0x65: {  	[tilespmem:$0x5260] =	vst v0  }
0x66: {  	[tilespmem:$0x5270] =	vst v0  }
0x67: {  	[tilespmem:$0x5280] =	vst v1  }
0x68: {  	[tilespmem:$0x5290] =	vst v1  }
0x69: {  	[tilespmem:$0x52A0] =	vst v1  }
0x6a: {  	[tilespmem:$0x52B0] =	vst v1  }
0x6b: {  	[tilespmem:$0x52C0] =	vst v1  }
0x6c: {  	[tilespmem:$0x52D0] =	vst v1  }
0x6d: {  	[tilespmem:$0x52E0] =	vst v1  }
0x6e: {  	[tilespmem:$0x52F0] =	vst v1  }
0x6f: {  	[spmem:s6] =	stream.linear.scatter [tilespmem:s11], [sflag:$0x2], $0x280, $0x38;
	[tilespmem:$0x5580] =	vst v63  }
.Ltmp2:
0x70: {  	_ =	swait.ge [sflag:s12], $0x280;
	(pc) =	sbr.rel @p0 .LBB2_5-.Ltmp2, $4  }
0x71: {  	[sflag:s12] =	ssyncset.done $0x0  }
0x72: {  	[sflag:s12] =	ssyncadd.s32 $0xFFFFFD80  }
0x73: {  	[bflag:$0x0] =	sbarrier.arrive $0xFFFF  }
0x74: {  	s17 =	simm.s32 $0x0  }
0x75: {  	[tilespmem:s17], [sflag:$0x2] =	stream.linear.gather [hbm4b:s9+s17], $0x5000, $0x38;
	[tilespmem:$0x5580] =	vst v63  }
0x76: {  	_ =	swait.ge [sflag:s12], $0x5000  }
0x77: {  	[sflag:s12] =	ssyncset.done $0x0  }
0x78: {  	s23 =	simm.s32 $0x0;
	[sflag:s12] =	ssyncadd.s32 $0xFFFFB000  }
0x79: {  	[spmem:s2] =	stream.indirect.scatter.add.f32 [tilespmem:s14], [sflag:$0x1], $0x1, s23, s13, $0xb8;
	[tilespmem:$0x5580] =	vst v63  }
0x7a: {  	s24 =	simm.s32 $0x80  }
0x7b: {  	[spmem:s2] =	stream.indirect.scatter.add.f32 [tilespmem:s14], [sflag:$0x1], $0x1, s24, s13, $0xb8;
	[tilespmem:$0x5580] =	vst v63  }
0x7c: {  	s25 =	simm.s32 $0x100  }
0x7d: {  	[spmem:s2] =	stream.indirect.scatter.add.f32 [tilespmem:s14], [sflag:$0x1], $0x1, s25, s13, $0xb8;
	[tilespmem:$0x5580] =	vst v63  }
0x7e: {  	s26 =	simm.s32 $0x180  }
0x7f: {  	[spmem:s2] =	stream.indirect.scatter.add.f32 [tilespmem:s14], [sflag:$0x1], $0x1, s26, s13, $0xb8;
	[tilespmem:$0x5580] =	vst v63  }
0x80: {  	s28 =	simm.s32 $0x200  }
0x81: {  	[spmem:s2] =	stream.indirect.scatter.add.f32 [tilespmem:s14], [sflag:$0x1], $0x1, s28, s13, $0xb8;
	[tilespmem:$0x5580] =	vst v63  }
0x82: {  	s29 =	simm.s32 $0x280  }
0x83: {  	[spmem:s2] =	stream.indirect.scatter.add.f32 [tilespmem:s14], [sflag:$0x1], $0x1, s29, s13, $0xb8;
	[tilespmem:$0x5580] =	vst v63  }
0x84: {  	s30 =	simm.s32 $0x300  }
0x85: {  	[spmem:s2] =	stream.indirect.scatter.add.f32 [tilespmem:s14], [sflag:$0x1], $0x1, s30, s13, $0xb8;
	[tilespmem:$0x5580] =	vst v63  }
0x86: {  	s31 =	simm.s32 $0x380  }
0x87: {  	[spmem:s2] =	stream.indirect.scatter.add.f32 [tilespmem:s14], [sflag:$0x1], $0x1, s31, s13, $0xb8;
	[tilespmem:$0x5580] =	vst v63  }
0x88: {  	_ =	swait.ge [sflag:s15], $0x80  }
0x89: {  	[sflag:s15] =	ssyncset.done $0x0  }
0x8a: {  	[sflag:s15] =	ssyncadd.s32 $0xFFFFFF80  }
0x8b: {  	_ =	swait.ge [sflag:s15], $0x80  }
0x8c: {  	[sflag:s15] =	ssyncset.done $0x0  }
0x8d: {  	[sflag:s15] =	ssyncadd.s32 $0xFFFFFF80  }
0x8e: {  	_ =	swait.ge [sflag:s15], $0x80  }
0x8f: {  	[sflag:s15] =	ssyncset.done $0x0  }
0x90: {  	[sflag:s15] =	ssyncadd.s32 $0xFFFFFF80  }
0x91: {  	_ =	swait.ge [sflag:s15], $0x80  }
0x92: {  	[sflag:s15] =	ssyncset.done $0x0  }
0x93: {  	[sflag:s15] =	ssyncadd.s32 $0xFFFFFF80  }
0x94: {  	_ =	swait.ge [sflag:s15], $0x80  }
0x95: {  	[sflag:s15] =	ssyncset.done $0x0  }
0x96: {  	[sflag:s15] =	ssyncadd.s32 $0xFFFFFF80  }
0x97: {  	_ =	swait.ge [sflag:s15], $0x80  }
0x98: {  	[sflag:s15] =	ssyncset.done $0x0  }
0x99: {  	[sflag:s15] =	ssyncadd.s32 $0xFFFFFF80  }
0x9a: {  	_ =	swait.ge [sflag:s15], $0x80  }
0x9b: {  	[sflag:s15] =	ssyncset.done $0x0  }
0x9c: {  	[sflag:s15] =	ssyncadd.s32 $0xFFFFFF80  }
0x9d: {  	_ =	swait.ge [sflag:s15], $0x80  }
0x9e: {  	s17 =	simm.s32 $0x1000;
	s19 =	simm.s32 $0x2000;
	[sflag:s15] =	ssyncset.done $0x0  }
.LBB2_3:
0x9f: {  	s20 =	sshra.s32 s17, $0x2  }
0xa0: {  	[sflag:s15] =	ssyncadd.s32 $0xFFFFFF80;
	s17 =	smov.u32 s19;
	s18 =	sadd.s32 $0x1000, s19  }
0xa1: {  	[spmem:s2] =	stream.indirect.scatter.add.f32 [tilespmem:s14], [sflag:$0x1], $0x1, s20, s13, $0xb8;
	[tilespmem:$0x5580] =	vst v63  }
0xa2: {  	p1 =	seq.s32 s19, $0x13000;
	s19 =	sadd.s32 $0x80, s20  }
0xa3: {  	[spmem:s2] =	stream.indirect.scatter.add.f32 [tilespmem:s14], [sflag:$0x1], $0x1, s19, s13, $0xb8;
	[tilespmem:$0x5580] =	vst v63  }
0xa4: {  	s19 =	sadd.s32 $0x100, s20  }
0xa5: {  	[spmem:s2] =	stream.indirect.scatter.add.f32 [tilespmem:s14], [sflag:$0x1], $0x1, s19, s13, $0xb8;
	[tilespmem:$0x5580] =	vst v63  }
0xa6: {  	s19 =	sadd.s32 $0x180, s20  }
0xa7: {  	[spmem:s2] =	stream.indirect.scatter.add.f32 [tilespmem:s14], [sflag:$0x1], $0x1, s19, s13, $0xb8;
	[tilespmem:$0x5580] =	vst v63  }
0xa8: {  	s19 =	sadd.s32 $0x200, s20  }
0xa9: {  	[spmem:s2] =	stream.indirect.scatter.add.f32 [tilespmem:s14], [sflag:$0x1], $0x1, s19, s13, $0xb8;
	[tilespmem:$0x5580] =	vst v63  }
0xaa: {  	s19 =	sadd.s32 $0x280, s20  }
0xab: {  	[spmem:s2] =	stream.indirect.scatter.add.f32 [tilespmem:s14], [sflag:$0x1], $0x1, s19, s13, $0xb8;
	[tilespmem:$0x5580] =	vst v63  }
0xac: {  	s19 =	sadd.s32 $0x300, s20  }
0xad: {  	[spmem:s2] =	stream.indirect.scatter.add.f32 [tilespmem:s14], [sflag:$0x1], $0x1, s19, s13, $0xb8;
	[tilespmem:$0x5580] =	vst v63  }
0xae: {  	s19 =	sadd.s32 $0x380, s20  }
0xaf: {  	[spmem:s2] =	stream.indirect.scatter.add.f32 [tilespmem:s14], [sflag:$0x1], $0x1, s19, s13, $0xb8;
	[tilespmem:$0x5580] =	vst v63  }
0xb0: {  	_ =	swait.ge [sflag:s15], $0x80  }
0xb1: {  	[sflag:s15] =	ssyncset.done $0x0  }
0xb2: {  	[sflag:s15] =	ssyncadd.s32 $0xFFFFFF80  }
0xb3: {  	_ =	swait.ge [sflag:s15], $0x80  }
0xb4: {  	[sflag:s15] =	ssyncset.done $0x0  }
0xb5: {  	[sflag:s15] =	ssyncadd.s32 $0xFFFFFF80  }
0xb6: {  	_ =	swait.ge [sflag:s15], $0x80  }
0xb7: {  	[sflag:s15] =	ssyncset.done $0x0  }
0xb8: {  	[sflag:s15] =	ssyncadd.s32 $0xFFFFFF80  }
0xb9: {  	_ =	swait.ge [sflag:s15], $0x80  }
0xba: {  	[sflag:s15] =	ssyncset.done $0x0  }
0xbb: {  	[sflag:s15] =	ssyncadd.s32 $0xFFFFFF80  }
0xbc: {  	_ =	swait.ge [sflag:s15], $0x80  }
0xbd: {  	[sflag:s15] =	ssyncset.done $0x0  }
0xbe: {  	[sflag:s15] =	ssyncadd.s32 $0xFFFFFF80  }
0xbf: {  	_ =	swait.ge [sflag:s15], $0x80  }
0xc0: {  	[sflag:s15] =	ssyncset.done $0x0  }
0xc1: {  	[sflag:s15] =	ssyncadd.s32 $0xFFFFFF80  }
.Ltmp3:
0xc2: {  	_ =	swait.ge [sflag:s15], $0x80;
	(pc) =	sbr.rel @!p1 .LBB2_3-.Ltmp3, $4  }
0xc3: {  	[sflag:s15] =	ssyncset.done $0x0  }
0xc4: {  	[sflag:s15] =	ssyncadd.s32 $0xFFFFFF80  }
0xc5: {  	_ =	swait.ge [sflag:s15], $0x80  }
0xc6: {  	s19 =	smov.u32 s18;
	[sflag:s15] =	ssyncset.done $0x0  }
0xc7: {  	s17 =	sshra.s32 s17, $0x2;
	[sflag:s15] =	ssyncadd.s32 $0xFFFFFF80  }
0xc8: {  	[spmem:s2] =	stream.indirect.scatter.add.f32 [tilespmem:s14], [sflag:$0x1], $0x1, s17, s13, $0xb8;
	[tilespmem:$0x5580] =	vst v63  }
0xc9: {  	s18 =	sadd.s32 $0x80, s17  }
0xca: {  	[spmem:s2] =	stream.indirect.scatter.add.f32 [tilespmem:s14], [sflag:$0x1], $0x1, s18, s13, $0xb8;
	[tilespmem:$0x5580] =	vst v63  }
0xcb: {  	s26 =	sadd.s32 $0x100, s17  }
0xcc: {  	[spmem:s2] =	stream.indirect.scatter.add.f32 [tilespmem:s14], [sflag:$0x1], $0x1, s26, s13, $0xb8;
	[tilespmem:$0x5580] =	vst v63  }
0xcd: {  	s28 =	sadd.s32 $0x180, s17  }
0xce: {  	[spmem:s2] =	stream.indirect.scatter.add.f32 [tilespmem:s14], [sflag:$0x1], $0x1, s28, s13, $0xb8;
	[tilespmem:$0x5580] =	vst v63  }
0xcf: {  	s29 =	sadd.s32 $0x200, s17  }
0xd0: {  	[spmem:s2] =	stream.indirect.scatter.add.f32 [tilespmem:s14], [sflag:$0x1], $0x1, s29, s13, $0xb8;
	[tilespmem:$0x5580] =	vst v63  }
0xd1: {  	s30 =	sadd.s32 $0x280, s17  }
0xd2: {  	[spmem:s2] =	stream.indirect.scatter.add.f32 [tilespmem:s14], [sflag:$0x1], $0x1, s30, s13, $0xb8;
	[tilespmem:$0x5580] =	vst v63  }
0xd3: {  	s31 =	sadd.s32 $0x300, s17  }
0xd4: {  	[spmem:s2] =	stream.indirect.scatter.add.f32 [tilespmem:s14], [sflag:$0x1], $0x1, s31, s13, $0xb8;
	[tilespmem:$0x5580] =	vst v63  }
0xd5: {  	s17 =	sadd.s32 $0x380, s17  }
0xd6: {  	[spmem:s2] =	stream.indirect.scatter.add.f32 [tilespmem:s14], [sflag:$0x1], $0x1, s17, s13, $0xb8;
	[tilespmem:$0x5580] =	vst v63  }
0xd7: {  	_ =	swait.ge [sflag:s15], $0x80  }
0xd8: {  	[sflag:s15] =	ssyncset.done $0x0  }
0xd9: {  	[sflag:s15] =	ssyncadd.s32 $0xFFFFFF80  }
0xda: {  	_ =	swait.ge [sflag:s15], $0x80  }
0xdb: {  	[sflag:s15] =	ssyncset.done $0x0  }
0xdc: {  	[sflag:s15] =	ssyncadd.s32 $0xFFFFFF80  }
0xdd: {  	_ =	swait.ge [sflag:s15], $0x80  }
0xde: {  	[sflag:s15] =	ssyncset.done $0x0  }
0xdf: {  	[sflag:s15] =	ssyncadd.s32 $0xFFFFFF80  }
0xe0: {  	_ =	swait.ge [sflag:s15], $0x80  }
0xe1: {  	[sflag:s15] =	ssyncset.done $0x0  }
0xe2: {  	[sflag:s15] =	ssyncadd.s32 $0xFFFFFF80  }
0xe3: {  	_ =	swait.ge [sflag:s15], $0x80  }
0xe4: {  	[sflag:s15] =	ssyncset.done $0x0  }
0xe5: {  	[sflag:s15] =	ssyncadd.s32 $0xFFFFFF80  }
0xe6: {  	_ =	swait.ge [sflag:s15], $0x80  }
0xe7: {  	[sflag:s15] =	ssyncset.done $0x0  }
0xe8: {  	[sflag:s15] =	ssyncadd.s32 $0xFFFFFF80  }
0xe9: {  	_ =	swait.ge [sflag:s15], $0x80  }
.Ltmp4:
0xea: {  	[sflag:s15] =	ssyncset.done $0x0;
	(pc) =	sbr.rel .LBB2_8-.Ltmp4, $4  }
0xeb: {  	[sflag:s15] =	ssyncadd.s32 $0xFFFFFF80  }
0xec: {  	_ =	swait.ge [sflag:s15], $0x80  }
0xed: {  	[sflag:s15] =	ssyncset.done $0x0  }
0xee: {  	s17 =	smov.u32 s4;
	[sflag:s15] =	ssyncadd.s32 $0xFFFFFF80  }
.LBB2_5:
0xef: {  	[tilespmem:s17], [sflag:$0x2] =	stream.linear.gather [hbm4b:s7+s17], $0x5000, $0x38;
	[tilespmem:$0x5580] =	vst v63  }
0xf0: {  	_ =	swait.ge [sflag:s12], $0x5000  }
0xf1: {  	[sflag:s12] =	ssyncset.done $0x0  }
0xf2: {  	s23 =	simm.s32 $0x0;
	[sflag:s12] =	ssyncadd.s32 $0xFFFFB000  }
0xf3: {  	[spmem:s2] =	stream.indirect.scatter.add.f32 [tilespmem:s14], [sflag:$0x1], $0x1, s23, s13, $0xb8;
	[tilespmem:$0x5580] =	vst v63  }
0xf4: {  	s24 =	simm.s32 $0x80  }
0xf5: {  	[spmem:s2] =	stream.indirect.scatter.add.f32 [tilespmem:s14], [sflag:$0x1], $0x1, s24, s13, $0xb8;
	[tilespmem:$0x5580] =	vst v63  }
0xf6: {  	s25 =	simm.s32 $0x100  }
0xf7: {  	[spmem:s2] =	stream.indirect.scatter.add.f32 [tilespmem:s14], [sflag:$0x1], $0x1, s25, s13, $0xb8;
	[tilespmem:$0x5580] =	vst v63  }
0xf8: {  	s26 =	simm.s32 $0x180  }
0xf9: {  	[spmem:s2] =	stream.indirect.scatter.add.f32 [tilespmem:s14], [sflag:$0x1], $0x1, s26, s13, $0xb8;
	[tilespmem:$0x5580] =	vst v63  }
0xfa: {  	s28 =	simm.s32 $0x200  }
0xfb: {  	[spmem:s2] =	stream.indirect.scatter.add.f32 [tilespmem:s14], [sflag:$0x1], $0x1, s28, s13, $0xb8;
	[tilespmem:$0x5580] =	vst v63  }
0xfc: {  	s29 =	simm.s32 $0x280  }
0xfd: {  	[spmem:s2] =	stream.indirect.scatter.add.f32 [tilespmem:s14], [sflag:$0x1], $0x1, s29, s13, $0xb8;
	[tilespmem:$0x5580] =	vst v63  }
0xfe: {  	s30 =	simm.s32 $0x300  }
0xff: {  	[spmem:s2] =	stream.indirect.scatter.add.f32 [tilespmem:s14], [sflag:$0x1], $0x1, s30, s13, $0xb8;
	[tilespmem:$0x5580] =	vst v63  }
0x100: {  	s31 =	simm.s32 $0x380  }
0x101: {  	[spmem:s2] =	stream.indirect.scatter.add.f32 [tilespmem:s14], [sflag:$0x1], $0x1, s31, s13, $0xb8;
	[tilespmem:$0x5580] =	vst v63  }
0x102: {  	_ =	swait.ge [sflag:s15], $0x80  }
0x103: {  	[sflag:s15] =	ssyncset.done $0x0  }
0x104: {  	[sflag:s15] =	ssyncadd.s32 $0xFFFFFF80  }
0x105: {  	_ =	swait.ge [sflag:s15], $0x80  }
0x106: {  	[sflag:s15] =	ssyncset.done $0x0  }
0x107: {  	[sflag:s15] =	ssyncadd.s32 $0xFFFFFF80  }
0x108: {  	_ =	swait.ge [sflag:s15], $0x80  }
0x109: {  	[sflag:s15] =	ssyncset.done $0x0  }
0x10a: {  	[sflag:s15] =	ssyncadd.s32 $0xFFFFFF80  }
0x10b: {  	_ =	swait.ge [sflag:s15], $0x80  }
0x10c: {  	[sflag:s15] =	ssyncset.done $0x0  }
0x10d: {  	[sflag:s15] =	ssyncadd.s32 $0xFFFFFF80  }
0x10e: {  	_ =	swait.ge [sflag:s15], $0x80  }
0x10f: {  	[sflag:s15] =	ssyncset.done $0x0  }
0x110: {  	[sflag:s15] =	ssyncadd.s32 $0xFFFFFF80  }
0x111: {  	_ =	swait.ge [sflag:s15], $0x80  }
0x112: {  	[sflag:s15] =	ssyncset.done $0x0  }
0x113: {  	[sflag:s15] =	ssyncadd.s32 $0xFFFFFF80  }
0x114: {  	_ =	swait.ge [sflag:s15], $0x80  }
0x115: {  	[sflag:s15] =	ssyncset.done $0x0  }
0x116: {  	[sflag:s15] =	ssyncadd.s32 $0xFFFFFF80  }
0x117: {  	_ =	swait.ge [sflag:s15], $0x80  }
0x118: {  	s17 =	simm.s32 $0x1000;
	s19 =	simm.s32 $0x2000;
	[sflag:s15] =	ssyncset.done $0x0  }
.LBB2_6:
0x119: {  	s20 =	sshra.s32 s17, $0x2  }
0x11a: {  	[sflag:s15] =	ssyncadd.s32 $0xFFFFFF80;
	s17 =	smov.u32 s19;
	s18 =	sadd.s32 $0x1000, s19  }
0x11b: {  	[spmem:s2] =	stream.indirect.scatter.add.f32 [tilespmem:s14], [sflag:$0x1], $0x1, s20, s13, $0xb8;
	[tilespmem:$0x5580] =	vst v63  }
0x11c: {  	p1 =	sne.s32 s19, $0x13000;
	s19 =	sadd.s32 $0x80, s20  }
0x11d: {  	[spmem:s2] =	stream.indirect.scatter.add.f32 [tilespmem:s14], [sflag:$0x1], $0x1, s19, s13, $0xb8;
	[tilespmem:$0x5580] =	vst v63  }
0x11e: {  	s19 =	sadd.s32 $0x100, s20  }
0x11f: {  	[spmem:s2] =	stream.indirect.scatter.add.f32 [tilespmem:s14], [sflag:$0x1], $0x1, s19, s13, $0xb8;
	[tilespmem:$0x5580] =	vst v63  }
0x120: {  	s19 =	sadd.s32 $0x180, s20  }
0x121: {  	[spmem:s2] =	stream.indirect.scatter.add.f32 [tilespmem:s14], [sflag:$0x1], $0x1, s19, s13, $0xb8;
	[tilespmem:$0x5580] =	vst v63  }
0x122: {  	s19 =	sadd.s32 $0x200, s20  }
0x123: {  	[spmem:s2] =	stream.indirect.scatter.add.f32 [tilespmem:s14], [sflag:$0x1], $0x1, s19, s13, $0xb8;
	[tilespmem:$0x5580] =	vst v63  }
0x124: {  	s19 =	sadd.s32 $0x280, s20  }
0x125: {  	[spmem:s2] =	stream.indirect.scatter.add.f32 [tilespmem:s14], [sflag:$0x1], $0x1, s19, s13, $0xb8;
	[tilespmem:$0x5580] =	vst v63  }
0x126: {  	s19 =	sadd.s32 $0x300, s20  }
0x127: {  	[spmem:s2] =	stream.indirect.scatter.add.f32 [tilespmem:s14], [sflag:$0x1], $0x1, s19, s13, $0xb8;
	[tilespmem:$0x5580] =	vst v63  }
0x128: {  	s19 =	sadd.s32 $0x380, s20  }
0x129: {  	[spmem:s2] =	stream.indirect.scatter.add.f32 [tilespmem:s14], [sflag:$0x1], $0x1, s19, s13, $0xb8;
	[tilespmem:$0x5580] =	vst v63  }
0x12a: {  	_ =	swait.ge [sflag:s15], $0x80  }
0x12b: {  	[sflag:s15] =	ssyncset.done $0x0  }
0x12c: {  	[sflag:s15] =	ssyncadd.s32 $0xFFFFFF80  }
0x12d: {  	_ =	swait.ge [sflag:s15], $0x80  }
0x12e: {  	[sflag:s15] =	ssyncset.done $0x0  }
0x12f: {  	[sflag:s15] =	ssyncadd.s32 $0xFFFFFF80  }
0x130: {  	_ =	swait.ge [sflag:s15], $0x80  }
0x131: {  	[sflag:s15] =	ssyncset.done $0x0  }
0x132: {  	[sflag:s15] =	ssyncadd.s32 $0xFFFFFF80  }
0x133: {  	_ =	swait.ge [sflag:s15], $0x80  }
0x134: {  	[sflag:s15] =	ssyncset.done $0x0  }
0x135: {  	[sflag:s15] =	ssyncadd.s32 $0xFFFFFF80  }
0x136: {  	_ =	swait.ge [sflag:s15], $0x80  }
0x137: {  	[sflag:s15] =	ssyncset.done $0x0  }
0x138: {  	[sflag:s15] =	ssyncadd.s32 $0xFFFFFF80  }
0x139: {  	_ =	swait.ge [sflag:s15], $0x80  }
0x13a: {  	[sflag:s15] =	ssyncset.done $0x0  }
0x13b: {  	[sflag:s15] =	ssyncadd.s32 $0xFFFFFF80  }
.Ltmp5:
0x13c: {  	_ =	swait.ge [sflag:s15], $0x80;
	(pc) =	sbr.rel @p1 .LBB2_6-.Ltmp5, $4  }
0x13d: {  	[sflag:s15] =	ssyncset.done $0x0  }
0x13e: {  	[sflag:s15] =	ssyncadd.s32 $0xFFFFFF80  }
0x13f: {  	_ =	swait.ge [sflag:s15], $0x80  }
0x140: {  	s19 =	smov.u32 s18;
	[sflag:s15] =	ssyncset.done $0x0  }
.Ltmp6:
0x141: {  	_ = 	snop;
	(pc) =	sbr.rel .LBB2_7-.Ltmp6, $1  }
0x142: {  	_ =	sdelay $0x3  }
.LBB2_9:
0x143: {  	_ =	sfence.sel $0x180000  }
0x144: {  	[bflag:$0x0] =	sbarrier.arrive $0xFFFF  }
0x145: {  	p0 =	sne.s32 s1, $0x0;
	_ =	strace $0x90000047  }
0x146: {  	s0 =	sadd.s32 @!p0 $0x100000, s0;
	[bflag:$0x2] =	sbarrier.arrive $0xFFFF  }
0x147: {  	[sflag:s0] =	ssyncadd.tile.s32 @!p0 $0x1;
	_ =	shalt  }
.Lfunc_end2:
_tile_overlayer_lowered:
.L_overlay_start_2:
0x148: {  	(tag) =	ssettag $0x2  }
0x149: {  	s0 =	rddreg [dreg:$0x0];
	s2 =	stileid.u32  }
0x14a: {  	s1 =	rddreg [dreg:$0x1];
	p0 =	sne.s32 s2, $0x0  }
0x14b: {  	s3 =	rddreg [dreg:$0x2];
	[bflag:$0x3] =	sbarrier.arrive $0xFFFF;
	s2 =	simm.s32 @!p0 $0x1C02  }
0x14c: {  	[timem:s3], [sflag:s2] =	dma.local @!p0 [hbm:s0], s1  }
0x14d: {  	s0 =	simm.s32 @!p0 $0x2  }
0x14e: {  	_ =	swait.ge @!p0 [sflag:s0], s1  }
0x14f: {  	s1 =	ssub.s32 @!p0 $0x0, s1;
	[sflag:s0] =	ssyncset.done @!p0 $0x0  }
0x150: {  	[sflag:s0] =	ssyncadd.s32 @!p0 s1  }
0x151: {  	[bflag:$0x3] =	sbarrier.arrive $0xFFFF  }
0x152: {  	_ =	shalt  }

</sc_bundles>
